<compile_context>
chip_gen: v7x
topology: tpu7x:2x2x1
jax: 0.10.2.dev20260603
libtpu: 0.0.44.dev20260713+nightly
codegen_flags: <defaults>
</compile_context>

<pallas_src>
import functools

import jax
import jax.numpy as jnp
from jax import lax
from jax.experimental import pallas as pl
from jax.experimental.pallas import tpu as pltpu
from jax.experimental.pallas import tpu_sc as plsc

N = 10000
E = 320000
D = 128
NS = 16
K = 80

EPT_AGG = E // NS
NCH = EPT_AGG // K
GSC = 50
NSC = NCH // GSC
R_CHUNK = 624
R_TAIL = N - 15 * R_CHUNK
R_TC = 2000

_mesh = plsc.VectorSubcoreMesh(core_axis_name="c", subcore_axis_name="s")


def _rowsplit_copy(copy_fn, s):
    @pl.when(s < 15)
    def _():
        copy_fn(s * R_CHUNK, R_CHUNK)

    @pl.when(s == 15)
    def _():
        copy_fn(15 * R_CHUNK, R_TAIL)


@functools.partial(
    pl.kernel,
    mesh=_mesh,
    compiler_params=pltpu.CompilerParams(needs_layout_passes=False),
    out_type=jax.ShapeDtypeStruct((2, 2, NS, N), jnp.float32),
    scratch_types=[pltpu.VMEM((EPT_AGG,), jnp.int32),
                   pltpu.VMEM((EPT_AGG,), jnp.int32),
                   pltpu.VMEM((N,), jnp.float32),
                   pltpu.VMEM((N,), jnp.float32)],
)
def _sc_degrees(src_hbm, dst_hbm, hist_hbm, sidx_v, didx_v, ho_v, hi_v):
    c = lax.axis_index("c")
    s = lax.axis_index("s")
    zeros16 = jnp.zeros((16,), jnp.float32)
    ones16 = jnp.ones((16,), jnp.float32)

    def zbody(i, carry):
        ho_v[pl.ds(i * 16, 16)] = zeros16
        hi_v[pl.ds(i * 16, 16)] = zeros16
        return carry

    lax.fori_loop(0, N // 16, zbody, None)
    pltpu.sync_copy(src_hbm.at[c, s], sidx_v)
    pltpu.sync_copy(dst_hbm.at[c, s], didx_v)

    def body(j, carry):
        plsc.addupdate_scatter(ho_v, [sidx_v[pl.ds(j * 16, 16)]], ones16)
        plsc.addupdate_scatter(hi_v, [didx_v[pl.ds(j * 16, 16)]], ones16)
        return carry

    lax.fori_loop(0, EPT_AGG // 16, body, None)
    pltpu.sync_copy(ho_v, hist_hbm.at[c, 0, s])
    pltpu.sync_copy(hi_v, hist_hbm.at[c, 1, s])


@functools.partial(
    pl.kernel,
    mesh=_mesh,
    out_type=jax.ShapeDtypeStruct((2 * N, D), jnp.float32),
    scratch_types=[pltpu.VMEM((GSC, K), jnp.int32),
                   pltpu.VMEM((GSC, K), jnp.int32),
                   pltpu.VMEM((K, D), jnp.float32),
                   pltpu.VMEM((K, D), jnp.float32),
                   pltpu.VMEM((K, D), jnp.float32),
                   pltpu.VMEM_SHARED((N, D), jnp.float32),
                   pltpu.SemaphoreType.DMA,
                   pltpu.SemaphoreType.DMA,
                   pltpu.SemaphoreType.DMA,
                   pltpu.SemaphoreType.DMA,
                   pltpu.SemaphoreType.DMA],
)
def _sc_aggregate(x_hbm, gsrc_hbm, sdst_hbm, out_hbm,
                  sidx_v, didx_v, rows0_v, rows1_v, rows2_v, acc,
                  sem0, sem1, sem2, ssem0, ssem1):
    c = lax.axis_index("c")
    s = lax.axis_index("s")
    rows = (rows0_v, rows1_v, rows2_v)
    sems = (sem0, sem1, sem2)
    ssems = (ssem0, ssem1)

    zeros16 = jnp.zeros((16,), jnp.float32)

    def zrow(i, carry):
        for l in range(D // 16):
            rows0_v[i, pl.ds(l * 16, 16)] = zeros16
        return carry

    lax.fori_loop(0, K, zrow, None)

    def zcopy(r0, nfull):
        def zc(i, carry):
            pltpu.sync_copy(rows0_v, acc.at[pl.ds(r0 + i * K, K)])
            return carry
        lax.fori_loop(0, nfull, zc, None)

    @pl.when(s < 15)
    def _():
        zcopy(s * R_CHUNK, 7)
        pltpu.sync_copy(rows0_v.at[pl.ds(0, R_CHUNK - 7 * K)],
                        acc.at[pl.ds(s * R_CHUNK + 7 * K, R_CHUNK - 7 * K)])

    @pl.when(s == 15)
    def _():
        zcopy(15 * R_CHUNK, R_TAIL // K)

    plsc.subcore_barrier()

    def gather(j, p):
        pltpu.async_copy(x_hbm.at[sidx_v.at[j]], rows[p], sems[p])

    def gather_wait(j, p):
        pltpu.make_async_copy(x_hbm.at[sidx_v.at[j]], rows[p], sems[p]).wait()

    def outer(g, carry):
        pltpu.sync_copy(gsrc_hbm.at[c, s, g], sidx_v)
        pltpu.sync_copy(sdst_hbm.at[c, s, g], didx_v)
        for p in range(2):
            gather(p, p)

        def body(j, carry2):
            for q in range(3):
                @pl.when((j >= 1) & ((j - 1) % 3 == q))
                def _(q=q):
                    pltpu.make_async_copy(rows[q], acc.at[didx_v.at[j - 1]],
                                          ssems[q % 2]).wait()

            for q in range(3):
                @pl.when((j + 2 < GSC) & ((j + 2) % 3 == q))
                def _(q=q):
                    gather(j + 2, q)

            for q in range(3):
                @pl.when(j % 3 == q)
                def _(q=q):
                    gather_wait(j, q)
                    pltpu.async_copy(rows[q], acc.at[didx_v.at[j]],
                                     ssems[q % 2], add=True)
            return carry2

        lax.fori_loop(0, GSC, body, None)
        for q in range(3):
            @pl.when((GSC - 1) % 3 == q)
            def _(q=q):
                pltpu.make_async_copy(rows[q], acc.at[didx_v.at[GSC - 1]],
                                      ssems[q % 2]).wait()
        return carry

    lax.fori_loop(0, NSC, outer, None)
    plsc.subcore_barrier()

    def writeout(r0, n):
        pltpu.sync_copy(acc.at[pl.ds(r0, n)],
                        out_hbm.at[pl.ds(c * N + r0, n)])

    _rowsplit_copy(writeout, s)


_NB = N // R_TC


def _deg_col(h_ref):
    return jnp.sum(h_ref[0, 0, :, :], axis=1, keepdims=True)


def _hist_spec(kind):
    return pl.BlockSpec((1, 1, R_TC, NS),
                        lambda i, kind=kind: (i // _NB, kind, i % _NB, 0))


def _tc_prescale_body(x_ref, ho_ref, o_ref):
    dinv = lax.rsqrt(jnp.maximum(_deg_col(ho_ref), 1.0))
    o_ref[:, :] = x_ref[:, :] * dinv


def _tc_prescale(x, hist):
    return pl.pallas_call(
        _tc_prescale_body,
        grid=((2 * N) // R_TC,),
        in_specs=[pl.BlockSpec((R_TC, D), lambda i: (i, 0)),
                  _hist_spec(0)],
        out_specs=pl.BlockSpec((R_TC, D), lambda i: (i, 0)),
        out_shape=jax.ShapeDtypeStruct((2 * N, D), jnp.float32),
    )(x, hist)


def _tc_mid_body(a_ref, hi_ref, ho_ref, w1_ref, b1_ref, w2_ref, o_ref):
    din = lax.rsqrt(jnp.maximum(_deg_col(hi_ref), 1.0))
    a = a_ref[:, :] * din
    h = jnp.dot(a, w1_ref[:, :], preferred_element_type=jnp.float32)
    h = jnp.maximum(h + b1_ref[:, :], 0.0)
    p = jnp.dot(h, w2_ref[:, :], preferred_element_type=jnp.float32)
    dout = lax.rsqrt(jnp.maximum(_deg_col(ho_ref), 1.0))
    o_ref[:, :] = p * dout


def _tc_mid(agg1, hist, W1, b1, W2):
    return pl.pallas_call(
        _tc_mid_body,
        grid=((2 * N) // R_TC,),
        in_specs=[pl.BlockSpec((R_TC, D), lambda i: (i, 0)),
                  _hist_spec(1),
                  _hist_spec(0),
                  pl.BlockSpec((D, 2 * D), lambda i: (0, 0)),
                  pl.BlockSpec((1, 2 * D), lambda i: (0, 0)),
                  pl.BlockSpec((2 * D, D), lambda i: (0, 0))],
        out_specs=pl.BlockSpec((R_TC, D), lambda i: (i, 0)),
        out_shape=jax.ShapeDtypeStruct((2 * N, D), jnp.float32),
    )(agg1, hist, hist, W1, b1, W2)


def _tc_final_body(a_ref, hi_ref, b2_ref, wp1_ref, bp1_ref, wp2_ref,
                   bp2_ref, o_ref):
    din = lax.rsqrt(jnp.maximum(_deg_col(hi_ref), 1.0))
    h2 = jnp.maximum(a_ref[:, :] * din + b2_ref[:, :], 0.0)
    t = jnp.dot(h2, wp1_ref[:, :], preferred_element_type=jnp.float32)
    t = t + bp1_ref[:, :]
    t = jnp.where(t > 0.0, t, jnp.exp(t) - 1.0)
    z = jnp.dot(t, wp2_ref[:, :], preferred_element_type=jnp.float32)
    o_ref[:, :] = z + bp2_ref[:, :]


def _tc_final(agg2, hist, b2, Wp1, bp1, Wp2, bp2):
    return pl.pallas_call(
        _tc_final_body,
        grid=((2 * N) // R_TC,),
        in_specs=[pl.BlockSpec((R_TC, D), lambda i: (i, 0)),
                  _hist_spec(1),
                  pl.BlockSpec((1, D), lambda i: (0, 0)),
                  pl.BlockSpec((D, D), lambda i: (0, 0)),
                  pl.BlockSpec((1, D), lambda i: (0, 0)),
                  pl.BlockSpec((D, D), lambda i: (0, 0)),
                  pl.BlockSpec((1, D), lambda i: (0, 0))],
        out_specs=pl.BlockSpec((R_TC, D), lambda i: (i, 0)),
        out_shape=jax.ShapeDtypeStruct((2 * N, D), jnp.float32),
    )(agg2, hist, b2, Wp1, bp1, Wp2, bp2)


def kernel(feat1, feat2, W1, b1, W2, b2, Wp1, bp1, Wp2, bp2,
           edge_index1, edge_index2):
    src1, dst1 = edge_index1[0], edge_index1[1]
    src2, dst2 = edge_index2[0], edge_index2[1]
    idx5 = (2, NS, NSC, GSC, K)
    gsrc = jnp.concatenate([src1, src2 + N]).reshape(idx5)
    ssrc = jnp.concatenate([src1, src2]).reshape(2, NS, EPT_AGG)
    sdst_flat = jnp.concatenate([dst1, dst2])
    sdst5 = sdst_flat.reshape(idx5)
    sdst3 = sdst_flat.reshape(2, NS, EPT_AGG)
    x_st = jnp.concatenate([feat1, feat2], axis=0)

    hist = jnp.transpose(_sc_degrees(ssrc, sdst3), (0, 1, 3, 2))
    x_scaled = _tc_prescale(x_st, hist)
    agg1 = _sc_aggregate(x_scaled, gsrc, sdst5)
    pre2 = _tc_mid(agg1, hist, W1, b1.reshape(1, -1), W2)
    agg2 = _sc_aggregate(pre2, gsrc, sdst5)
    z = _tc_final(agg2, hist, b2.reshape(1, -1), Wp1, bp1.reshape(1, -1),
                  Wp2, bp2.reshape(1, -1))
    return (z[:N], z[N:])

# --- scband reference (transcript-rebuilt; emitter-appended) ---
"""Pipeline reference for scband-grace-50070728737442 (READ-ONLY COPY).

The authoritative reference and input builder live on the scoring server;
editing this copy changes nothing except your own understanding.
"""

import jax, jax.numpy as jnp
import numpy as np

N = 10000
E = 320000
D_IN = 128
D_HID = 128  # hid_dim; GCN inner width is 2*D_HID
D_OUT = 128


def setup_inputs(seed: int = 0) -> dict:
    key = jax.random.key(seed)
    ks = jax.random.split(key, 14)
    feat1 = jax.random.normal(ks[0], (N, D_IN), dtype=jnp.float32)
    feat2 = jax.random.normal(ks[1], (N, D_IN), dtype=jnp.float32)
    edge_index1 = jax.random.randint(ks[2], (2, E), 0, N, dtype=jnp.int32)
    edge_index2 = jax.random.randint(ks[3], (2, E), 0, N, dtype=jnp.int32)
    # GCN encoder params: conv1 (D_IN -> 2*D_HID), conv2 (2*D_HID -> D_HID)
    W1 = jax.random.normal(ks[4], (D_IN, 2 * D_HID), dtype=jnp.float32) * 0.05
    b1 = jnp.zeros((2 * D_HID,), dtype=jnp.float32)
    W2 = jax.random.normal(ks[5], (2 * D_HID, D_HID), dtype=jnp.float32) * 0.05
    b2 = jnp.zeros((D_HID,), dtype=jnp.float32)
    # projection MLP: fc1 (D_HID -> D_OUT), fc2 (D_OUT -> D_HID)
    Wp1 = jax.random.normal(ks[6], (D_HID, D_OUT), dtype=jnp.float32) * 0.05
    bp1 = jnp.zeros((D_OUT,), dtype=jnp.float32)
    Wp2 = jax.random.normal(ks[7], (D_OUT, D_HID), dtype=jnp.float32) * 0.05
    bp2 = jnp.zeros((D_HID,), dtype=jnp.float32)
    return {"feat1": feat1, "feat2": feat2, "W1": W1, "b1": b1, "W2": W2,
            "b2": b2, "Wp1": Wp1, "bp1": bp1, "Wp2": Wp2, "bp2": bp2,
            "edge_index1": edge_index1, "edge_index2": edge_index2}


def gcn_conv(x, src, dst, W, b):
    # DGL GraphConv with norm='both': D_out^{-1/2} A^T D_in^{-1/2} style sym norm
    deg_out = jnp.clip(jnp.zeros((N,), x.dtype).at[src].add(1.0), 1.0, None)
    deg_in = jnp.clip(jnp.zeros((N,), x.dtype).at[dst].add(1.0), 1.0, None)
    x = x * (deg_out ** -0.5)[:, None]
    x = x @ W
    agg = jnp.zeros((N, x.shape[1]), x.dtype).at[dst].add(x[src])
    agg = agg * (deg_in ** -0.5)[:, None]
    return agg + b


def encoder(feat, src, dst, W1, b1, W2, b2):
    h = jax.nn.relu(gcn_conv(feat, src, dst, W1, b1))
    h = jax.nn.relu(gcn_conv(h, src, dst, W2, b2))
    return h


def proj(h, Wp1, bp1, Wp2, bp2):
    z = jax.nn.elu(h @ Wp1 + bp1)
    return z @ Wp2 + bp2


def reference(feat1, feat2, W1, b1, W2, b2, Wp1, bp1, Wp2, bp2,
              edge_index1, edge_index2):
    src1, dst1 = edge_index1[0], edge_index1[1]
    src2, dst2 = edge_index2[0], edge_index2[1]
    h1 = encoder(feat1, src1, dst1, W1, b1, W2, b2)
    h2 = encoder(feat2, src2, dst2, W1, b1, W2, b2)
    z1 = proj(h1, Wp1, bp1, Wp2, bp2)
    z2 = proj(h2, Wp1, bp1, Wp2, bp2)
    return (z1, z2)

if __name__ == "__main__":
    import jax
    _d = setup_inputs()
    print(jax.jit(kernel)(*tuple(_d.values())))

</pallas_src>

<mosaic_0001>
#map = affine_map<(d0, d1) -> (0, 0)>
#map1 = affine_map<(d0, d1) -> (0, 0, 0, 0, 0)>
module attributes {stable_mosaic.version = 14 : i64} {
  func.func @_sc_aggregate(%arg0: i32, %arg1: i32, %arg2: memref<20000x128xf32, #tpu.memory_space<hbm>>, %arg3: memref<2x16x5x50x80xi32, #tpu.memory_space<hbm>>, %arg4: memref<2x16x5x50x80xi32, #tpu.memory_space<hbm>>, %arg5: memref<20000x128xf32, #tpu.memory_space<hbm>>, %arg6: memref<50x80xi32, #tpu.memory_space<vmem>>, %arg7: memref<50x80xi32, #tpu.memory_space<vmem>>, %arg8: memref<80x128xf32, #tpu.memory_space<vmem>>, %arg9: memref<80x128xf32, #tpu.memory_space<vmem>>, %arg10: memref<80x128xf32, #tpu.memory_space<vmem>>, %arg11: memref<10000x128xf32, #tpu.memory_space<vmem_shared>>, %arg12: memref<!tpu.dma_semaphore, #tpu.memory_space<semaphore_mem>>, %arg13: memref<!tpu.dma_semaphore, #tpu.memory_space<semaphore_mem>>, %arg14: memref<!tpu.dma_semaphore, #tpu.memory_space<semaphore_mem>>, %arg15: memref<!tpu.dma_semaphore, #tpu.memory_space<semaphore_mem>>, %arg16: memref<!tpu.dma_semaphore, #tpu.memory_space<semaphore_mem>>) attributes {dimension_semantics = [#tpu.dimension_semantics<core_parallel>, #tpu.dimension_semantics<subcore_parallel>], iteration_bounds = array<i64: 2, 16>, scalar_prefetch = 0 : i64, scratch_operands = 11 : i64, tpu.core_type = #tpu.core_type<sc_vector_subcore>, window_params = [{transform_indices = #map}, {transform_indices = #map1}, {transform_indices = #map1}, {transform_indices = #map}]} {
    %broadcast_in_dim3A = arith.constant 0.000000e+00 : f32
    %broadcast_in_dim3A_0 = vector.broadcast %broadcast_in_dim3A : f32 to vector<16xf32>
    %scan3A = arith.constant 0 : i32
    %scan3A_1 = arith.constant 80 : i32
    %scan3A_2 = arith.addi %scan3A, %scan3A_1 : i32
    %scan3A_3 = arith.constant 1 : i32
    scf.for %scan3A_27 = %scan3A to %scan3A_2 step %scan3A_3  : i32 {
      %swap3A = arith.index_cast %scan3A_27 : i32 to index
      %swap3A_28 = arith.constant 0 : index
      %swap3A_29 = tpu.vector_load %arg8[%swap3A, %swap3A_28] {strides = array<i32>} : memref<80x128xf32, #tpu.memory_space<vmem>>, vector<1x16xf32>,
      %swap3A_30 = vector.shape_cast %swap3A_29 : vector<1x16xf32> to vector<16xf32>
      %swap3A_31 = vector.shape_cast %broadcast_in_dim3A_0 : vector<16xf32> to vector<1x16xf32>
      tpu.vector_store %arg8[%swap3A, %swap3A_28], %swap3A_31 {strides = array<i32>} : memref<80x128xf32, #tpu.memory_space<vmem>>, vector<1x16xf32>,
      %swap3A_32 = arith.index_cast %scan3A_27 : i32 to index
      %swap3A_33 = arith.constant 16 : index
      %swap3A_34 = tpu.vector_load %arg8[%swap3A_32, %swap3A_33] {strides = array<i32>} : memref<80x128xf32, #tpu.memory_space<vmem>>, vector<1x16xf32>,
      %swap3A_35 = vector.shape_cast %swap3A_34 : vector<1x16xf32> to vector<16xf32>
      %swap3A_36 = vector.shape_cast %broadcast_in_dim3A_0 : vector<16xf32> to vector<1x16xf32>
      tpu.vector_store %arg8[%swap3A_32, %swap3A_33], %swap3A_36 {strides = array<i32>} : memref<80x128xf32, #tpu.memory_space<vmem>>, vector<1x16xf32>,
      %swap3A_37 = arith.index_cast %scan3A_27 : i32 to index
      %swap3A_38 = arith.constant 32 : index
      %swap3A_39 = tpu.vector_load %arg8[%swap3A_37, %swap3A_38] {strides = array<i32>} : memref<80x128xf32, #tpu.memory_space<vmem>>, vector<1x16xf32>,
      %swap3A_40 = vector.shape_cast %swap3A_39 : vector<1x16xf32> to vector<16xf32>
      %swap3A_41 = vector.shape_cast %broadcast_in_dim3A_0 : vector<16xf32> to vector<1x16xf32>
      tpu.vector_store %arg8[%swap3A_37, %swap3A_38], %swap3A_41 {strides = array<i32>} : memref<80x128xf32, #tpu.memory_space<vmem>>, vector<1x16xf32>,
      %swap3A_42 = arith.index_cast %scan3A_27 : i32 to index
      %swap3A_43 = arith.constant 48 : index
      %swap3A_44 = tpu.vector_load %arg8[%swap3A_42, %swap3A_43] {strides = array<i32>} : memref<80x128xf32, #tpu.memory_space<vmem>>, vector<1x16xf32>,
      %swap3A_45 = vector.shape_cast %swap3A_44 : vector<1x16xf32> to vector<16xf32>
      %swap3A_46 = vector.shape_cast %broadcast_in_dim3A_0 : vector<16xf32> to vector<1x16xf32>
      tpu.vector_store %arg8[%swap3A_42, %swap3A_43], %swap3A_46 {strides = array<i32>} : memref<80x128xf32, #tpu.memory_space<vmem>>, vector<1x16xf32>,
      %swap3A_47 = arith.index_cast %scan3A_27 : i32 to index
      %swap3A_48 = arith.constant 64 : index
      %swap3A_49 = tpu.vector_load %arg8[%swap3A_47, %swap3A_48] {strides = array<i32>} : memref<80x128xf32, #tpu.memory_space<vmem>>, vector<1x16xf32>,
      %swap3A_50 = vector.shape_cast %swap3A_49 : vector<1x16xf32> to vector<16xf32>
      %swap3A_51 = vector.shape_cast %broadcast_in_dim3A_0 : vector<16xf32> to vector<1x16xf32>
      tpu.vector_store %arg8[%swap3A_47, %swap3A_48], %swap3A_51 {strides = array<i32>} : memref<80x128xf32, #tpu.memory_space<vmem>>, vector<1x16xf32>,
      %swap3A_52 = arith.index_cast %scan3A_27 : i32 to index
      %swap3A_53 = arith.constant 80 : index
      %swap3A_54 = tpu.vector_load %arg8[%swap3A_52, %swap3A_53] {strides = array<i32>} : memref<80x128xf32, #tpu.memory_space<vmem>>, vector<1x16xf32>,
      %swap3A_55 = vector.shape_cast %swap3A_54 : vector<1x16xf32> to vector<16xf32>
      %swap3A_56 = vector.shape_cast %broadcast_in_dim3A_0 : vector<16xf32> to vector<1x16xf32>
      tpu.vector_store %arg8[%swap3A_52, %swap3A_53], %swap3A_56 {strides = array<i32>} : memref<80x128xf32, #tpu.memory_space<vmem>>, vector<1x16xf32>,
      %swap3A_57 = arith.index_cast %scan3A_27 : i32 to index
      %swap3A_58 = arith.constant 96 : index
      %swap3A_59 = tpu.vector_load %arg8[%swap3A_57, %swap3A_58] {strides = array<i32>} : memref<80x128xf32, #tpu.memory_space<vmem>>, vector<1x16xf32>,
      %swap3A_60 = vector.shape_cast %swap3A_59 : vector<1x16xf32> to vector<16xf32>
      %swap3A_61 = vector.shape_cast %broadcast_in_dim3A_0 : vector<16xf32> to vector<1x16xf32>
      tpu.vector_store %arg8[%swap3A_57, %swap3A_58], %swap3A_61 {strides = array<i32>} : memref<80x128xf32, #tpu.memory_space<vmem>>, vector<1x16xf32>,
      %swap3A_62 = arith.index_cast %scan3A_27 : i32 to index
      %swap3A_63 = arith.constant 112 : index
      %swap3A_64 = tpu.vector_load %arg8[%swap3A_62, %swap3A_63] {strides = array<i32>} : memref<80x128xf32, #tpu.memory_space<vmem>>, vector<1x16xf32>,
      %swap3A_65 = vector.shape_cast %swap3A_64 : vector<1x16xf32> to vector<16xf32>
      %swap3A_66 = vector.shape_cast %broadcast_in_dim3A_0 : vector<16xf32> to vector<1x16xf32>
      tpu.vector_store %arg8[%swap3A_62, %swap3A_63], %swap3A_66 {strides = array<i32>} : memref<80x128xf32, #tpu.memory_space<vmem>>, vector<1x16xf32>,
    }
    %scan3A_4 = arith.constant 80 : i32
    %lt3A = arith.constant 15 : i32
    %lt3A_5 = arith.cmpi slt, %arg1, %lt3A : i32
    %convert_element_type3A = arith.extui %lt3A_5 : i1 to i32
    %cond3A = arith.constant 0 : i32
    %cond3A_6 = arith.cmpi ne, %convert_element_type3A, %cond3A : i32
    scf.if %cond3A_6 {
      %mul3A = arith.constant 624 : i32
      %mul3A_27 = arith.muli %arg1, %mul3A : i32
      %scan3A_28 = arith.constant 0 : i32
      %scan3A_29 = arith.constant 7 : i32
      %scan3A_30 = arith.addi %scan3A_28, %scan3A_29 : i32
      %scan3A_31 = arith.constant 1 : i32
      scf.for %scan3A_36 = %scan3A_28 to %scan3A_30 step %scan3A_31  : i32 {
        %mul3A_37 = arith.constant 80 : i32
        %mul3A_38 = arith.muli %scan3A_36, %mul3A_37 : i32
        %add3A_39 = arith.addi %mul3A_27, %mul3A_38 : i32
        "tpu.region"() ({
          %run_scoped3A = tpu.sem_alloc : memref<!tpu.dma_semaphore, #tpu.memory_space<semaphore_mem>>
          %dma_start3A = arith.constant 0 : i32
          %dma_start3A_40 = tpu.memref_slice %arg11[%add3A_39, %dma_start3A] : memref<10000x128xf32, #tpu.memory_space<vmem_shared>> -> memref<80x128xf32, #tpu.memory_space<vmem_shared>>
          %dma_start3A_41 = arith.constant 0 : i32
          %dma_start3A_42 = tpu.memref_slice %arg11[%add3A_39, %dma_start3A_41] : memref<10000x128xf32, #tpu.memory_space<vmem_shared>> -> memref<80x128xf32, #tpu.memory_space<vmem_shared>>
          tpu.enqueue_dma source(%arg8 : memref<80x128xf32, #tpu.memory_space<vmem>>) target(%dma_start3A_42 : memref<80x128xf32, #tpu.memory_space<vmem_shared>>) target_semaphore(%run_scoped3A : memref<!tpu.dma_semaphore, #tpu.memory_space<semaphore_mem>>)
          %dma_wait3A = arith.constant 0 : i32
          %dma_wait3A_43 = tpu.memref_slice %arg11[%add3A_39, %dma_wait3A] : memref<10000x128xf32, #tpu.memory_space<vmem_shared>> -> memref<80x128xf32, #tpu.memory_space<vmem_shared>>
          %dma_wait3A_44 = arith.constant 0 : i32
          %dma_wait3A_45 = tpu.memref_slice %arg11[%add3A_39, %dma_wait3A_44] : memref<10000x128xf32, #tpu.memory_space<vmem_shared>> -> memref<80x128xf32, #tpu.memory_space<vmem_shared>>
          tpu.wait_dma2 semaphore(%run_scoped3A : memref<!tpu.dma_semaphore, #tpu.memory_space<semaphore_mem>>) src(%arg8 : memref<80x128xf32, #tpu.memory_space<vmem>>) dst(%dma_wait3A_45 : memref<80x128xf32, #tpu.memory_space<vmem_shared>>)
          tpu.yield
        }) : () -> ()
      }
      %scan3A_32 = arith.constant 7 : i32
      %mul3A_33 = arith.constant 624 : i32
      %mul3A_34 = arith.muli %arg1, %mul3A_33 : i32
      %add3A = arith.constant 560 : i32
      %add3A_35 = arith.addi %mul3A_34, %add3A : i32
      "tpu.region"() ({
        %run_scoped3A = tpu.sem_alloc : memref<!tpu.dma_semaphore, #tpu.memory_space<semaphore_mem>>
        %dma_start3A = arith.constant 0 : i32
        %dma_start3A_36 = arith.constant 0 : i32
        %dma_start3A_37 = tpu.memref_slice %arg8[%dma_start3A, %dma_start3A_36] : memref<80x128xf32, #tpu.memory_space<vmem>> -> memref<64x128xf32, #tpu.memory_space<vmem>>
        %dma_start3A_38 = arith.constant 0 : i32
        %dma_start3A_39 = tpu.memref_slice %arg11[%add3A_35, %dma_start3A_38] : memref<10000x128xf32, #tpu.memory_space<vmem_shared>> -> memref<64x128xf32, #tpu.memory_space<vmem_shared>>
        %dma_start3A_40 = arith.constant 0 : i32
        %dma_start3A_41 = tpu.memref_slice %arg11[%add3A_35, %dma_start3A_40] : memref<10000x128xf32, #tpu.memory_space<vmem_shared>> -> memref<64x128xf32, #tpu.memory_space<vmem_shared>>
        %dma_start3A_42 = arith.constant 0 : i32
        %dma_start3A_43 = arith.constant 0 : i32
        %dma_start3A_44 = tpu.memref_slice %arg8[%dma_start3A_42, %dma_start3A_43] : memref<80x128xf32, #tpu.memory_space<vmem>> -> memref<64x128xf32, #tpu.memory_space<vmem>>
        tpu.enqueue_dma source(%dma_start3A_44 : memref<64x128xf32, #tpu.memory_space<vmem>>) target(%dma_start3A_41 : memref<64x128xf32, #tpu.memory_space<vmem_shared>>) target_semaphore(%run_scoped3A : memref<!tpu.dma_semaphore, #tpu.memory_space<semaphore_mem>>)
        %dma_wait3A = arith.constant 0 : i32
        %dma_wait3A_45 = arith.constant 0 : i32
        %dma_wait3A_46 = tpu.memref_slice %arg8[%dma_wait3A, %dma_wait3A_45] : memref<80x128xf32, #tpu.memory_space<vmem>> -> memref<64x128xf32, #tpu.memory_space<vmem>>
        %dma_wait3A_47 = arith.constant 0 : i32
        %dma_wait3A_48 = tpu.memref_slice %arg11[%add3A_35, %dma_wait3A_47] : memref<10000x128xf32, #tpu.memory_space<vmem_shared>> -> memref<64x128xf32, #tpu.memory_space<vmem_shared>>
        %dma_wait3A_49 = arith.constant 0 : i32
        %dma_wait3A_50 = tpu.memref_slice %arg11[%add3A_35, %dma_wait3A_49] : memref<10000x128xf32, #tpu.memory_space<vmem_shared>> -> memref<64x128xf32, #tpu.memory_space<vmem_shared>>
        %dma_wait3A_51 = arith.constant 0 : i32
        %dma_wait3A_52 = arith.constant 0 : i32
        %dma_wait3A_53 = tpu.memref_slice %arg8[%dma_wait3A_51, %dma_wait3A_52] : memref<80x128xf32, #tpu.memory_space<vmem>> -> memref<64x128xf32, #tpu.memory_space<vmem>>
        tpu.wait_dma2 semaphore(%run_scoped3A : memref<!tpu.dma_semaphore, #tpu.memory_space<semaphore_mem>>) src(%dma_wait3A_53 : memref<64x128xf32, #tpu.memory_space<vmem>>) dst(%dma_wait3A_50 : memref<64x128xf32, #tpu.memory_space<vmem_shared>>)
        tpu.yield
      }) : () -> ()
    } else {
    }
    %eq3A = arith.constant 15 : i32
    %eq3A_7 = arith.cmpi eq, %arg1, %eq3A : i32
    %convert_element_type3A_8 = arith.extui %eq3A_7 : i1 to i32
    %cond3A_9 = arith.constant 0 : i32
    %cond3A_10 = arith.cmpi ne, %convert_element_type3A_8, %cond3A_9 : i32
    scf.if %cond3A_10 {
      %scan3A_27 = arith.constant 0 : i32
      %scan3A_28 = arith.constant 8 : i32
      %scan3A_29 = arith.addi %scan3A_27, %scan3A_28 : i32
      %scan3A_30 = arith.constant 1 : i32
      scf.for %scan3A_32 = %scan3A_27 to %scan3A_29 step %scan3A_30  : i32 {
        %mul3A = arith.constant 80 : i32
        %mul3A_33 = arith.muli %scan3A_32, %mul3A : i32
        %add3A = arith.constant 9360 : i32
        %add3A_34 = arith.addi %add3A, %mul3A_33 : i32
        "tpu.region"() ({
          %run_scoped3A = tpu.sem_alloc : memref<!tpu.dma_semaphore, #tpu.memory_space<semaphore_mem>>
          %dma_start3A = arith.constant 0 : i32
          %dma_start3A_35 = tpu.memref_slice %arg11[%add3A_34, %dma_start3A] : memref<10000x128xf32, #tpu.memory_space<vmem_shared>> -> memref<80x128xf32, #tpu.memory_space<vmem_shared>>
          %dma_start3A_36 = arith.constant 0 : i32
          %dma_start3A_37 = tpu.memref_slice %arg11[%add3A_34, %dma_start3A_36] : memref<10000x128xf32, #tpu.memory_space<vmem_shared>> -> memref<80x128xf32, #tpu.memory_space<vmem_shared>>
          tpu.enqueue_dma source(%arg8 : memref<80x128xf32, #tpu.memory_space<vmem>>) target(%dma_start3A_37 : memref<80x128xf32, #tpu.memory_space<vmem_shared>>) target_semaphore(%run_scoped3A : memref<!tpu.dma_semaphore, #tpu.memory_space<semaphore_mem>>)
          %dma_wait3A = arith.constant 0 : i32
          %dma_wait3A_38 = tpu.memref_slice %arg11[%add3A_34, %dma_wait3A] : memref<10000x128xf32, #tpu.memory_space<vmem_shared>> -> memref<80x128xf32, #tpu.memory_space<vmem_shared>>
          %dma_wait3A_39 = arith.constant 0 : i32
          %dma_wait3A_40 = tpu.memref_slice %arg11[%add3A_34, %dma_wait3A_39] : memref<10000x128xf32, #tpu.memory_space<vmem_shared>> -> memref<80x128xf32, #tpu.memory_space<vmem_shared>>
          tpu.wait_dma2 semaphore(%run_scoped3A : memref<!tpu.dma_semaphore, #tpu.memory_space<semaphore_mem>>) src(%arg8 : memref<80x128xf32, #tpu.memory_space<vmem>>) dst(%dma_wait3A_40 : memref<80x128xf32, #tpu.memory_space<vmem_shared>>)
          tpu.yield
        }) : () -> ()
      }
      %scan3A_31 = arith.constant 8 : i32
    } else {
    }
    %barrier3A = arith.constant 0 : index
    tpu.barrier barrier_id(%barrier3A)
    %scan3A_11 = arith.constant 0 : i32
    %scan3A_12 = arith.constant 5 : i32
    %scan3A_13 = arith.addi %scan3A_11, %scan3A_12 : i32
    %scan3A_14 = arith.constant 1 : i32
    scf.for %scan3A_27 = %scan3A_11 to %scan3A_13 step %scan3A_14  : i32 {
      "tpu.region"() ({
        %run_scoped3A = tpu.sem_alloc : memref<!tpu.dma_semaphore, #tpu.memory_space<semaphore_mem>>
        %dma_start3A_52 = arith.constant 0 : i32
        %dma_start3A_53 = arith.constant 0 : i32
        %dma_start3A_54 = tpu.memref_slice %arg3[%arg0, %arg1, %scan3A_27, %dma_start3A_52, %dma_start3A_53] : memref<2x16x5x50x80xi32, #tpu.memory_space<hbm>> -> memref<1x1x1x50x80xi32, #tpu.memory_space<hbm>>
        %dma_start3A_55 = tpu.memref_squeeze %dma_start3A_54 : memref<1x1x1x50x80xi32, #tpu.memory_space<hbm>> -> memref<50x80xi32, #tpu.memory_space<hbm>>
        %dma_start3A_56 = arith.constant 0 : i32
        %dma_start3A_57 = arith.constant 0 : i32
        %dma_start3A_58 = tpu.memref_slice %arg3[%arg0, %arg1, %scan3A_27, %dma_start3A_56, %dma_start3A_57] : memref<2x16x5x50x80xi32, #tpu.memory_space<hbm>> -> memref<1x1x1x50x80xi32, #tpu.memory_space<hbm>>
        %dma_start3A_59 = tpu.memref_squeeze %dma_start3A_58 : memref<1x1x1x50x80xi32, #tpu.memory_space<hbm>> -> memref<50x80xi32, #tpu.memory_space<hbm>>
        tpu.enqueue_dma source(%dma_start3A_59 : memref<50x80xi32, #tpu.memory_space<hbm>>) target(%arg6 : memref<50x80xi32, #tpu.memory_space<vmem>>) target_semaphore(%run_scoped3A : memref<!tpu.dma_semaphore, #tpu.memory_space<semaphore_mem>>)
        %dma_wait3A_60 = arith.constant 0 : i32
        %dma_wait3A_61 = arith.constant 0 : i32
        %dma_wait3A_62 = tpu.memref_slice %arg3[%arg0, %arg1, %scan3A_27, %dma_wait3A_60, %dma_wait3A_61] : memref<2x16x5x50x80xi32, #tpu.memory_space<hbm>> -> memref<1x1x1x50x80xi32, #tpu.memory_space<hbm>>
        %dma_wait3A_63 = tpu.memref_squeeze %dma_wait3A_62 : memref<1x1x1x50x80xi32, #tpu.memory_space<hbm>> -> memref<50x80xi32, #tpu.memory_space<hbm>>
        %dma_wait3A_64 = arith.constant 0 : i32
        %dma_wait3A_65 = arith.constant 0 : i32
        %dma_wait3A_66 = tpu.memref_slice %arg3[%arg0, %arg1, %scan3A_27, %dma_wait3A_64, %dma_wait3A_65] : memref<2x16x5x50x80xi32, #tpu.memory_space<hbm>> -> memref<1x1x1x50x80xi32, #tpu.memory_space<hbm>>
        %dma_wait3A_67 = tpu.memref_squeeze %dma_wait3A_66 : memref<1x1x1x50x80xi32, #tpu.memory_space<hbm>> -> memref<50x80xi32, #tpu.memory_space<hbm>>
        tpu.wait_dma2 semaphore(%run_scoped3A : memref<!tpu.dma_semaphore, #tpu.memory_space<semaphore_mem>>) src(%dma_wait3A_67 : memref<50x80xi32, #tpu.memory_space<hbm>>) dst(%arg6 : memref<50x80xi32, #tpu.memory_space<vmem>>)
        tpu.yield
      }) : () -> ()
      "tpu.region"() ({
        %run_scoped3A = tpu.sem_alloc : memref<!tpu.dma_semaphore, #tpu.memory_space<semaphore_mem>>
        %dma_start3A_52 = arith.constant 0 : i32
        %dma_start3A_53 = arith.constant 0 : i32
        %dma_start3A_54 = tpu.memref_slice %arg4[%arg0, %arg1, %scan3A_27, %dma_start3A_52, %dma_start3A_53] : memref<2x16x5x50x80xi32, #tpu.memory_space<hbm>> -> memref<1x1x1x50x80xi32, #tpu.memory_space<hbm>>
        %dma_start3A_55 = tpu.memref_squeeze %dma_start3A_54 : memref<1x1x1x50x80xi32, #tpu.memory_space<hbm>> -> memref<50x80xi32, #tpu.memory_space<hbm>>
        %dma_start3A_56 = arith.constant 0 : i32
        %dma_start3A_57 = arith.constant 0 : i32
        %dma_start3A_58 = tpu.memref_slice %arg4[%arg0, %arg1, %scan3A_27, %dma_start3A_56, %dma_start3A_57] : memref<2x16x5x50x80xi32, #tpu.memory_space<hbm>> -> memref<1x1x1x50x80xi32, #tpu.memory_space<hbm>>
        %dma_start3A_59 = tpu.memref_squeeze %dma_start3A_58 : memref<1x1x1x50x80xi32, #tpu.memory_space<hbm>> -> memref<50x80xi32, #tpu.memory_space<hbm>>
        tpu.enqueue_dma source(%dma_start3A_59 : memref<50x80xi32, #tpu.memory_space<hbm>>) target(%arg7 : memref<50x80xi32, #tpu.memory_space<vmem>>) target_semaphore(%run_scoped3A : memref<!tpu.dma_semaphore, #tpu.memory_space<semaphore_mem>>)
        %dma_wait3A_60 = arith.constant 0 : i32
        %dma_wait3A_61 = arith.constant 0 : i32
        %dma_wait3A_62 = tpu.memref_slice %arg4[%arg0, %arg1, %scan3A_27, %dma_wait3A_60, %dma_wait3A_61] : memref<2x16x5x50x80xi32, #tpu.memory_space<hbm>> -> memref<1x1x1x50x80xi32, #tpu.memory_space<hbm>>
        %dma_wait3A_63 = tpu.memref_squeeze %dma_wait3A_62 : memref<1x1x1x50x80xi32, #tpu.memory_space<hbm>> -> memref<50x80xi32, #tpu.memory_space<hbm>>
        %dma_wait3A_64 = arith.constant 0 : i32
        %dma_wait3A_65 = arith.constant 0 : i32
        %dma_wait3A_66 = tpu.memref_slice %arg4[%arg0, %arg1, %scan3A_27, %dma_wait3A_64, %dma_wait3A_65] : memref<2x16x5x50x80xi32, #tpu.memory_space<hbm>> -> memref<1x1x1x50x80xi32, #tpu.memory_space<hbm>>
        %dma_wait3A_67 = tpu.memref_squeeze %dma_wait3A_66 : memref<1x1x1x50x80xi32, #tpu.memory_space<hbm>> -> memref<50x80xi32, #tpu.memory_space<hbm>>
        tpu.wait_dma2 semaphore(%run_scoped3A : memref<!tpu.dma_semaphore, #tpu.memory_space<semaphore_mem>>) src(%dma_wait3A_67 : memref<50x80xi32, #tpu.memory_space<hbm>>) dst(%arg7 : memref<50x80xi32, #tpu.memory_space<vmem>>)
        tpu.yield
      }) : () -> ()
      %dma_start3A = arith.constant 0 : i32
      %dma_start3A_28 = arith.constant 0 : i32
      %dma_start3A_29 = tpu.memref_slice %arg6[%dma_start3A, %dma_start3A_28] : memref<50x80xi32, #tpu.memory_space<vmem>> -> memref<1x80xi32, #tpu.memory_space<vmem>>
      %dma_start3A_30 = tpu.memref_squeeze %dma_start3A_29 : memref<1x80xi32, #tpu.memory_space<vmem>> -> memref<80xi32, #tpu.memory_space<vmem>>
      %dma_start3A_31 = arith.constant 0 : i32
      %dma_start3A_32 = arith.constant 0 : i32
      %dma_start3A_33 = tpu.memref_slice %arg2[%dma_start3A_31, %dma_start3A_32] : memref<20000x128xf32, #tpu.memory_space<hbm>> -> memref<20000x128xf32, #tpu.memory_space<hbm>>
      tpu.enqueue_indirect_dma source(%dma_start3A_33 : memref<20000x128xf32, #tpu.memory_space<hbm>>) target(%arg8 : memref<80x128xf32, #tpu.memory_space<vmem>>) offsets(%dma_start3A_30 : memref<80xi32, #tpu.memory_space<vmem>>) semaphore(%arg12 : memref<!tpu.dma_semaphore, #tpu.memory_space<semaphore_mem>>)
      %dma_start3A_34 = arith.constant 1 : i32
      %dma_start3A_35 = arith.constant 0 : i32
      %dma_start3A_36 = tpu.memref_slice %arg6[%dma_start3A_34, %dma_start3A_35] : memref<50x80xi32, #tpu.memory_space<vmem>> -> memref<1x80xi32, #tpu.memory_space<vmem>>
      %dma_start3A_37 = tpu.memref_squeeze %dma_start3A_36 : memref<1x80xi32, #tpu.memory_space<vmem>> -> memref<80xi32, #tpu.memory_space<vmem>>
      %dma_start3A_38 = arith.constant 0 : i32
      %dma_start3A_39 = arith.constant 0 : i32
      %dma_start3A_40 = tpu.memref_slice %arg2[%dma_start3A_38, %dma_start3A_39] : memref<20000x128xf32, #tpu.memory_space<hbm>> -> memref<20000x128xf32, #tpu.memory_space<hbm>>
      tpu.enqueue_indirect_dma source(%dma_start3A_40 : memref<20000x128xf32, #tpu.memory_space<hbm>>) target(%arg9 : memref<80x128xf32, #tpu.memory_space<vmem>>) offsets(%dma_start3A_37 : memref<80xi32, #tpu.memory_space<vmem>>) semaphore(%arg13 : memref<!tpu.dma_semaphore, #tpu.memory_space<semaphore_mem>>)
      %scan3A_41 = arith.constant 0 : i32
      %scan3A_42 = arith.constant 50 : i32
      %scan3A_43 = arith.addi %scan3A_41, %scan3A_42 : i32
      %scan3A_44 = arith.constant 1 : i32
      scf.for %scan3A_52 = %scan3A_41 to %scan3A_43 step %scan3A_44  : i32 {
        %ge3A = arith.constant 1 : i32
        %ge3A_53 = arith.cmpi sge, %scan3A_52, %ge3A : i32
        %sub3A = arith.constant 1 : i32
        %sub3A_54 = arith.subi %scan3A_52, %sub3A : i32
        %jit3A = arith.constant 3 : i32
        %eq3A_55 = arith.constant 0 : i32
        %eq3A_56 = arith.cmpi eq, %jit3A, %eq3A_55 : i32
        %jit3A_57 = arith.constant 1 : i32
        %select_n3A = arith.select %eq3A_56, %jit3A_57, %jit3A : i32
        %rem3A = arith.remsi %sub3A_54, %select_n3A : i32
        %ne3A = arith.constant 0 : i32
        %ne3A_58 = arith.cmpi ne, %rem3A, %ne3A : i32
        %lt3A_59 = arith.constant 0 : i32
        %lt3A_60 = arith.cmpi slt, %rem3A, %lt3A_59 : i32
        %lt3A_61 = arith.constant 0 : i32
        %lt3A_62 = arith.cmpi slt, %select_n3A, %lt3A_61 : i32
        %ne3A_63 = arith.xori %lt3A_60, %lt3A_62 : i1
        %and3A = arith.andi %ne3A_63, %ne3A_58 : i1
        %add3A = arith.addi %rem3A, %select_n3A : i32
        %select_n3A_64 = arith.select %and3A, %add3A, %rem3A : i32
        %eq3A_65 = arith.constant 0 : i32
        %eq3A_66 = arith.cmpi eq, %select_n3A_64, %eq3A_65 : i32
        %and3A_67 = arith.andi %ge3A_53, %eq3A_66 : i1
        %convert_element_type3A_68 = arith.extui %and3A_67 : i1 to i32
        %cond3A_69 = arith.constant 0 : i32
        %cond3A_70 = arith.cmpi ne, %convert_element_type3A_68, %cond3A_69 : i32
        scf.if %cond3A_70 {
          %sub3A_270 = arith.constant 1 : i32
          %sub3A_271 = arith.subi %scan3A_52, %sub3A_270 : i32
          %dma_wait3A_272 = arith.constant 0 : i32
          %dma_wait3A_273 = tpu.memref_slice %arg7[%sub3A_271, %dma_wait3A_272] : memref<50x80xi32, #tpu.memory_space<vmem>> -> memref<1x80xi32, #tpu.memory_space<vmem>>
          %dma_wait3A_274 = tpu.memref_squeeze %dma_wait3A_273 : memref<1x80xi32, #tpu.memory_space<vmem>> -> memref<80xi32, #tpu.memory_space<vmem>>
          %dma_wait3A_275 = arith.constant 0 : i32
          %dma_wait3A_276 = arith.constant 0 : i32
          %dma_wait3A_277 = tpu.memref_slice %arg11[%dma_wait3A_275, %dma_wait3A_276] : memref<10000x128xf32, #tpu.memory_space<vmem_shared>> -> memref<10000x128xf32, #tpu.memory_space<vmem_shared>>
          tpu.wait_indirect_dma semaphore(%arg15 : memref<!tpu.dma_semaphore, #tpu.memory_space<semaphore_mem>>) src(%arg8 : memref<80x128xf32, #tpu.memory_space<vmem>>) dst(%dma_wait3A_277 : memref<10000x128xf32, #tpu.memory_space<vmem_shared>>)
        } else {
        }
        %ge3A_71 = arith.constant 1 : i32
        %ge3A_72 = arith.cmpi sge, %scan3A_52, %ge3A_71 : i32
        %sub3A_73 = arith.constant 1 : i32
        %sub3A_74 = arith.subi %scan3A_52, %sub3A_73 : i32
        %jit3A_75 = arith.constant 3 : i32
        %eq3A_76 = arith.constant 0 : i32
        %eq3A_77 = arith.cmpi eq, %jit3A_75, %eq3A_76 : i32
        %jit3A_78 = arith.constant 1 : i32
        %select_n3A_79 = arith.select %eq3A_77, %jit3A_78, %jit3A_75 : i32
        %rem3A_80 = arith.remsi %sub3A_74, %select_n3A_79 : i32
        %ne3A_81 = arith.constant 0 : i32
        %ne3A_82 = arith.cmpi ne, %rem3A_80, %ne3A_81 : i32
        %lt3A_83 = arith.constant 0 : i32
        %lt3A_84 = arith.cmpi slt, %rem3A_80, %lt3A_83 : i32
        %lt3A_85 = arith.constant 0 : i32
        %lt3A_86 = arith.cmpi slt, %select_n3A_79, %lt3A_85 : i32
        %ne3A_87 = arith.xori %lt3A_84, %lt3A_86 : i1
        %and3A_88 = arith.andi %ne3A_87, %ne3A_82 : i1
        %add3A_89 = arith.addi %rem3A_80, %select_n3A_79 : i32
        %select_n3A_90 = arith.select %and3A_88, %add3A_89, %rem3A_80 : i32
        %eq3A_91 = arith.constant 1 : i32
        %eq3A_92 = arith.cmpi eq, %select_n3A_90, %eq3A_91 : i32
        %and3A_93 = arith.andi %ge3A_72, %eq3A_92 : i1
        %convert_element_type3A_94 = arith.extui %and3A_93 : i1 to i32
        %cond3A_95 = arith.constant 0 : i32
        %cond3A_96 = arith.cmpi ne, %convert_element_type3A_94, %cond3A_95 : i32
        scf.if %cond3A_96 {
          %sub3A_270 = arith.constant 1 : i32
          %sub3A_271 = arith.subi %scan3A_52, %sub3A_270 : i32
          %dma_wait3A_272 = arith.constant 0 : i32
          %dma_wait3A_273 = tpu.memref_slice %arg7[%sub3A_271, %dma_wait3A_272] : memref<50x80xi32, #tpu.memory_space<vmem>> -> memref<1x80xi32, #tpu.memory_space<vmem>>
          %dma_wait3A_274 = tpu.memref_squeeze %dma_wait3A_273 : memref<1x80xi32, #tpu.memory_space<vmem>> -> memref<80xi32, #tpu.memory_space<vmem>>
          %dma_wait3A_275 = arith.constant 0 : i32
          %dma_wait3A_276 = arith.constant 0 : i32
          %dma_wait3A_277 = tpu.memref_slice %arg11[%dma_wait3A_275, %dma_wait3A_276] : memref<10000x128xf32, #tpu.memory_space<vmem_shared>> -> memref<10000x128xf32, #tpu.memory_space<vmem_shared>>
          tpu.wait_indirect_dma semaphore(%arg16 : memref<!tpu.dma_semaphore, #tpu.memory_space<semaphore_mem>>) src(%arg9 : memref<80x128xf32, #tpu.memory_space<vmem>>) dst(%dma_wait3A_277 : memref<10000x128xf32, #tpu.memory_space<vmem_shared>>)
        } else {
        }
        %ge3A_97 = arith.constant 1 : i32
        %ge3A_98 = arith.cmpi sge, %scan3A_52, %ge3A_97 : i32
        %sub3A_99 = arith.constant 1 : i32
        %sub3A_100 = arith.subi %scan3A_52, %sub3A_99 : i32
        %jit3A_101 = arith.constant 3 : i32
        %eq3A_102 = arith.constant 0 : i32
        %eq3A_103 = arith.cmpi eq, %jit3A_101, %eq3A_102 : i32
        %jit3A_104 = arith.constant 1 : i32
        %select_n3A_105 = arith.select %eq3A_103, %jit3A_104, %jit3A_101 : i32
        %rem3A_106 = arith.remsi %sub3A_100, %select_n3A_105 : i32
        %ne3A_107 = arith.constant 0 : i32
        %ne3A_108 = arith.cmpi ne, %rem3A_106, %ne3A_107 : i32
        %lt3A_109 = arith.constant 0 : i32
        %lt3A_110 = arith.cmpi slt, %rem3A_106, %lt3A_109 : i32
        %lt3A_111 = arith.constant 0 : i32
        %lt3A_112 = arith.cmpi slt, %select_n3A_105, %lt3A_111 : i32
        %ne3A_113 = arith.xori %lt3A_110, %lt3A_112 : i1
        %and3A_114 = arith.andi %ne3A_113, %ne3A_108 : i1
        %add3A_115 = arith.addi %rem3A_106, %select_n3A_105 : i32
        %select_n3A_116 = arith.select %and3A_114, %add3A_115, %rem3A_106 : i32
        %eq3A_117 = arith.constant 2 : i32
        %eq3A_118 = arith.cmpi eq, %select_n3A_116, %eq3A_117 : i32
        %and3A_119 = arith.andi %ge3A_98, %eq3A_118 : i1
        %convert_element_type3A_120 = arith.extui %and3A_119 : i1 to i32
        %cond3A_121 = arith.constant 0 : i32
        %cond3A_122 = arith.cmpi ne, %convert_element_type3A_120, %cond3A_121 : i32
        scf.if %cond3A_122 {
          %sub3A_270 = arith.constant 1 : i32
          %sub3A_271 = arith.subi %scan3A_52, %sub3A_270 : i32
          %dma_wait3A_272 = arith.constant 0 : i32
          %dma_wait3A_273 = tpu.memref_slice %arg7[%sub3A_271, %dma_wait3A_272] : memref<50x80xi32, #tpu.memory_space<vmem>> -> memref<1x80xi32, #tpu.memory_space<vmem>>
          %dma_wait3A_274 = tpu.memref_squeeze %dma_wait3A_273 : memref<1x80xi32, #tpu.memory_space<vmem>> -> memref<80xi32, #tpu.memory_space<vmem>>
          %dma_wait3A_275 = arith.constant 0 : i32
          %dma_wait3A_276 = arith.constant 0 : i32
          %dma_wait3A_277 = tpu.memref_slice %arg11[%dma_wait3A_275, %dma_wait3A_276] : memref<10000x128xf32, #tpu.memory_space<vmem_shared>> -> memref<10000x128xf32, #tpu.memory_space<vmem_shared>>
          tpu.wait_indirect_dma semaphore(%arg15 : memref<!tpu.dma_semaphore, #tpu.memory_space<semaphore_mem>>) src(%arg10 : memref<80x128xf32, #tpu.memory_space<vmem>>) dst(%dma_wait3A_277 : memref<10000x128xf32, #tpu.memory_space<vmem_shared>>)
        } else {
        }
        %add3A_123 = arith.constant 2 : i32
        %add3A_124 = arith.addi %scan3A_52, %add3A_123 : i32
        %lt3A_125 = arith.constant 50 : i32
        %lt3A_126 = arith.cmpi slt, %add3A_124, %lt3A_125 : i32
        %add3A_127 = arith.constant 2 : i32
        %add3A_128 = arith.addi %scan3A_52, %add3A_127 : i32
        %jit3A_129 = arith.constant 3 : i32
        %eq3A_130 = arith.constant 0 : i32
        %eq3A_131 = arith.cmpi eq, %jit3A_129, %eq3A_130 : i32
        %jit3A_132 = arith.constant 1 : i32
        %select_n3A_133 = arith.select %eq3A_131, %jit3A_132, %jit3A_129 : i32
        %rem3A_134 = arith.remsi %add3A_128, %select_n3A_133 : i32
        %ne3A_135 = arith.constant 0 : i32
        %ne3A_136 = arith.cmpi ne, %rem3A_134, %ne3A_135 : i32
        %lt3A_137 = arith.constant 0 : i32
        %lt3A_138 = arith.cmpi slt, %rem3A_134, %lt3A_137 : i32
        %lt3A_139 = arith.constant 0 : i32
        %lt3A_140 = arith.cmpi slt, %select_n3A_133, %lt3A_139 : i32
        %ne3A_141 = arith.xori %lt3A_138, %lt3A_140 : i1
        %and3A_142 = arith.andi %ne3A_141, %ne3A_136 : i1
        %add3A_143 = arith.addi %rem3A_134, %select_n3A_133 : i32
        %select_n3A_144 = arith.select %and3A_142, %add3A_143, %rem3A_134 : i32
        %eq3A_145 = arith.constant 0 : i32
        %eq3A_146 = arith.cmpi eq, %select_n3A_144, %eq3A_145 : i32
        %and3A_147 = arith.andi %lt3A_126, %eq3A_146 : i1
        %convert_element_type3A_148 = arith.extui %and3A_147 : i1 to i32
        %cond3A_149 = arith.constant 0 : i32
        %cond3A_150 = arith.cmpi ne, %convert_element_type3A_148, %cond3A_149 : i32
        scf.if %cond3A_150 {
          %add3A_270 = arith.constant 2 : i32
          %add3A_271 = arith.addi %scan3A_52, %add3A_270 : i32
          %dma_start3A_272 = arith.constant 0 : i32
          %dma_start3A_273 = tpu.memref_slice %arg6[%add3A_271, %dma_start3A_272] : memref<50x80xi32, #tpu.memory_space<vmem>> -> memref<1x80xi32, #tpu.memory_space<vmem>>
          %dma_start3A_274 = tpu.memref_squeeze %dma_start3A_273 : memref<1x80xi32, #tpu.memory_space<vmem>> -> memref<80xi32, #tpu.memory_space<vmem>>
          %dma_start3A_275 = arith.constant 0 : i32
          %dma_start3A_276 = arith.constant 0 : i32
          %dma_start3A_277 = tpu.memref_slice %arg2[%dma_start3A_275, %dma_start3A_276] : memref<20000x128xf32, #tpu.memory_space<hbm>> -> memref<20000x128xf32, #tpu.memory_space<hbm>>
          tpu.enqueue_indirect_dma source(%dma_start3A_277 : memref<20000x128xf32, #tpu.memory_space<hbm>>) target(%arg8 : memref<80x128xf32, #tpu.memory_space<vmem>>) offsets(%dma_start3A_274 : memref<80xi32, #tpu.memory_space<vmem>>) semaphore(%arg12 : memref<!tpu.dma_semaphore, #tpu.memory_space<semaphore_mem>>)
        } else {
        }
        %add3A_151 = arith.constant 2 : i32
        %add3A_152 = arith.addi %scan3A_52, %add3A_151 : i32
        %lt3A_153 = arith.constant 50 : i32
        %lt3A_154 = arith.cmpi slt, %add3A_152, %lt3A_153 : i32
        %add3A_155 = arith.constant 2 : i32
        %add3A_156 = arith.addi %scan3A_52, %add3A_155 : i32
        %jit3A_157 = arith.constant 3 : i32
        %eq3A_158 = arith.constant 0 : i32
        %eq3A_159 = arith.cmpi eq, %jit3A_157, %eq3A_158 : i32
        %jit3A_160 = arith.constant 1 : i32
        %select_n3A_161 = arith.select %eq3A_159, %jit3A_160, %jit3A_157 : i32
        %rem3A_162 = arith.remsi %add3A_156, %select_n3A_161 : i32
        %ne3A_163 = arith.constant 0 : i32
        %ne3A_164 = arith.cmpi ne, %rem3A_162, %ne3A_163 : i32
        %lt3A_165 = arith.constant 0 : i32
        %lt3A_166 = arith.cmpi slt, %rem3A_162, %lt3A_165 : i32
        %lt3A_167 = arith.constant 0 : i32
        %lt3A_168 = arith.cmpi slt, %select_n3A_161, %lt3A_167 : i32
        %ne3A_169 = arith.xori %lt3A_166, %lt3A_168 : i1
        %and3A_170 = arith.andi %ne3A_169, %ne3A_164 : i1
        %add3A_171 = arith.addi %rem3A_162, %select_n3A_161 : i32
        %select_n3A_172 = arith.select %and3A_170, %add3A_171, %rem3A_162 : i32
        %eq3A_173 = arith.constant 1 : i32
        %eq3A_174 = arith.cmpi eq, %select_n3A_172, %eq3A_173 : i32
        %and3A_175 = arith.andi %lt3A_154, %eq3A_174 : i1
        %convert_element_type3A_176 = arith.extui %and3A_175 : i1 to i32
        %cond3A_177 = arith.constant 0 : i32
        %cond3A_178 = arith.cmpi ne, %convert_element_type3A_176, %cond3A_177 : i32
        scf.if %cond3A_178 {
          %add3A_270 = arith.constant 2 : i32
          %add3A_271 = arith.addi %scan3A_52, %add3A_270 : i32
          %dma_start3A_272 = arith.constant 0 : i32
          %dma_start3A_273 = tpu.memref_slice %arg6[%add3A_271, %dma_start3A_272] : memref<50x80xi32, #tpu.memory_space<vmem>> -> memref<1x80xi32, #tpu.memory_space<vmem>>
          %dma_start3A_274 = tpu.memref_squeeze %dma_start3A_273 : memref<1x80xi32, #tpu.memory_space<vmem>> -> memref<80xi32, #tpu.memory_space<vmem>>
          %dma_start3A_275 = arith.constant 0 : i32
          %dma_start3A_276 = arith.constant 0 : i32
          %dma_start3A_277 = tpu.memref_slice %arg2[%dma_start3A_275, %dma_start3A_276] : memref<20000x128xf32, #tpu.memory_space<hbm>> -> memref<20000x128xf32, #tpu.memory_space<hbm>>
          tpu.enqueue_indirect_dma source(%dma_start3A_277 : memref<20000x128xf32, #tpu.memory_space<hbm>>) target(%arg9 : memref<80x128xf32, #tpu.memory_space<vmem>>) offsets(%dma_start3A_274 : memref<80xi32, #tpu.memory_space<vmem>>) semaphore(%arg13 : memref<!tpu.dma_semaphore, #tpu.memory_space<semaphore_mem>>)
        } else {
        }
        %add3A_179 = arith.constant 2 : i32
        %add3A_180 = arith.addi %scan3A_52, %add3A_179 : i32
        %lt3A_181 = arith.constant 50 : i32
        %lt3A_182 = arith.cmpi slt, %add3A_180, %lt3A_181 : i32
        %add3A_183 = arith.constant 2 : i32
        %add3A_184 = arith.addi %scan3A_52, %add3A_183 : i32
        %jit3A_185 = arith.constant 3 : i32
        %eq3A_186 = arith.constant 0 : i32
        %eq3A_187 = arith.cmpi eq, %jit3A_185, %eq3A_186 : i32
        %jit3A_188 = arith.constant 1 : i32
        %select_n3A_189 = arith.select %eq3A_187, %jit3A_188, %jit3A_185 : i32
        %rem3A_190 = arith.remsi %add3A_184, %select_n3A_189 : i32
        %ne3A_191 = arith.constant 0 : i32
        %ne3A_192 = arith.cmpi ne, %rem3A_190, %ne3A_191 : i32
        %lt3A_193 = arith.constant 0 : i32
        %lt3A_194 = arith.cmpi slt, %rem3A_190, %lt3A_193 : i32
        %lt3A_195 = arith.constant 0 : i32
        %lt3A_196 = arith.cmpi slt, %select_n3A_189, %lt3A_195 : i32
        %ne3A_197 = arith.xori %lt3A_194, %lt3A_196 : i1
        %and3A_198 = arith.andi %ne3A_197, %ne3A_192 : i1
        %add3A_199 = arith.addi %rem3A_190, %select_n3A_189 : i32
        %select_n3A_200 = arith.select %and3A_198, %add3A_199, %rem3A_190 : i32
        %eq3A_201 = arith.constant 2 : i32
        %eq3A_202 = arith.cmpi eq, %select_n3A_200, %eq3A_201 : i32
        %and3A_203 = arith.andi %lt3A_182, %eq3A_202 : i1
        %convert_element_type3A_204 = arith.extui %and3A_203 : i1 to i32
        %cond3A_205 = arith.constant 0 : i32
        %cond3A_206 = arith.cmpi ne, %convert_element_type3A_204, %cond3A_205 : i32
        scf.if %cond3A_206 {
          %add3A_270 = arith.constant 2 : i32
          %add3A_271 = arith.addi %scan3A_52, %add3A_270 : i32
          %dma_start3A_272 = arith.constant 0 : i32
          %dma_start3A_273 = tpu.memref_slice %arg6[%add3A_271, %dma_start3A_272] : memref<50x80xi32, #tpu.memory_space<vmem>> -> memref<1x80xi32, #tpu.memory_space<vmem>>
          %dma_start3A_274 = tpu.memref_squeeze %dma_start3A_273 : memref<1x80xi32, #tpu.memory_space<vmem>> -> memref<80xi32, #tpu.memory_space<vmem>>
          %dma_start3A_275 = arith.constant 0 : i32
          %dma_start3A_276 = arith.constant 0 : i32
          %dma_start3A_277 = tpu.memref_slice %arg2[%dma_start3A_275, %dma_start3A_276] : memref<20000x128xf32, #tpu.memory_space<hbm>> -> memref<20000x128xf32, #tpu.memory_space<hbm>>
          tpu.enqueue_indirect_dma source(%dma_start3A_277 : memref<20000x128xf32, #tpu.memory_space<hbm>>) target(%arg10 : memref<80x128xf32, #tpu.memory_space<vmem>>) offsets(%dma_start3A_274 : memref<80xi32, #tpu.memory_space<vmem>>) semaphore(%arg14 : memref<!tpu.dma_semaphore, #tpu.memory_space<semaphore_mem>>)
        } else {
        }
        %jit3A_207 = arith.constant 3 : i32
        %eq3A_208 = arith.constant 0 : i32
        %eq3A_209 = arith.cmpi eq, %jit3A_207, %eq3A_208 : i32
        %jit3A_210 = arith.constant 1 : i32
        %select_n3A_211 = arith.select %eq3A_209, %jit3A_210, %jit3A_207 : i32
        %rem3A_212 = arith.remsi %scan3A_52, %select_n3A_211 : i32
        %ne3A_213 = arith.constant 0 : i32
        %ne3A_214 = arith.cmpi ne, %rem3A_212, %ne3A_213 : i32
        %lt3A_215 = arith.constant 0 : i32
        %lt3A_216 = arith.cmpi slt, %rem3A_212, %lt3A_215 : i32
        %lt3A_217 = arith.constant 0 : i32
        %lt3A_218 = arith.cmpi slt, %select_n3A_211, %lt3A_217 : i32
        %ne3A_219 = arith.xori %lt3A_216, %lt3A_218 : i1
        %and3A_220 = arith.andi %ne3A_219, %ne3A_214 : i1
        %add3A_221 = arith.addi %rem3A_212, %select_n3A_211 : i32
        %select_n3A_222 = arith.select %and3A_220, %add3A_221, %rem3A_212 : i32
        %eq3A_223 = arith.constant 0 : i32
        %eq3A_224 = arith.cmpi eq, %select_n3A_222, %eq3A_223 : i32
        %convert_element_type3A_225 = arith.extui %eq3A_224 : i1 to i32
        %cond3A_226 = arith.constant 0 : i32
        %cond3A_227 = arith.cmpi ne, %convert_element_type3A_225, %cond3A_226 : i32
        scf.if %cond3A_227 {
          %dma_wait3A_270 = arith.constant 0 : i32
          %dma_wait3A_271 = tpu.memref_slice %arg6[%scan3A_52, %dma_wait3A_270] : memref<50x80xi32, #tpu.memory_space<vmem>> -> memref<1x80xi32, #tpu.memory_space<vmem>>
          %dma_wait3A_272 = tpu.memref_squeeze %dma_wait3A_271 : memref<1x80xi32, #tpu.memory_space<vmem>> -> memref<80xi32, #tpu.memory_space<vmem>>
          %dma_wait3A_273 = arith.constant 0 : i32
          %dma_wait3A_274 = arith.constant 0 : i32
          %dma_wait3A_275 = tpu.memref_slice %arg2[%dma_wait3A_273, %dma_wait3A_274] : memref<20000x128xf32, #tpu.memory_space<hbm>> -> memref<20000x128xf32, #tpu.memory_space<hbm>>
          tpu.wait_indirect_dma semaphore(%arg12 : memref<!tpu.dma_semaphore, #tpu.memory_space<semaphore_mem>>) src(%dma_wait3A_275 : memref<20000x128xf32, #tpu.memory_space<hbm>>) dst(%arg8 : memref<80x128xf32, #tpu.memory_space<vmem>>)
          %dma_start3A_276 = arith.constant 0 : i32
          %dma_start3A_277 = tpu.memref_slice %arg7[%scan3A_52, %dma_start3A_276] : memref<50x80xi32, #tpu.memory_space<vmem>> -> memref<1x80xi32, #tpu.memory_space<vmem>>
          %dma_start3A_278 = tpu.memref_squeeze %dma_start3A_277 : memref<1x80xi32, #tpu.memory_space<vmem>> -> memref<80xi32, #tpu.memory_space<vmem>>
          %dma_start3A_279 = arith.constant 0 : i32
          %dma_start3A_280 = arith.constant 0 : i32
          %dma_start3A_281 = tpu.memref_slice %arg11[%dma_start3A_279, %dma_start3A_280] : memref<10000x128xf32, #tpu.memory_space<vmem_shared>> -> memref<10000x128xf32, #tpu.memory_space<vmem_shared>>
          tpu.enqueue_indirect_dma source(%arg8 : memref<80x128xf32, #tpu.memory_space<vmem>>) target(%dma_start3A_281 : memref<10000x128xf32, #tpu.memory_space<vmem_shared>>) offsets(%dma_start3A_278 : memref<80xi32, #tpu.memory_space<vmem>>) semaphore(%arg15 : memref<!tpu.dma_semaphore, #tpu.memory_space<semaphore_mem>>) {add = true}
        } else {
        }
        %jit3A_228 = arith.constant 3 : i32
        %eq3A_229 = arith.constant 0 : i32
        %eq3A_230 = arith.cmpi eq, %jit3A_228, %eq3A_229 : i32
        %jit3A_231 = arith.constant 1 : i32
        %select_n3A_232 = arith.select %eq3A_230, %jit3A_231, %jit3A_228 : i32
        %rem3A_233 = arith.remsi %scan3A_52, %select_n3A_232 : i32
        %ne3A_234 = arith.constant 0 : i32
        %ne3A_235 = arith.cmpi ne, %rem3A_233, %ne3A_234 : i32
        %lt3A_236 = arith.constant 0 : i32
        %lt3A_237 = arith.cmpi slt, %rem3A_233, %lt3A_236 : i32
        %lt3A_238 = arith.constant 0 : i32
        %lt3A_239 = arith.cmpi slt, %select_n3A_232, %lt3A_238 : i32
        %ne3A_240 = arith.xori %lt3A_237, %lt3A_239 : i1
        %and3A_241 = arith.andi %ne3A_240, %ne3A_235 : i1
        %add3A_242 = arith.addi %rem3A_233, %select_n3A_232 : i32
        %select_n3A_243 = arith.select %and3A_241, %add3A_242, %rem3A_233 : i32
        %eq3A_244 = arith.constant 1 : i32
        %eq3A_245 = arith.cmpi eq, %select_n3A_243, %eq3A_244 : i32
        %convert_element_type3A_246 = arith.extui %eq3A_245 : i1 to i32
        %cond3A_247 = arith.constant 0 : i32
        %cond3A_248 = arith.cmpi ne, %convert_element_type3A_246, %cond3A_247 : i32
        scf.if %cond3A_248 {
          %dma_wait3A_270 = arith.constant 0 : i32
          %dma_wait3A_271 = tpu.memref_slice %arg6[%scan3A_52, %dma_wait3A_270] : memref<50x80xi32, #tpu.memory_space<vmem>> -> memref<1x80xi32, #tpu.memory_space<vmem>>
          %dma_wait3A_272 = tpu.memref_squeeze %dma_wait3A_271 : memref<1x80xi32, #tpu.memory_space<vmem>> -> memref<80xi32, #tpu.memory_space<vmem>>
          %dma_wait3A_273 = arith.constant 0 : i32
          %dma_wait3A_274 = arith.constant 0 : i32
          %dma_wait3A_275 = tpu.memref_slice %arg2[%dma_wait3A_273, %dma_wait3A_274] : memref<20000x128xf32, #tpu.memory_space<hbm>> -> memref<20000x128xf32, #tpu.memory_space<hbm>>
          tpu.wait_indirect_dma semaphore(%arg13 : memref<!tpu.dma_semaphore, #tpu.memory_space<semaphore_mem>>) src(%dma_wait3A_275 : memref<20000x128xf32, #tpu.memory_space<hbm>>) dst(%arg9 : memref<80x128xf32, #tpu.memory_space<vmem>>)
          %dma_start3A_276 = arith.constant 0 : i32
          %dma_start3A_277 = tpu.memref_slice %arg7[%scan3A_52, %dma_start3A_276] : memref<50x80xi32, #tpu.memory_space<vmem>> -> memref<1x80xi32, #tpu.memory_space<vmem>>
          %dma_start3A_278 = tpu.memref_squeeze %dma_start3A_277 : memref<1x80xi32, #tpu.memory_space<vmem>> -> memref<80xi32, #tpu.memory_space<vmem>>
          %dma_start3A_279 = arith.constant 0 : i32
          %dma_start3A_280 = arith.constant 0 : i32
          %dma_start3A_281 = tpu.memref_slice %arg11[%dma_start3A_279, %dma_start3A_280] : memref<10000x128xf32, #tpu.memory_space<vmem_shared>> -> memref<10000x128xf32, #tpu.memory_space<vmem_shared>>
          tpu.enqueue_indirect_dma source(%arg9 : memref<80x128xf32, #tpu.memory_space<vmem>>) target(%dma_start3A_281 : memref<10000x128xf32, #tpu.memory_space<vmem_shared>>) offsets(%dma_start3A_278 : memref<80xi32, #tpu.memory_space<vmem>>) semaphore(%arg16 : memref<!tpu.dma_semaphore, #tpu.memory_space<semaphore_mem>>) {add = true}
        } else {
        }
        %jit3A_249 = arith.constant 3 : i32
        %eq3A_250 = arith.constant 0 : i32
        %eq3A_251 = arith.cmpi eq, %jit3A_249, %eq3A_250 : i32
        %jit3A_252 = arith.constant 1 : i32
        %select_n3A_253 = arith.select %eq3A_251, %jit3A_252, %jit3A_249 : i32
        %rem3A_254 = arith.remsi %scan3A_52, %select_n3A_253 : i32
        %ne3A_255 = arith.constant 0 : i32
        %ne3A_256 = arith.cmpi ne, %rem3A_254, %ne3A_255 : i32
        %lt3A_257 = arith.constant 0 : i32
        %lt3A_258 = arith.cmpi slt, %rem3A_254, %lt3A_257 : i32
        %lt3A_259 = arith.constant 0 : i32
        %lt3A_260 = arith.cmpi slt, %select_n3A_253, %lt3A_259 : i32
        %ne3A_261 = arith.xori %lt3A_258, %lt3A_260 : i1
        %and3A_262 = arith.andi %ne3A_261, %ne3A_256 : i1
        %add3A_263 = arith.addi %rem3A_254, %select_n3A_253 : i32
        %select_n3A_264 = arith.select %and3A_262, %add3A_263, %rem3A_254 : i32
        %eq3A_265 = arith.constant 2 : i32
        %eq3A_266 = arith.cmpi eq, %select_n3A_264, %eq3A_265 : i32
        %convert_element_type3A_267 = arith.extui %eq3A_266 : i1 to i32
        %cond3A_268 = arith.constant 0 : i32
        %cond3A_269 = arith.cmpi ne, %convert_element_type3A_267, %cond3A_268 : i32
        scf.if %cond3A_269 {
          %dma_wait3A_270 = arith.constant 0 : i32
          %dma_wait3A_271 = tpu.memref_slice %arg6[%scan3A_52, %dma_wait3A_270] : memref<50x80xi32, #tpu.memory_space<vmem>> -> memref<1x80xi32, #tpu.memory_space<vmem>>
          %dma_wait3A_272 = tpu.memref_squeeze %dma_wait3A_271 : memref<1x80xi32, #tpu.memory_space<vmem>> -> memref<80xi32, #tpu.memory_space<vmem>>
          %dma_wait3A_273 = arith.constant 0 : i32
          %dma_wait3A_274 = arith.constant 0 : i32
          %dma_wait3A_275 = tpu.memref_slice %arg2[%dma_wait3A_273, %dma_wait3A_274] : memref<20000x128xf32, #tpu.memory_space<hbm>> -> memref<20000x128xf32, #tpu.memory_space<hbm>>
          tpu.wait_indirect_dma semaphore(%arg14 : memref<!tpu.dma_semaphore, #tpu.memory_space<semaphore_mem>>) src(%dma_wait3A_275 : memref<20000x128xf32, #tpu.memory_space<hbm>>) dst(%arg10 : memref<80x128xf32, #tpu.memory_space<vmem>>)
          %dma_start3A_276 = arith.constant 0 : i32
          %dma_start3A_277 = tpu.memref_slice %arg7[%scan3A_52, %dma_start3A_276] : memref<50x80xi32, #tpu.memory_space<vmem>> -> memref<1x80xi32, #tpu.memory_space<vmem>>
          %dma_start3A_278 = tpu.memref_squeeze %dma_start3A_277 : memref<1x80xi32, #tpu.memory_space<vmem>> -> memref<80xi32, #tpu.memory_space<vmem>>
          %dma_start3A_279 = arith.constant 0 : i32
          %dma_start3A_280 = arith.constant 0 : i32
          %dma_start3A_281 = tpu.memref_slice %arg11[%dma_start3A_279, %dma_start3A_280] : memref<10000x128xf32, #tpu.memory_space<vmem_shared>> -> memref<10000x128xf32, #tpu.memory_space<vmem_shared>>
          tpu.enqueue_indirect_dma source(%arg10 : memref<80x128xf32, #tpu.memory_space<vmem>>) target(%dma_start3A_281 : memref<10000x128xf32, #tpu.memory_space<vmem_shared>>) offsets(%dma_start3A_278 : memref<80xi32, #tpu.memory_space<vmem>>) semaphore(%arg15 : memref<!tpu.dma_semaphore, #tpu.memory_space<semaphore_mem>>) {add = true}
        } else {
        }
      }
      %scan3A_45 = arith.constant 50 : i32
      %dma_wait3A = arith.constant 49 : i32
      %dma_wait3A_46 = arith.constant 0 : i32
      %dma_wait3A_47 = tpu.memref_slice %arg7[%dma_wait3A, %dma_wait3A_46] : memref<50x80xi32, #tpu.memory_space<vmem>> -> memref<1x80xi32, #tpu.memory_space<vmem>>
      %dma_wait3A_48 = tpu.memref_squeeze %dma_wait3A_47 : memref<1x80xi32, #tpu.memory_space<vmem>> -> memref<80xi32, #tpu.memory_space<vmem>>
      %dma_wait3A_49 = arith.constant 0 : i32
      %dma_wait3A_50 = arith.constant 0 : i32
      %dma_wait3A_51 = tpu.memref_slice %arg11[%dma_wait3A_49, %dma_wait3A_50] : memref<10000x128xf32, #tpu.memory_space<vmem_shared>> -> memref<10000x128xf32, #tpu.memory_space<vmem_shared>>
      tpu.wait_indirect_dma semaphore(%arg16 : memref<!tpu.dma_semaphore, #tpu.memory_space<semaphore_mem>>) src(%arg9 : memref<80x128xf32, #tpu.memory_space<vmem>>) dst(%dma_wait3A_51 : memref<10000x128xf32, #tpu.memory_space<vmem_shared>>)
    }
    %scan3A_15 = arith.constant 5 : i32
    %barrier3A_16 = arith.constant 0 : index
    tpu.barrier barrier_id(%barrier3A_16)
    %lt3A_17 = arith.constant 15 : i32
    %lt3A_18 = arith.cmpi slt, %arg1, %lt3A_17 : i32
    %convert_element_type3A_19 = arith.extui %lt3A_18 : i1 to i32
    %cond3A_20 = arith.constant 0 : i32
    %cond3A_21 = arith.cmpi ne, %convert_element_type3A_19, %cond3A_20 : i32
    scf.if %cond3A_21 {
      %mul3A = arith.constant 624 : i32
      %mul3A_27 = arith.muli %arg1, %mul3A : i32
      %mul3A_28 = arith.constant 10000 : i32
      %mul3A_29 = arith.muli %arg0, %mul3A_28 : i32
      %add3A = arith.addi %mul3A_29, %mul3A_27 : i32
      "tpu.region"() ({
        %run_scoped3A = tpu.sem_alloc : memref<!tpu.dma_semaphore, #tpu.memory_space<semaphore_mem>>
        %dma_start3A = arith.constant 0 : i32
        %dma_start3A_30 = tpu.memref_slice %arg5[%add3A, %dma_start3A] : memref<20000x128xf32, #tpu.memory_space<hbm>> -> memref<624x128xf32, #tpu.memory_space<hbm>>
        %dma_start3A_31 = arith.constant 0 : i32
        %dma_start3A_32 = tpu.memref_slice %arg11[%mul3A_27, %dma_start3A_31] : memref<10000x128xf32, #tpu.memory_space<vmem_shared>> -> memref<624x128xf32, #tpu.memory_space<vmem_shared>>
        tpu.enqueue_dma source(%dma_start3A_32 : memref<624x128xf32, #tpu.memory_space<vmem_shared>>) target(%dma_start3A_30 : memref<624x128xf32, #tpu.memory_space<hbm>>) target_semaphore(%run_scoped3A : memref<!tpu.dma_semaphore, #tpu.memory_space<semaphore_mem>>)
        %dma_wait3A = arith.constant 0 : i32
        %dma_wait3A_33 = tpu.memref_slice %arg5[%add3A, %dma_wait3A] : memref<20000x128xf32, #tpu.memory_space<hbm>> -> memref<624x128xf32, #tpu.memory_space<hbm>>
        %dma_wait3A_34 = arith.constant 0 : i32
        %dma_wait3A_35 = tpu.memref_slice %arg11[%mul3A_27, %dma_wait3A_34] : memref<10000x128xf32, #tpu.memory_space<vmem_shared>> -> memref<624x128xf32, #tpu.memory_space<vmem_shared>>
        tpu.wait_dma2 semaphore(%run_scoped3A : memref<!tpu.dma_semaphore, #tpu.memory_space<semaphore_mem>>) src(%dma_wait3A_35 : memref<624x128xf32, #tpu.memory_space<vmem_shared>>) dst(%dma_wait3A_33 : memref<624x128xf32, #tpu.memory_space<hbm>>)
        tpu.yield
      }) : () -> ()
    } else {
    }
    %eq3A_22 = arith.constant 15 : i32
    %eq3A_23 = arith.cmpi eq, %arg1, %eq3A_22 : i32
    %convert_element_type3A_24 = arith.extui %eq3A_23 : i1 to i32
    %cond3A_25 = arith.constant 0 : i32
    %cond3A_26 = arith.cmpi ne, %convert_element_type3A_24, %cond3A_25 : i32
    scf.if %cond3A_26 {
      %mul3A = arith.constant 10000 : i32
      %mul3A_27 = arith.muli %arg0, %mul3A : i32
      %add3A = arith.constant 9360 : i32
      %add3A_28 = arith.addi %mul3A_27, %add3A : i32
      "tpu.region"() ({
        %run_scoped3A = tpu.sem_alloc : memref<!tpu.dma_semaphore, #tpu.memory_space<semaphore_mem>>
        %dma_start3A = arith.constant 0 : i32
        %dma_start3A_29 = tpu.memref_slice %arg5[%add3A_28, %dma_start3A] : memref<20000x128xf32, #tpu.memory_space<hbm>> -> memref<640x128xf32, #tpu.memory_space<hbm>>
        %dma_start3A_30 = arith.constant 9360 : i32
        %dma_start3A_31 = arith.constant 0 : i32
        %dma_start3A_32 = tpu.memref_slice %arg11[%dma_start3A_30, %dma_start3A_31] : memref<10000x128xf32, #tpu.memory_space<vmem_shared>> -> memref<640x128xf32, #tpu.memory_space<vmem_shared>>
        tpu.enqueue_dma source(%dma_start3A_32 : memref<640x128xf32, #tpu.memory_space<vmem_shared>>) target(%dma_start3A_29 : memref<640x128xf32, #tpu.memory_space<hbm>>) target_semaphore(%run_scoped3A : memref<!tpu.dma_semaphore, #tpu.memory_space<semaphore_mem>>)
        %dma_wait3A = arith.constant 0 : i32
        %dma_wait3A_33 = tpu.memref_slice %arg5[%add3A_28, %dma_wait3A] : memref<20000x128xf32, #tpu.memory_space<hbm>> -> memref<640x128xf32, #tpu.memory_space<hbm>>
        %dma_wait3A_34 = arith.constant 9360 : i32
        %dma_wait3A_35 = arith.constant 0 : i32
        %dma_wait3A_36 = tpu.memref_slice %arg11[%dma_wait3A_34, %dma_wait3A_35] : memref<10000x128xf32, #tpu.memory_space<vmem_shared>> -> memref<640x128xf32, #tpu.memory_space<vmem_shared>>
        tpu.wait_dma2 semaphore(%run_scoped3A : memref<!tpu.dma_semaphore, #tpu.memory_space<semaphore_mem>>) src(%dma_wait3A_36 : memref<640x128xf32, #tpu.memory_space<vmem_shared>>) dst(%dma_wait3A_33 : memref<640x128xf32, #tpu.memory_space<hbm>>)
        tpu.yield
      }) : () -> ()
    } else {
    }
    return
  }
}

#map = affine_map<(d0, d1) -> (0, 0, 0)>
#map1 = affine_map<(d0, d1) -> (0, 0, 0, 0)>
module attributes {stable_mosaic.version = 14 : i64} {
  func.func @_sc_degrees(%arg0: i32, %arg1: i32, %arg2: memref<2x16x20000xi32, #tpu.memory_space<hbm>>, %arg3: memref<2x16x20000xi32, #tpu.memory_space<hbm>>, %arg4: memref<2x2x16x10000xf32, #tpu.memory_space<hbm>>, %arg5: memref<20000xi32, #tpu.memory_space<vmem>>, %arg6: memref<20000xi32, #tpu.memory_space<vmem>>, %arg7: memref<10000xf32, #tpu.memory_space<vmem>>, %arg8: memref<10000xf32, #tpu.memory_space<vmem>>) attributes {dimension_semantics = [#tpu.dimension_semantics<core_parallel>, #tpu.dimension_semantics<subcore_parallel>], iteration_bounds = array<i64: 2, 16>, scalar_prefetch = 0 : i64, scratch_operands = 4 : i64, tpu.core_type = #tpu.core_type<sc_vector_subcore>, window_params = [{transform_indices = #map}, {transform_indices = #map}, {transform_indices = #map1}]} {
    %broadcast_in_dim3A = arith.constant 0.000000e+00 : f32
    %broadcast_in_dim3A_0 = vector.broadcast %broadcast_in_dim3A : f32 to vector<16xf32>
    %broadcast_in_dim3A_1 = arith.constant 1.000000e+00 : f32
    %broadcast_in_dim3A_2 = vector.broadcast %broadcast_in_dim3A_1 : f32 to vector<16xf32>
    %scan3A = arith.constant 0 : i32
    %scan3A_3 = arith.constant 625 : i32
    %scan3A_4 = arith.addi %scan3A, %scan3A_3 : i32
    %scan3A_5 = arith.constant 1 : i32
    scf.for %scan3A_13 = %scan3A to %scan3A_4 step %scan3A_5  : i32 {
      %mul3A = arith.constant 16 : i32
      %mul3A_14 = arith.muli %scan3A_13, %mul3A : i32
      %swap3A = arith.index_cast %mul3A_14 : i32 to index
      %swap3A_15 = tpu.vector_load %arg7[%swap3A] {strides = array<i32>} : memref<10000xf32, #tpu.memory_space<vmem>>, vector<16xf32>,
      tpu.vector_store %arg7[%swap3A], %broadcast_in_dim3A_0 {strides = array<i32>} : memref<10000xf32, #tpu.memory_space<vmem>>, vector<16xf32>,
      %mul3A_16 = arith.constant 16 : i32
      %mul3A_17 = arith.muli %scan3A_13, %mul3A_16 : i32
      %swap3A_18 = arith.index_cast %mul3A_17 : i32 to index
      %swap3A_19 = tpu.vector_load %arg8[%swap3A_18] {strides = array<i32>} : memref<10000xf32, #tpu.memory_space<vmem>>, vector<16xf32>,
      tpu.vector_store %arg8[%swap3A_18], %broadcast_in_dim3A_0 {strides = array<i32>} : memref<10000xf32, #tpu.memory_space<vmem>>, vector<16xf32>,
    }
    %scan3A_6 = arith.constant 625 : i32
    "tpu.region"() ({
      %run_scoped3A_13 = tpu.sem_alloc : memref<!tpu.dma_semaphore, #tpu.memory_space<semaphore_mem>>
      %dma_start3A = arith.constant 0 : i32
      %dma_start3A_14 = tpu.memref_slice %arg2[%arg0, %arg1, %dma_start3A] : memref<2x16x20000xi32, #tpu.memory_space<hbm>> -> memref<1x1x20000xi32, #tpu.memory_space<hbm>>
      %dma_start3A_15 = tpu.memref_squeeze %dma_start3A_14 : memref<1x1x20000xi32, #tpu.memory_space<hbm>> -> memref<20000xi32, #tpu.memory_space<hbm>>
      %dma_start3A_16 = arith.constant 0 : i32
      %dma_start3A_17 = tpu.memref_slice %arg2[%arg0, %arg1, %dma_start3A_16] : memref<2x16x20000xi32, #tpu.memory_space<hbm>> -> memref<1x1x20000xi32, #tpu.memory_space<hbm>>
      %dma_start3A_18 = tpu.memref_squeeze %dma_start3A_17 : memref<1x1x20000xi32, #tpu.memory_space<hbm>> -> memref<20000xi32, #tpu.memory_space<hbm>>
      tpu.enqueue_dma source(%dma_start3A_18 : memref<20000xi32, #tpu.memory_space<hbm>>) target(%arg5 : memref<20000xi32, #tpu.memory_space<vmem>>) target_semaphore(%run_scoped3A_13 : memref<!tpu.dma_semaphore, #tpu.memory_space<semaphore_mem>>)
      %dma_wait3A = arith.constant 0 : i32
      %dma_wait3A_19 = tpu.memref_slice %arg2[%arg0, %arg1, %dma_wait3A] : memref<2x16x20000xi32, #tpu.memory_space<hbm>> -> memref<1x1x20000xi32, #tpu.memory_space<hbm>>
      %dma_wait3A_20 = tpu.memref_squeeze %dma_wait3A_19 : memref<1x1x20000xi32, #tpu.memory_space<hbm>> -> memref<20000xi32, #tpu.memory_space<hbm>>
      %dma_wait3A_21 = arith.constant 0 : i32
      %dma_wait3A_22 = tpu.memref_slice %arg2[%arg0, %arg1, %dma_wait3A_21] : memref<2x16x20000xi32, #tpu.memory_space<hbm>> -> memref<1x1x20000xi32, #tpu.memory_space<hbm>>
      %dma_wait3A_23 = tpu.memref_squeeze %dma_wait3A_22 : memref<1x1x20000xi32, #tpu.memory_space<hbm>> -> memref<20000xi32, #tpu.memory_space<hbm>>
      tpu.wait_dma2 semaphore(%run_scoped3A_13 : memref<!tpu.dma_semaphore, #tpu.memory_space<semaphore_mem>>) src(%dma_wait3A_23 : memref<20000xi32, #tpu.memory_space<hbm>>) dst(%arg5 : memref<20000xi32, #tpu.memory_space<vmem>>)
      tpu.yield
    }) : () -> ()
    "tpu.region"() ({
      %run_scoped3A_13 = tpu.sem_alloc : memref<!tpu.dma_semaphore, #tpu.memory_space<semaphore_mem>>
      %dma_start3A = arith.constant 0 : i32
      %dma_start3A_14 = tpu.memref_slice %arg3[%arg0, %arg1, %dma_start3A] : memref<2x16x20000xi32, #tpu.memory_space<hbm>> -> memref<1x1x20000xi32, #tpu.memory_space<hbm>>
      %dma_start3A_15 = tpu.memref_squeeze %dma_start3A_14 : memref<1x1x20000xi32, #tpu.memory_space<hbm>> -> memref<20000xi32, #tpu.memory_space<hbm>>
      %dma_start3A_16 = arith.constant 0 : i32
      %dma_start3A_17 = tpu.memref_slice %arg3[%arg0, %arg1, %dma_start3A_16] : memref<2x16x20000xi32, #tpu.memory_space<hbm>> -> memref<1x1x20000xi32, #tpu.memory_space<hbm>>
      %dma_start3A_18 = tpu.memref_squeeze %dma_start3A_17 : memref<1x1x20000xi32, #tpu.memory_space<hbm>> -> memref<20000xi32, #tpu.memory_space<hbm>>
      tpu.enqueue_dma source(%dma_start3A_18 : memref<20000xi32, #tpu.memory_space<hbm>>) target(%arg6 : memref<20000xi32, #tpu.memory_space<vmem>>) target_semaphore(%run_scoped3A_13 : memref<!tpu.dma_semaphore, #tpu.memory_space<semaphore_mem>>)
      %dma_wait3A = arith.constant 0 : i32
      %dma_wait3A_19 = tpu.memref_slice %arg3[%arg0, %arg1, %dma_wait3A] : memref<2x16x20000xi32, #tpu.memory_space<hbm>> -> memref<1x1x20000xi32, #tpu.memory_space<hbm>>
      %dma_wait3A_20 = tpu.memref_squeeze %dma_wait3A_19 : memref<1x1x20000xi32, #tpu.memory_space<hbm>> -> memref<20000xi32, #tpu.memory_space<hbm>>
      %dma_wait3A_21 = arith.constant 0 : i32
      %dma_wait3A_22 = tpu.memref_slice %arg3[%arg0, %arg1, %dma_wait3A_21] : memref<2x16x20000xi32, #tpu.memory_space<hbm>> -> memref<1x1x20000xi32, #tpu.memory_space<hbm>>
      %dma_wait3A_23 = tpu.memref_squeeze %dma_wait3A_22 : memref<1x1x20000xi32, #tpu.memory_space<hbm>> -> memref<20000xi32, #tpu.memory_space<hbm>>
      tpu.wait_dma2 semaphore(%run_scoped3A_13 : memref<!tpu.dma_semaphore, #tpu.memory_space<semaphore_mem>>) src(%dma_wait3A_23 : memref<20000xi32, #tpu.memory_space<hbm>>) dst(%arg6 : memref<20000xi32, #tpu.memory_space<vmem>>)
      tpu.yield
    }) : () -> ()
    %scan3A_7 = arith.constant 0 : i32
    %scan3A_8 = arith.constant 1250 : i32
    %scan3A_9 = arith.addi %scan3A_7, %scan3A_8 : i32
    %scan3A_10 = arith.constant 1 : i32
    scf.for %scan3A_13 = %scan3A_7 to %scan3A_9 step %scan3A_10  : i32 {
      %mul3A = arith.constant 16 : i32
      %mul3A_14 = arith.muli %scan3A_13, %mul3A : i32
      %get3A = arith.index_cast %mul3A_14 : i32 to index
      %get3A_15 = tpu.vector_load %arg5[%get3A] {strides = array<i32>} : memref<20000xi32, #tpu.memory_space<vmem>>, vector<16xi32>,
      tpu.vector_store_idx %arg7[%get3A_15], %broadcast_in_dim3A_2 {add = true} : memref<10000xf32, #tpu.memory_space<vmem>>[vector<16xi32>], vector<16xf32>,
      %mul3A_16 = arith.constant 16 : i32
      %mul3A_17 = arith.muli %scan3A_13, %mul3A_16 : i32
      %get3A_18 = arith.index_cast %mul3A_17 : i32 to index
      %get3A_19 = tpu.vector_load %arg6[%get3A_18] {strides = array<i32>} : memref<20000xi32, #tpu.memory_space<vmem>>, vector<16xi32>,
      tpu.vector_store_idx %arg8[%get3A_19], %broadcast_in_dim3A_2 {add = true} : memref<10000xf32, #tpu.memory_space<vmem>>[vector<16xi32>], vector<16xf32>,
    }
    %scan3A_11 = arith.constant 1250 : i32
    %run_scoped3A = arith.constant 0 : i32
    "tpu.region"() ({
      %run_scoped3A_13 = tpu.sem_alloc : memref<!tpu.dma_semaphore, #tpu.memory_space<semaphore_mem>>
      %dma_start3A = arith.constant 0 : i32
      %dma_start3A_14 = tpu.memref_slice %arg4[%arg0, %run_scoped3A, %arg1, %dma_start3A] : memref<2x2x16x10000xf32, #tpu.memory_space<hbm>> -> memref<1x1x1x10000xf32, #tpu.memory_space<hbm>>
      %dma_start3A_15 = tpu.memref_squeeze %dma_start3A_14 : memref<1x1x1x10000xf32, #tpu.memory_space<hbm>> -> memref<10000xf32, #tpu.memory_space<hbm>>
      %dma_start3A_16 = arith.constant 0 : i32
      %dma_start3A_17 = tpu.memref_slice %arg4[%arg0, %run_scoped3A, %arg1, %dma_start3A_16] : memref<2x2x16x10000xf32, #tpu.memory_space<hbm>> -> memref<1x1x1x10000xf32, #tpu.memory_space<hbm>>
      %dma_start3A_18 = tpu.memref_squeeze %dma_start3A_17 : memref<1x1x1x10000xf32, #tpu.memory_space<hbm>> -> memref<10000xf32, #tpu.memory_space<hbm>>
      tpu.enqueue_dma source(%arg7 : memref<10000xf32, #tpu.memory_space<vmem>>) target(%dma_start3A_18 : memref<10000xf32, #tpu.memory_space<hbm>>) target_semaphore(%run_scoped3A_13 : memref<!tpu.dma_semaphore, #tpu.memory_space<semaphore_mem>>)
      %dma_wait3A = arith.constant 0 : i32
      %dma_wait3A_19 = tpu.memref_slice %arg4[%arg0, %run_scoped3A, %arg1, %dma_wait3A] : memref<2x2x16x10000xf32, #tpu.memory_space<hbm>> -> memref<1x1x1x10000xf32, #tpu.memory_space<hbm>>
      %dma_wait3A_20 = tpu.memref_squeeze %dma_wait3A_19 : memref<1x1x1x10000xf32, #tpu.memory_space<hbm>> -> memref<10000xf32, #tpu.memory_space<hbm>>
      %dma_wait3A_21 = arith.constant 0 : i32
      %dma_wait3A_22 = tpu.memref_slice %arg4[%arg0, %run_scoped3A, %arg1, %dma_wait3A_21] : memref<2x2x16x10000xf32, #tpu.memory_space<hbm>> -> memref<1x1x1x10000xf32, #tpu.memory_space<hbm>>
      %dma_wait3A_23 = tpu.memref_squeeze %dma_wait3A_22 : memref<1x1x1x10000xf32, #tpu.memory_space<hbm>> -> memref<10000xf32, #tpu.memory_space<hbm>>
      tpu.wait_dma2 semaphore(%run_scoped3A_13 : memref<!tpu.dma_semaphore, #tpu.memory_space<semaphore_mem>>) src(%arg7 : memref<10000xf32, #tpu.memory_space<vmem>>) dst(%dma_wait3A_23 : memref<10000xf32, #tpu.memory_space<hbm>>)
      tpu.yield
    }) : () -> ()
    %run_scoped3A_12 = arith.constant 1 : i32
    "tpu.region"() ({
      %run_scoped3A_13 = tpu.sem_alloc : memref<!tpu.dma_semaphore, #tpu.memory_space<semaphore_mem>>
      %dma_start3A = arith.constant 0 : i32
      %dma_start3A_14 = tpu.memref_slice %arg4[%arg0, %run_scoped3A_12, %arg1, %dma_start3A] : memref<2x2x16x10000xf32, #tpu.memory_space<hbm>> -> memref<1x1x1x10000xf32, #tpu.memory_space<hbm>>
      %dma_start3A_15 = tpu.memref_squeeze %dma_start3A_14 : memref<1x1x1x10000xf32, #tpu.memory_space<hbm>> -> memref<10000xf32, #tpu.memory_space<hbm>>
      %dma_start3A_16 = arith.constant 0 : i32
      %dma_start3A_17 = tpu.memref_slice %arg4[%arg0, %run_scoped3A_12, %arg1, %dma_start3A_16] : memref<2x2x16x10000xf32, #tpu.memory_space<hbm>> -> memref<1x1x1x10000xf32, #tpu.memory_space<hbm>>
      %dma_start3A_18 = tpu.memref_squeeze %dma_start3A_17 : memref<1x1x1x10000xf32, #tpu.memory_space<hbm>> -> memref<10000xf32, #tpu.memory_space<hbm>>
      tpu.enqueue_dma source(%arg8 : memref<10000xf32, #tpu.memory_space<vmem>>) target(%dma_start3A_18 : memref<10000xf32, #tpu.memory_space<hbm>>) target_semaphore(%run_scoped3A_13 : memref<!tpu.dma_semaphore, #tpu.memory_space<semaphore_mem>>)
      %dma_wait3A = arith.constant 0 : i32
      %dma_wait3A_19 = tpu.memref_slice %arg4[%arg0, %run_scoped3A_12, %arg1, %dma_wait3A] : memref<2x2x16x10000xf32, #tpu.memory_space<hbm>> -> memref<1x1x1x10000xf32, #tpu.memory_space<hbm>>
      %dma_wait3A_20 = tpu.memref_squeeze %dma_wait3A_19 : memref<1x1x1x10000xf32, #tpu.memory_space<hbm>> -> memref<10000xf32, #tpu.memory_space<hbm>>
      %dma_wait3A_21 = arith.constant 0 : i32
      %dma_wait3A_22 = tpu.memref_slice %arg4[%arg0, %run_scoped3A_12, %arg1, %dma_wait3A_21] : memref<2x2x16x10000xf32, #tpu.memory_space<hbm>> -> memref<1x1x1x10000xf32, #tpu.memory_space<hbm>>
      %dma_wait3A_23 = tpu.memref_squeeze %dma_wait3A_22 : memref<1x1x1x10000xf32, #tpu.memory_space<hbm>> -> memref<10000xf32, #tpu.memory_space<hbm>>
      tpu.wait_dma2 semaphore(%run_scoped3A_13 : memref<!tpu.dma_semaphore, #tpu.memory_space<semaphore_mem>>) src(%arg8 : memref<10000xf32, #tpu.memory_space<vmem>>) dst(%dma_wait3A_23 : memref<10000xf32, #tpu.memory_space<hbm>>)
      tpu.yield
    }) : () -> ()
    return
  }
}

#map = affine_map<(d0, d1) -> (0, 0)>
#map1 = affine_map<(d0, d1) -> (0, 0, 0, 0, 0)>
module attributes {stable_mosaic.version = 14 : i64} {
  func.func @_sc_aggregate(%arg0: i32, %arg1: i32, %arg2: memref<20000x128xf32, #tpu.memory_space<hbm>>, %arg3: memref<2x16x5x50x80xi32, #tpu.memory_space<hbm>>, %arg4: memref<2x16x5x50x80xi32, #tpu.memory_space<hbm>>, %arg5: memref<20000x128xf32, #tpu.memory_space<hbm>>, %arg6: memref<50x80xi32, #tpu.memory_space<vmem>>, %arg7: memref<50x80xi32, #tpu.memory_space<vmem>>, %arg8: memref<80x128xf32, #tpu.memory_space<vmem>>, %arg9: memref<80x128xf32, #tpu.memory_space<vmem>>, %arg10: memref<80x128xf32, #tpu.memory_space<vmem>>, %arg11: memref<10000x128xf32, #tpu.memory_space<vmem_shared>>, %arg12: memref<!tpu.dma_semaphore, #tpu.memory_space<semaphore_mem>>, %arg13: memref<!tpu.dma_semaphore, #tpu.memory_space<semaphore_mem>>, %arg14: memref<!tpu.dma_semaphore, #tpu.memory_space<semaphore_mem>>, %arg15: memref<!tpu.dma_semaphore, #tpu.memory_space<semaphore_mem>>, %arg16: memref<!tpu.dma_semaphore, #tpu.memory_space<semaphore_mem>>) attributes {dimension_semantics = [#tpu.dimension_semantics<core_parallel>, #tpu.dimension_semantics<subcore_parallel>], iteration_bounds = array<i64: 2, 16>, scalar_prefetch = 0 : i64, scratch_operands = 11 : i64, tpu.core_type = #tpu.core_type<sc_vector_subcore>, window_params = [{transform_indices = #map}, {transform_indices = #map1}, {transform_indices = #map1}, {transform_indices = #map}]} {
    %broadcast_in_dim3A = arith.constant 0.000000e+00 : f32
    %broadcast_in_dim3A_0 = vector.broadcast %broadcast_in_dim3A : f32 to vector<16xf32>
    %scan3A = arith.constant 0 : i32
    %scan3A_1 = arith.constant 80 : i32
    %scan3A_2 = arith.addi %scan3A, %scan3A_1 : i32
    %scan3A_3 = arith.constant 1 : i32
    scf.for %scan3A_27 = %scan3A to %scan3A_2 step %scan3A_3  : i32 {
      %swap3A = arith.index_cast %scan3A_27 : i32 to index
      %swap3A_28 = arith.constant 0 : index
      %swap3A_29 = tpu.vector_load %arg8[%swap3A, %swap3A_28] {strides = array<i32>} : memref<80x128xf32, #tpu.memory_space<vmem>>, vector<1x16xf32>,
      %swap3A_30 = vector.shape_cast %swap3A_29 : vector<1x16xf32> to vector<16xf32>
      %swap3A_31 = vector.shape_cast %broadcast_in_dim3A_0 : vector<16xf32> to vector<1x16xf32>
      tpu.vector_store %arg8[%swap3A, %swap3A_28], %swap3A_31 {strides = array<i32>} : memref<80x128xf32, #tpu.memory_space<vmem>>, vector<1x16xf32>,
      %swap3A_32 = arith.index_cast %scan3A_27 : i32 to index
      %swap3A_33 = arith.constant 16 : index
      %swap3A_34 = tpu.vector_load %arg8[%swap3A_32, %swap3A_33] {strides = array<i32>} : memref<80x128xf32, #tpu.memory_space<vmem>>, vector<1x16xf32>,
      %swap3A_35 = vector.shape_cast %swap3A_34 : vector<1x16xf32> to vector<16xf32>
      %swap3A_36 = vector.shape_cast %broadcast_in_dim3A_0 : vector<16xf32> to vector<1x16xf32>
      tpu.vector_store %arg8[%swap3A_32, %swap3A_33], %swap3A_36 {strides = array<i32>} : memref<80x128xf32, #tpu.memory_space<vmem>>, vector<1x16xf32>,
      %swap3A_37 = arith.index_cast %scan3A_27 : i32 to index
      %swap3A_38 = arith.constant 32 : index
      %swap3A_39 = tpu.vector_load %arg8[%swap3A_37, %swap3A_38] {strides = array<i32>} : memref<80x128xf32, #tpu.memory_space<vmem>>, vector<1x16xf32>,
      %swap3A_40 = vector.shape_cast %swap3A_39 : vector<1x16xf32> to vector<16xf32>
      %swap3A_41 = vector.shape_cast %broadcast_in_dim3A_0 : vector<16xf32> to vector<1x16xf32>
      tpu.vector_store %arg8[%swap3A_37, %swap3A_38], %swap3A_41 {strides = array<i32>} : memref<80x128xf32, #tpu.memory_space<vmem>>, vector<1x16xf32>,
      %swap3A_42 = arith.index_cast %scan3A_27 : i32 to index
      %swap3A_43 = arith.constant 48 : index
      %swap3A_44 = tpu.vector_load %arg8[%swap3A_42, %swap3A_43] {strides = array<i32>} : memref<80x128xf32, #tpu.memory_space<vmem>>, vector<1x16xf32>,
      %swap3A_45 = vector.shape_cast %swap3A_44 : vector<1x16xf32> to vector<16xf32>
      %swap3A_46 = vector.shape_cast %broadcast_in_dim3A_0 : vector<16xf32> to vector<1x16xf32>
      tpu.vector_store %arg8[%swap3A_42, %swap3A_43], %swap3A_46 {strides = array<i32>} : memref<80x128xf32, #tpu.memory_space<vmem>>, vector<1x16xf32>,
      %swap3A_47 = arith.index_cast %scan3A_27 : i32 to index
      %swap3A_48 = arith.constant 64 : index
      %swap3A_49 = tpu.vector_load %arg8[%swap3A_47, %swap3A_48] {strides = array<i32>} : memref<80x128xf32, #tpu.memory_space<vmem>>, vector<1x16xf32>,
      %swap3A_50 = vector.shape_cast %swap3A_49 : vector<1x16xf32> to vector<16xf32>
      %swap3A_51 = vector.shape_cast %broadcast_in_dim3A_0 : vector<16xf32> to vector<1x16xf32>
      tpu.vector_store %arg8[%swap3A_47, %swap3A_48], %swap3A_51 {strides = array<i32>} : memref<80x128xf32, #tpu.memory_space<vmem>>, vector<1x16xf32>,
      %swap3A_52 = arith.index_cast %scan3A_27 : i32 to index
      %swap3A_53 = arith.constant 80 : index
      %swap3A_54 = tpu.vector_load %arg8[%swap3A_52, %swap3A_53] {strides = array<i32>} : memref<80x128xf32, #tpu.memory_space<vmem>>, vector<1x16xf32>,
      %swap3A_55 = vector.shape_cast %swap3A_54 : vector<1x16xf32> to vector<16xf32>
      %swap3A_56 = vector.shape_cast %broadcast_in_dim3A_0 : vector<16xf32> to vector<1x16xf32>
      tpu.vector_store %arg8[%swap3A_52, %swap3A_53], %swap3A_56 {strides = array<i32>} : memref<80x128xf32, #tpu.memory_space<vmem>>, vector<1x16xf32>,
      %swap3A_57 = arith.index_cast %scan3A_27 : i32 to index
      %swap3A_58 = arith.constant 96 : index
      %swap3A_59 = tpu.vector_load %arg8[%swap3A_57, %swap3A_58] {strides = array<i32>} : memref<80x128xf32, #tpu.memory_space<vmem>>, vector<1x16xf32>,
      %swap3A_60 = vector.shape_cast %swap3A_59 : vector<1x16xf32> to vector<16xf32>
      %swap3A_61 = vector.shape_cast %broadcast_in_dim3A_0 : vector<16xf32> to vector<1x16xf32>
      tpu.vector_store %arg8[%swap3A_57, %swap3A_58], %swap3A_61 {strides = array<i32>} : memref<80x128xf32, #tpu.memory_space<vmem>>, vector<1x16xf32>,
      %swap3A_62 = arith.index_cast %scan3A_27 : i32 to index
      %swap3A_63 = arith.constant 112 : index
      %swap3A_64 = tpu.vector_load %arg8[%swap3A_62, %swap3A_63] {strides = array<i32>} : memref<80x128xf32, #tpu.memory_space<vmem>>, vector<1x16xf32>,
      %swap3A_65 = vector.shape_cast %swap3A_64 : vector<1x16xf32> to vector<16xf32>
      %swap3A_66 = vector.shape_cast %broadcast_in_dim3A_0 : vector<16xf32> to vector<1x16xf32>
      tpu.vector_store %arg8[%swap3A_62, %swap3A_63], %swap3A_66 {strides = array<i32>} : memref<80x128xf32, #tpu.memory_space<vmem>>, vector<1x16xf32>,
    }
    %scan3A_4 = arith.constant 80 : i32
    %lt3A = arith.constant 15 : i32
    %lt3A_5 = arith.cmpi slt, %arg1, %lt3A : i32
    %convert_element_type3A = arith.extui %lt3A_5 : i1 to i32
    %cond3A = arith.constant 0 : i32
    %cond3A_6 = arith.cmpi ne, %convert_element_type3A, %cond3A : i32
    scf.if %cond3A_6 {
      %mul3A = arith.constant 624 : i32
      %mul3A_27 = arith.muli %arg1, %mul3A : i32
      %scan3A_28 = arith.constant 0 : i32
      %scan3A_29 = arith.constant 7 : i32
      %scan3A_30 = arith.addi %scan3A_28, %scan3A_29 : i32
      %scan3A_31 = arith.constant 1 : i32
      scf.for %scan3A_36 = %scan3A_28 to %scan3A_30 step %scan3A_31  : i32 {
        %mul3A_37 = arith.constant 80 : i32
        %mul3A_38 = arith.muli %scan3A_36, %mul3A_37 : i32
        %add3A_39 = arith.addi %mul3A_27, %mul3A_38 : i32
        "tpu.region"() ({
          %run_scoped3A = tpu.sem_alloc : memref<!tpu.dma_semaphore, #tpu.memory_space<semaphore_mem>>
          %dma_start3A = arith.constant 0 : i32
          %dma_start3A_40 = tpu.memref_slice %arg11[%add3A_39, %dma_start3A] : memref<10000x128xf32, #tpu.memory_space<vmem_shared>> -> memref<80x128xf32, #tpu.memory_space<vmem_shared>>
          %dma_start3A_41 = arith.constant 0 : i32
          %dma_start3A_42 = tpu.memref_slice %arg11[%add3A_39, %dma_start3A_41] : memref<10000x128xf32, #tpu.memory_space<vmem_shared>> -> memref<80x128xf32, #tpu.memory_space<vmem_shared>>
          tpu.enqueue_dma source(%arg8 : memref<80x128xf32, #tpu.memory_space<vmem>>) target(%dma_start3A_42 : memref<80x128xf32, #tpu.memory_space<vmem_shared>>) target_semaphore(%run_scoped3A : memref<!tpu.dma_semaphore, #tpu.memory_space<semaphore_mem>>)
          %dma_wait3A = arith.constant 0 : i32
          %dma_wait3A_43 = tpu.memref_slice %arg11[%add3A_39, %dma_wait3A] : memref<10000x128xf32, #tpu.memory_space<vmem_shared>> -> memref<80x128xf32, #tpu.memory_space<vmem_shared>>
          %dma_wait3A_44 = arith.constant 0 : i32
          %dma_wait3A_45 = tpu.memref_slice %arg11[%add3A_39, %dma_wait3A_44] : memref<10000x128xf32, #tpu.memory_space<vmem_shared>> -> memref<80x128xf32, #tpu.memory_space<vmem_shared>>
          tpu.wait_dma2 semaphore(%run_scoped3A : memref<!tpu.dma_semaphore, #tpu.memory_space<semaphore_mem>>) src(%arg8 : memref<80x128xf32, #tpu.memory_space<vmem>>) dst(%dma_wait3A_45 : memref<80x128xf32, #tpu.memory_space<vmem_shared>>)
          tpu.yield
        }) : () -> ()
      }
      %scan3A_32 = arith.constant 7 : i32
      %mul3A_33 = arith.constant 624 : i32
      %mul3A_34 = arith.muli %arg1, %mul3A_33 : i32
      %add3A = arith.constant 560 : i32
      %add3A_35 = arith.addi %mul3A_34, %add3A : i32
      "tpu.region"() ({
        %run_scoped3A = tpu.sem_alloc : memref<!tpu.dma_semaphore, #tpu.memory_space<semaphore_mem>>
        %dma_start3A = arith.constant 0 : i32
        %dma_start3A_36 = arith.constant 0 : i32
        %dma_start3A_37 = tpu.memref_slice %arg8[%dma_start3A, %dma_start3A_36] : memref<80x128xf32, #tpu.memory_space<vmem>> -> memref<64x128xf32, #tpu.memory_space<vmem>>
        %dma_start3A_38 = arith.constant 0 : i32
        %dma_start3A_39 = tpu.memref_slice %arg11[%add3A_35, %dma_start3A_38] : memref<10000x128xf32, #tpu.memory_space<vmem_shared>> -> memref<64x128xf32, #tpu.memory_space<vmem_shared>>
        %dma_start3A_40 = arith.constant 0 : i32
        %dma_start3A_41 = tpu.memref_slice %arg11[%add3A_35, %dma_start3A_40] : memref<10000x128xf32, #tpu.memory_space<vmem_shared>> -> memref<64x128xf32, #tpu.memory_space<vmem_shared>>
        %dma_start3A_42 = arith.constant 0 : i32
        %dma_start3A_43 = arith.constant 0 : i32
        %dma_start3A_44 = tpu.memref_slice %arg8[%dma_start3A_42, %dma_start3A_43] : memref<80x128xf32, #tpu.memory_space<vmem>> -> memref<64x128xf32, #tpu.memory_space<vmem>>
        tpu.enqueue_dma source(%dma_start3A_44 : memref<64x128xf32, #tpu.memory_space<vmem>>) target(%dma_start3A_41 : memref<64x128xf32, #tpu.memory_space<vmem_shared>>) target_semaphore(%run_scoped3A : memref<!tpu.dma_semaphore, #tpu.memory_space<semaphore_mem>>)
        %dma_wait3A = arith.constant 0 : i32
        %dma_wait3A_45 = arith.constant 0 : i32
        %dma_wait3A_46 = tpu.memref_slice %arg8[%dma_wait3A, %dma_wait3A_45] : memref<80x128xf32, #tpu.memory_space<vmem>> -> memref<64x128xf32, #tpu.memory_space<vmem>>
        %dma_wait3A_47 = arith.constant 0 : i32
        %dma_wait3A_48 = tpu.memref_slice %arg11[%add3A_35, %dma_wait3A_47] : memref<10000x128xf32, #tpu.memory_space<vmem_shared>> -> memref<64x128xf32, #tpu.memory_space<vmem_shared>>
        %dma_wait3A_49 = arith.constant 0 : i32
        %dma_wait3A_50 = tpu.memref_slice %arg11[%add3A_35, %dma_wait3A_49] : memref<10000x128xf32, #tpu.memory_space<vmem_shared>> -> memref<64x128xf32, #tpu.memory_space<vmem_shared>>
        %dma_wait3A_51 = arith.constant 0 : i32
        %dma_wait3A_52 = arith.constant 0 : i32
        %dma_wait3A_53 = tpu.memref_slice %arg8[%dma_wait3A_51, %dma_wait3A_52] : memref<80x128xf32, #tpu.memory_space<vmem>> -> memref<64x128xf32, #tpu.memory_space<vmem>>
        tpu.wait_dma2 semaphore(%run_scoped3A : memref<!tpu.dma_semaphore, #tpu.memory_space<semaphore_mem>>) src(%dma_wait3A_53 : memref<64x128xf32, #tpu.memory_space<vmem>>) dst(%dma_wait3A_50 : memref<64x128xf32, #tpu.memory_space<vmem_shared>>)
        tpu.yield
      }) : () -> ()
    } else {
    }
    %eq3A = arith.constant 15 : i32
    %eq3A_7 = arith.cmpi eq, %arg1, %eq3A : i32
    %convert_element_type3A_8 = arith.extui %eq3A_7 : i1 to i32
    %cond3A_9 = arith.constant 0 : i32
    %cond3A_10 = arith.cmpi ne, %convert_element_type3A_8, %cond3A_9 : i32
    scf.if %cond3A_10 {
      %scan3A_27 = arith.constant 0 : i32
      %scan3A_28 = arith.constant 8 : i32
      %scan3A_29 = arith.addi %scan3A_27, %scan3A_28 : i32
      %scan3A_30 = arith.constant 1 : i32
      scf.for %scan3A_32 = %scan3A_27 to %scan3A_29 step %scan3A_30  : i32 {
        %mul3A = arith.constant 80 : i32
        %mul3A_33 = arith.muli %scan3A_32, %mul3A : i32
        %add3A = arith.constant 9360 : i32
        %add3A_34 = arith.addi %add3A, %mul3A_33 : i32
        "tpu.region"() ({
          %run_scoped3A = tpu.sem_alloc : memref<!tpu.dma_semaphore, #tpu.memory_space<semaphore_mem>>
          %dma_start3A = arith.constant 0 : i32
          %dma_start3A_35 = tpu.memref_slice %arg11[%add3A_34, %dma_start3A] : memref<10000x128xf32, #tpu.memory_space<vmem_shared>> -> memref<80x128xf32, #tpu.memory_space<vmem_shared>>
          %dma_start3A_36 = arith.constant 0 : i32
          %dma_start3A_37 = tpu.memref_slice %arg11[%add3A_34, %dma_start3A_36] : memref<10000x128xf32, #tpu.memory_space<vmem_shared>> -> memref<80x128xf32, #tpu.memory_space<vmem_shared>>
          tpu.enqueue_dma source(%arg8 : memref<80x128xf32, #tpu.memory_space<vmem>>) target(%dma_start3A_37 : memref<80x128xf32, #tpu.memory_space<vmem_shared>>) target_semaphore(%run_scoped3A : memref<!tpu.dma_semaphore, #tpu.memory_space<semaphore_mem>>)
          %dma_wait3A = arith.constant 0 : i32
          %dma_wait3A_38 = tpu.memref_slice %arg11[%add3A_34, %dma_wait3A] : memref<10000x128xf32, #tpu.memory_space<vmem_shared>> -> memref<80x128xf32, #tpu.memory_space<vmem_shared>>
          %dma_wait3A_39 = arith.constant 0 : i32
          %dma_wait3A_40 = tpu.memref_slice %arg11[%add3A_34, %dma_wait3A_39] : memref<10000x128xf32, #tpu.memory_space<vmem_shared>> -> memref<80x128xf32, #tpu.memory_space<vmem_shared>>
          tpu.wait_dma2 semaphore(%run_scoped3A : memref<!tpu.dma_semaphore, #tpu.memory_space<semaphore_mem>>) src(%arg8 : memref<80x128xf32, #tpu.memory_space<vmem>>) dst(%dma_wait3A_40 : memref<80x128xf32, #tpu.memory_space<vmem_shared>>)
          tpu.yield
        }) : () -> ()
      }
      %scan3A_31 = arith.constant 8 : i32
    } else {
    }
    %barrier3A = arith.constant 0 : index
    tpu.barrier barrier_id(%barrier3A)
    %scan3A_11 = arith.constant 0 : i32
    %scan3A_12 = arith.constant 5 : i32
    %scan3A_13 = arith.addi %scan3A_11, %scan3A_12 : i32
    %scan3A_14 = arith.constant 1 : i32
    scf.for %scan3A_27 = %scan3A_11 to %scan3A_13 step %scan3A_14  : i32 {
      "tpu.region"() ({
        %run_scoped3A = tpu.sem_alloc : memref<!tpu.dma_semaphore, #tpu.memory_space<semaphore_mem>>
        %dma_start3A_52 = arith.constant 0 : i32
        %dma_start3A_53 = arith.constant 0 : i32
        %dma_start3A_54 = tpu.memref_slice %arg3[%arg0, %arg1, %scan3A_27, %dma_start3A_52, %dma_start3A_53] : memref<2x16x5x50x80xi32, #tpu.memory_space<hbm>> -> memref<1x1x1x50x80xi32, #tpu.memory_space<hbm>>
        %dma_start3A_55 = tpu.memref_squeeze %dma_start3A_54 : memref<1x1x1x50x80xi32, #tpu.memory_space<hbm>> -> memref<50x80xi32, #tpu.memory_space<hbm>>
        %dma_start3A_56 = arith.constant 0 : i32
        %dma_start3A_57 = arith.constant 0 : i32
        %dma_start3A_58 = tpu.memref_slice %arg3[%arg0, %arg1, %scan3A_27, %dma_start3A_56, %dma_start3A_57] : memref<2x16x5x50x80xi32, #tpu.memory_space<hbm>> -> memref<1x1x1x50x80xi32, #tpu.memory_space<hbm>>
        %dma_start3A_59 = tpu.memref_squeeze %dma_start3A_58 : memref<1x1x1x50x80xi32, #tpu.memory_space<hbm>> -> memref<50x80xi32, #tpu.memory_space<hbm>>
        tpu.enqueue_dma source(%dma_start3A_59 : memref<50x80xi32, #tpu.memory_space<hbm>>) target(%arg6 : memref<50x80xi32, #tpu.memory_space<vmem>>) target_semaphore(%run_scoped3A : memref<!tpu.dma_semaphore, #tpu.memory_space<semaphore_mem>>)
        %dma_wait3A_60 = arith.constant 0 : i32
        %dma_wait3A_61 = arith.constant 0 : i32
        %dma_wait3A_62 = tpu.memref_slice %arg3[%arg0, %arg1, %scan3A_27, %dma_wait3A_60, %dma_wait3A_61] : memref<2x16x5x50x80xi32, #tpu.memory_space<hbm>> -> memref<1x1x1x50x80xi32, #tpu.memory_space<hbm>>
        %dma_wait3A_63 = tpu.memref_squeeze %dma_wait3A_62 : memref<1x1x1x50x80xi32, #tpu.memory_space<hbm>> -> memref<50x80xi32, #tpu.memory_space<hbm>>
        %dma_wait3A_64 = arith.constant 0 : i32
        %dma_wait3A_65 = arith.constant 0 : i32
        %dma_wait3A_66 = tpu.memref_slice %arg3[%arg0, %arg1, %scan3A_27, %dma_wait3A_64, %dma_wait3A_65] : memref<2x16x5x50x80xi32, #tpu.memory_space<hbm>> -> memref<1x1x1x50x80xi32, #tpu.memory_space<hbm>>
        %dma_wait3A_67 = tpu.memref_squeeze %dma_wait3A_66 : memref<1x1x1x50x80xi32, #tpu.memory_space<hbm>> -> memref<50x80xi32, #tpu.memory_space<hbm>>
        tpu.wait_dma2 semaphore(%run_scoped3A : memref<!tpu.dma_semaphore, #tpu.memory_space<semaphore_mem>>) src(%dma_wait3A_67 : memref<50x80xi32, #tpu.memory_space<hbm>>) dst(%arg6 : memref<50x80xi32, #tpu.memory_space<vmem>>)
        tpu.yield
      }) : () -> ()
      "tpu.region"() ({
        %run_scoped3A = tpu.sem_alloc : memref<!tpu.dma_semaphore, #tpu.memory_space<semaphore_mem>>
        %dma_start3A_52 = arith.constant 0 : i32
        %dma_start3A_53 = arith.constant 0 : i32
        %dma_start3A_54 = tpu.memref_slice %arg4[%arg0, %arg1, %scan3A_27, %dma_start3A_52, %dma_start3A_53] : memref<2x16x5x50x80xi32, #tpu.memory_space<hbm>> -> memref<1x1x1x50x80xi32, #tpu.memory_space<hbm>>
        %dma_start3A_55 = tpu.memref_squeeze %dma_start3A_54 : memref<1x1x1x50x80xi32, #tpu.memory_space<hbm>> -> memref<50x80xi32, #tpu.memory_space<hbm>>
        %dma_start3A_56 = arith.constant 0 : i32
        %dma_start3A_57 = arith.constant 0 : i32
        %dma_start3A_58 = tpu.memref_slice %arg4[%arg0, %arg1, %scan3A_27, %dma_start3A_56, %dma_start3A_57] : memref<2x16x5x50x80xi32, #tpu.memory_space<hbm>> -> memref<1x1x1x50x80xi32, #tpu.memory_space<hbm>>
        %dma_start3A_59 = tpu.memref_squeeze %dma_start3A_58 : memref<1x1x1x50x80xi32, #tpu.memory_space<hbm>> -> memref<50x80xi32, #tpu.memory_space<hbm>>
        tpu.enqueue_dma source(%dma_start3A_59 : memref<50x80xi32, #tpu.memory_space<hbm>>) target(%arg7 : memref<50x80xi32, #tpu.memory_space<vmem>>) target_semaphore(%run_scoped3A : memref<!tpu.dma_semaphore, #tpu.memory_space<semaphore_mem>>)
        %dma_wait3A_60 = arith.constant 0 : i32
        %dma_wait3A_61 = arith.constant 0 : i32
        %dma_wait3A_62 = tpu.memref_slice %arg4[%arg0, %arg1, %scan3A_27, %dma_wait3A_60, %dma_wait3A_61] : memref<2x16x5x50x80xi32, #tpu.memory_space<hbm>> -> memref<1x1x1x50x80xi32, #tpu.memory_space<hbm>>
        %dma_wait3A_63 = tpu.memref_squeeze %dma_wait3A_62 : memref<1x1x1x50x80xi32, #tpu.memory_space<hbm>> -> memref<50x80xi32, #tpu.memory_space<hbm>>
        %dma_wait3A_64 = arith.constant 0 : i32
        %dma_wait3A_65 = arith.constant 0 : i32
        %dma_wait3A_66 = tpu.memref_slice %arg4[%arg0, %arg1, %scan3A_27, %dma_wait3A_64, %dma_wait3A_65] : memref<2x16x5x50x80xi32, #tpu.memory_space<hbm>> -> memref<1x1x1x50x80xi32, #tpu.memory_space<hbm>>
        %dma_wait3A_67 = tpu.memref_squeeze %dma_wait3A_66 : memref<1x1x1x50x80xi32, #tpu.memory_space<hbm>> -> memref<50x80xi32, #tpu.memory_space<hbm>>
        tpu.wait_dma2 semaphore(%run_scoped3A : memref<!tpu.dma_semaphore, #tpu.memory_space<semaphore_mem>>) src(%dma_wait3A_67 : memref<50x80xi32, #tpu.memory_space<hbm>>) dst(%arg7 : memref<50x80xi32, #tpu.memory_space<vmem>>)
        tpu.yield
      }) : () -> ()
      %dma_start3A = arith.constant 0 : i32
      %dma_start3A_28 = arith.constant 0 : i32
      %dma_start3A_29 = tpu.memref_slice %arg6[%dma_start3A, %dma_start3A_28] : memref<50x80xi32, #tpu.memory_space<vmem>> -> memref<1x80xi32, #tpu.memory_space<vmem>>
      %dma_start3A_30 = tpu.memref_squeeze %dma_start3A_29 : memref<1x80xi32, #tpu.memory_space<vmem>> -> memref<80xi32, #tpu.memory_space<vmem>>
      %dma_start3A_31 = arith.constant 0 : i32
      %dma_start3A_32 = arith.constant 0 : i32
      %dma_start3A_33 = tpu.memref_slice %arg2[%dma_start3A_31, %dma_start3A_32] : memref<20000x128xf32, #tpu.memory_space<hbm>> -> memref<20000x128xf32, #tpu.memory_space<hbm>>
      tpu.enqueue_indirect_dma source(%dma_start3A_33 : memref<20000x128xf32, #tpu.memory_space<hbm>>) target(%arg8 : memref<80x128xf32, #tpu.memory_space<vmem>>) offsets(%dma_start3A_30 : memref<80xi32, #tpu.memory_space<vmem>>) semaphore(%arg12 : memref<!tpu.dma_semaphore, #tpu.memory_space<semaphore_mem>>)
      %dma_start3A_34 = arith.constant 1 : i32
      %dma_start3A_35 = arith.constant 0 : i32
      %dma_start3A_36 = tpu.memref_slice %arg6[%dma_start3A_34, %dma_start3A_35] : memref<50x80xi32, #tpu.memory_space<vmem>> -> memref<1x80xi32, #tpu.memory_space<vmem>>
      %dma_start3A_37 = tpu.memref_squeeze %dma_start3A_36 : memref<1x80xi32, #tpu.memory_space<vmem>> -> memref<80xi32, #tpu.memory_space<vmem>>
      %dma_start3A_38 = arith.constant 0 : i32
      %dma_start3A_39 = arith.constant 0 : i32
      %dma_start3A_40 = tpu.memref_slice %arg2[%dma_start3A_38, %dma_start3A_39] : memref<20000x128xf32, #tpu.memory_space<hbm>> -> memref<20000x128xf32, #tpu.memory_space<hbm>>
      tpu.enqueue_indirect_dma source(%dma_start3A_40 : memref<20000x128xf32, #tpu.memory_space<hbm>>) target(%arg9 : memref<80x128xf32, #tpu.memory_space<vmem>>) offsets(%dma_start3A_37 : memref<80xi32, #tpu.memory_space<vmem>>) semaphore(%arg13 : memref<!tpu.dma_semaphore, #tpu.memory_space<semaphore_mem>>)
      %scan3A_41 = arith.constant 0 : i32
      %scan3A_42 = arith.constant 50 : i32
      %scan3A_43 = arith.addi %scan3A_41, %scan3A_42 : i32
      %scan3A_44 = arith.constant 1 : i32
      scf.for %scan3A_52 = %scan3A_41 to %scan3A_43 step %scan3A_44  : i32 {
        %ge3A = arith.constant 1 : i32
        %ge3A_53 = arith.cmpi sge, %scan3A_52, %ge3A : i32
        %sub3A = arith.constant 1 : i32
        %sub3A_54 = arith.subi %scan3A_52, %sub3A : i32
        %jit3A = arith.constant 3 : i32
        %eq3A_55 = arith.constant 0 : i32
        %eq3A_56 = arith.cmpi eq, %jit3A, %eq3A_55 : i32
        %jit3A_57 = arith.constant 1 : i32
        %select_n3A = arith.select %eq3A_56, %jit3A_57, %jit3A : i32
        %rem3A = arith.remsi %sub3A_54, %select_n3A : i32
        %ne3A = arith.constant 0 : i32
        %ne3A_58 = arith.cmpi ne, %rem3A, %ne3A : i32
        %lt3A_59 = arith.constant 0 : i32
        %lt3A_60 = arith.cmpi slt, %rem3A, %lt3A_59 : i32
        %lt3A_61 = arith.constant 0 : i32
        %lt3A_62 = arith.cmpi slt, %select_n3A, %lt3A_61 : i32
        %ne3A_63 = arith.xori %lt3A_60, %lt3A_62 : i1
        %and3A = arith.andi %ne3A_63, %ne3A_58 : i1
        %add3A = arith.addi %rem3A, %select_n3A : i32
        %select_n3A_64 = arith.select %and3A, %add3A, %rem3A : i32
        %eq3A_65 = arith.constant 0 : i32
        %eq3A_66 = arith.cmpi eq, %select_n3A_64, %eq3A_65 : i32
        %and3A_67 = arith.andi %ge3A_53, %eq3A_66 : i1
        %convert_element_type3A_68 = arith.extui %and3A_67 : i1 to i32
        %cond3A_69 = arith.constant 0 : i32
        %cond3A_70 = arith.cmpi ne, %convert_element_type3A_68, %cond3A_69 : i32
        scf.if %cond3A_70 {
          %sub3A_270 = arith.constant 1 : i32
          %sub3A_271 = arith.subi %scan3A_52, %sub3A_270 : i32
          %dma_wait3A_272 = arith.constant 0 : i32
          %dma_wait3A_273 = tpu.memref_slice %arg7[%sub3A_271, %dma_wait3A_272] : memref<50x80xi32, #tpu.memory_space<vmem>> -> memref<1x80xi32, #tpu.memory_space<vmem>>
          %dma_wait3A_274 = tpu.memref_squeeze %dma_wait3A_273 : memref<1x80xi32, #tpu.memory_space<vmem>> -> memref<80xi32, #tpu.memory_space<vmem>>
          %dma_wait3A_275 = arith.constant 0 : i32
          %dma_wait3A_276 = arith.constant 0 : i32
          %dma_wait3A_277 = tpu.memref_slice %arg11[%dma_wait3A_275, %dma_wait3A_276] : memref<10000x128xf32, #tpu.memory_space<vmem_shared>> -> memref<10000x128xf32, #tpu.memory_space<vmem_shared>>
          tpu.wait_indirect_dma semaphore(%arg15 : memref<!tpu.dma_semaphore, #tpu.memory_space<semaphore_mem>>) src(%arg8 : memref<80x128xf32, #tpu.memory_space<vmem>>) dst(%dma_wait3A_277 : memref<10000x128xf32, #tpu.memory_space<vmem_shared>>)
        } else {
        }
        %ge3A_71 = arith.constant 1 : i32
        %ge3A_72 = arith.cmpi sge, %scan3A_52, %ge3A_71 : i32
        %sub3A_73 = arith.constant 1 : i32
        %sub3A_74 = arith.subi %scan3A_52, %sub3A_73 : i32
        %jit3A_75 = arith.constant 3 : i32
        %eq3A_76 = arith.constant 0 : i32
        %eq3A_77 = arith.cmpi eq, %jit3A_75, %eq3A_76 : i32
        %jit3A_78 = arith.constant 1 : i32
        %select_n3A_79 = arith.select %eq3A_77, %jit3A_78, %jit3A_75 : i32
        %rem3A_80 = arith.remsi %sub3A_74, %select_n3A_79 : i32
        %ne3A_81 = arith.constant 0 : i32
        %ne3A_82 = arith.cmpi ne, %rem3A_80, %ne3A_81 : i32
        %lt3A_83 = arith.constant 0 : i32
        %lt3A_84 = arith.cmpi slt, %rem3A_80, %lt3A_83 : i32
        %lt3A_85 = arith.constant 0 : i32
        %lt3A_86 = arith.cmpi slt, %select_n3A_79, %lt3A_85 : i32
        %ne3A_87 = arith.xori %lt3A_84, %lt3A_86 : i1
        %and3A_88 = arith.andi %ne3A_87, %ne3A_82 : i1
        %add3A_89 = arith.addi %rem3A_80, %select_n3A_79 : i32
        %select_n3A_90 = arith.select %and3A_88, %add3A_89, %rem3A_80 : i32
        %eq3A_91 = arith.constant 1 : i32
        %eq3A_92 = arith.cmpi eq, %select_n3A_90, %eq3A_91 : i32
        %and3A_93 = arith.andi %ge3A_72, %eq3A_92 : i1
        %convert_element_type3A_94 = arith.extui %and3A_93 : i1 to i32
        %cond3A_95 = arith.constant 0 : i32
        %cond3A_96 = arith.cmpi ne, %convert_element_type3A_94, %cond3A_95 : i32
        scf.if %cond3A_96 {
          %sub3A_270 = arith.constant 1 : i32
          %sub3A_271 = arith.subi %scan3A_52, %sub3A_270 : i32
          %dma_wait3A_272 = arith.constant 0 : i32
          %dma_wait3A_273 = tpu.memref_slice %arg7[%sub3A_271, %dma_wait3A_272] : memref<50x80xi32, #tpu.memory_space<vmem>> -> memref<1x80xi32, #tpu.memory_space<vmem>>
          %dma_wait3A_274 = tpu.memref_squeeze %dma_wait3A_273 : memref<1x80xi32, #tpu.memory_space<vmem>> -> memref<80xi32, #tpu.memory_space<vmem>>
          %dma_wait3A_275 = arith.constant 0 : i32
          %dma_wait3A_276 = arith.constant 0 : i32
          %dma_wait3A_277 = tpu.memref_slice %arg11[%dma_wait3A_275, %dma_wait3A_276] : memref<10000x128xf32, #tpu.memory_space<vmem_shared>> -> memref<10000x128xf32, #tpu.memory_space<vmem_shared>>
          tpu.wait_indirect_dma semaphore(%arg16 : memref<!tpu.dma_semaphore, #tpu.memory_space<semaphore_mem>>) src(%arg9 : memref<80x128xf32, #tpu.memory_space<vmem>>) dst(%dma_wait3A_277 : memref<10000x128xf32, #tpu.memory_space<vmem_shared>>)
        } else {
        }
        %ge3A_97 = arith.constant 1 : i32
        %ge3A_98 = arith.cmpi sge, %scan3A_52, %ge3A_97 : i32
        %sub3A_99 = arith.constant 1 : i32
        %sub3A_100 = arith.subi %scan3A_52, %sub3A_99 : i32
        %jit3A_101 = arith.constant 3 : i32
        %eq3A_102 = arith.constant 0 : i32
        %eq3A_103 = arith.cmpi eq, %jit3A_101, %eq3A_102 : i32
        %jit3A_104 = arith.constant 1 : i32
        %select_n3A_105 = arith.select %eq3A_103, %jit3A_104, %jit3A_101 : i32
        %rem3A_106 = arith.remsi %sub3A_100, %select_n3A_105 : i32
        %ne3A_107 = arith.constant 0 : i32
        %ne3A_108 = arith.cmpi ne, %rem3A_106, %ne3A_107 : i32
        %lt3A_109 = arith.constant 0 : i32
        %lt3A_110 = arith.cmpi slt, %rem3A_106, %lt3A_109 : i32
        %lt3A_111 = arith.constant 0 : i32
        %lt3A_112 = arith.cmpi slt, %select_n3A_105, %lt3A_111 : i32
        %ne3A_113 = arith.xori %lt3A_110, %lt3A_112 : i1
        %and3A_114 = arith.andi %ne3A_113, %ne3A_108 : i1
        %add3A_115 = arith.addi %rem3A_106, %select_n3A_105 : i32
        %select_n3A_116 = arith.select %and3A_114, %add3A_115, %rem3A_106 : i32
        %eq3A_117 = arith.constant 2 : i32
        %eq3A_118 = arith.cmpi eq, %select_n3A_116, %eq3A_117 : i32
        %and3A_119 = arith.andi %ge3A_98, %eq3A_118 : i1
        %convert_element_type3A_120 = arith.extui %and3A_119 : i1 to i32
        %cond3A_121 = arith.constant 0 : i32
        %cond3A_122 = arith.cmpi ne, %convert_element_type3A_120, %cond3A_121 : i32
        scf.if %cond3A_122 {
          %sub3A_270 = arith.constant 1 : i32
          %sub3A_271 = arith.subi %scan3A_52, %sub3A_270 : i32
          %dma_wait3A_272 = arith.constant 0 : i32
          %dma_wait3A_273 = tpu.memref_slice %arg7[%sub3A_271, %dma_wait3A_272] : memref<50x80xi32, #tpu.memory_space<vmem>> -> memref<1x80xi32, #tpu.memory_space<vmem>>
          %dma_wait3A_274 = tpu.memref_squeeze %dma_wait3A_273 : memref<1x80xi32, #tpu.memory_space<vmem>> -> memref<80xi32, #tpu.memory_space<vmem>>
          %dma_wait3A_275 = arith.constant 0 : i32
          %dma_wait3A_276 = arith.constant 0 : i32
          %dma_wait3A_277 = tpu.memref_slice %arg11[%dma_wait3A_275, %dma_wait3A_276] : memref<10000x128xf32, #tpu.memory_space<vmem_shared>> -> memref<10000x128xf32, #tpu.memory_space<vmem_shared>>
          tpu.wait_indirect_dma semaphore(%arg15 : memref<!tpu.dma_semaphore, #tpu.memory_space<semaphore_mem>>) src(%arg10 : memref<80x128xf32, #tpu.memory_space<vmem>>) dst(%dma_wait3A_277 : memref<10000x128xf32, #tpu.memory_space<vmem_shared>>)
        } else {
        }
        %add3A_123 = arith.constant 2 : i32
        %add3A_124 = arith.addi %scan3A_52, %add3A_123 : i32
        %lt3A_125 = arith.constant 50 : i32
        %lt3A_126 = arith.cmpi slt, %add3A_124, %lt3A_125 : i32
        %add3A_127 = arith.constant 2 : i32
        %add3A_128 = arith.addi %scan3A_52, %add3A_127 : i32
        %jit3A_129 = arith.constant 3 : i32
        %eq3A_130 = arith.constant 0 : i32
        %eq3A_131 = arith.cmpi eq, %jit3A_129, %eq3A_130 : i32
        %jit3A_132 = arith.constant 1 : i32
        %select_n3A_133 = arith.select %eq3A_131, %jit3A_132, %jit3A_129 : i32
        %rem3A_134 = arith.remsi %add3A_128, %select_n3A_133 : i32
        %ne3A_135 = arith.constant 0 : i32
        %ne3A_136 = arith.cmpi ne, %rem3A_134, %ne3A_135 : i32
        %lt3A_137 = arith.constant 0 : i32
        %lt3A_138 = arith.cmpi slt, %rem3A_134, %lt3A_137 : i32
        %lt3A_139 = arith.constant 0 : i32
        %lt3A_140 = arith.cmpi slt, %select_n3A_133, %lt3A_139 : i32
        %ne3A_141 = arith.xori %lt3A_138, %lt3A_140 : i1
        %and3A_142 = arith.andi %ne3A_141, %ne3A_136 : i1
        %add3A_143 = arith.addi %rem3A_134, %select_n3A_133 : i32
        %select_n3A_144 = arith.select %and3A_142, %add3A_143, %rem3A_134 : i32
        %eq3A_145 = arith.constant 0 : i32
        %eq3A_146 = arith.cmpi eq, %select_n3A_144, %eq3A_145 : i32
        %and3A_147 = arith.andi %lt3A_126, %eq3A_146 : i1
        %convert_element_type3A_148 = arith.extui %and3A_147 : i1 to i32
        %cond3A_149 = arith.constant 0 : i32
        %cond3A_150 = arith.cmpi ne, %convert_element_type3A_148, %cond3A_149 : i32
        scf.if %cond3A_150 {
          %add3A_270 = arith.constant 2 : i32
          %add3A_271 = arith.addi %scan3A_52, %add3A_270 : i32
          %dma_start3A_272 = arith.constant 0 : i32
          %dma_start3A_273 = tpu.memref_slice %arg6[%add3A_271, %dma_start3A_272] : memref<50x80xi32, #tpu.memory_space<vmem>> -> memref<1x80xi32, #tpu.memory_space<vmem>>
          %dma_start3A_274 = tpu.memref_squeeze %dma_start3A_273 : memref<1x80xi32, #tpu.memory_space<vmem>> -> memref<80xi32, #tpu.memory_space<vmem>>
          %dma_start3A_275 = arith.constant 0 : i32
          %dma_start3A_276 = arith.constant 0 : i32
          %dma_start3A_277 = tpu.memref_slice %arg2[%dma_start3A_275, %dma_start3A_276] : memref<20000x128xf32, #tpu.memory_space<hbm>> -> memref<20000x128xf32, #tpu.memory_space<hbm>>
          tpu.enqueue_indirect_dma source(%dma_start3A_277 : memref<20000x128xf32, #tpu.memory_space<hbm>>) target(%arg8 : memref<80x128xf32, #tpu.memory_space<vmem>>) offsets(%dma_start3A_274 : memref<80xi32, #tpu.memory_space<vmem>>) semaphore(%arg12 : memref<!tpu.dma_semaphore, #tpu.memory_space<semaphore_mem>>)
        } else {
        }
        %add3A_151 = arith.constant 2 : i32
        %add3A_152 = arith.addi %scan3A_52, %add3A_151 : i32
        %lt3A_153 = arith.constant 50 : i32
        %lt3A_154 = arith.cmpi slt, %add3A_152, %lt3A_153 : i32
        %add3A_155 = arith.constant 2 : i32
        %add3A_156 = arith.addi %scan3A_52, %add3A_155 : i32
        %jit3A_157 = arith.constant 3 : i32
        %eq3A_158 = arith.constant 0 : i32
        %eq3A_159 = arith.cmpi eq, %jit3A_157, %eq3A_158 : i32
        %jit3A_160 = arith.constant 1 : i32
        %select_n3A_161 = arith.select %eq3A_159, %jit3A_160, %jit3A_157 : i32
        %rem3A_162 = arith.remsi %add3A_156, %select_n3A_161 : i32
        %ne3A_163 = arith.constant 0 : i32
        %ne3A_164 = arith.cmpi ne, %rem3A_162, %ne3A_163 : i32
        %lt3A_165 = arith.constant 0 : i32
        %lt3A_166 = arith.cmpi slt, %rem3A_162, %lt3A_165 : i32
        %lt3A_167 = arith.constant 0 : i32
        %lt3A_168 = arith.cmpi slt, %select_n3A_161, %lt3A_167 : i32
        %ne3A_169 = arith.xori %lt3A_166, %lt3A_168 : i1
        %and3A_170 = arith.andi %ne3A_169, %ne3A_164 : i1
        %add3A_171 = arith.addi %rem3A_162, %select_n3A_161 : i32
        %select_n3A_172 = arith.select %and3A_170, %add3A_171, %rem3A_162 : i32
        %eq3A_173 = arith.constant 1 : i32
        %eq3A_174 = arith.cmpi eq, %select_n3A_172, %eq3A_173 : i32
        %and3A_175 = arith.andi %lt3A_154, %eq3A_174 : i1
        %convert_element_type3A_176 = arith.extui %and3A_175 : i1 to i32
        %cond3A_177 = arith.constant 0 : i32
        %cond3A_178 = arith.cmpi ne, %convert_element_type3A_176, %cond3A_177 : i32
        scf.if %cond3A_178 {
          %add3A_270 = arith.constant 2 : i32
          %add3A_271 = arith.addi %scan3A_52, %add3A_270 : i32
          %dma_start3A_272 = arith.constant 0 : i32
          %dma_start3A_273 = tpu.memref_slice %arg6[%add3A_271, %dma_start3A_272] : memref<50x80xi32, #tpu.memory_space<vmem>> -> memref<1x80xi32, #tpu.memory_space<vmem>>
          %dma_start3A_274 = tpu.memref_squeeze %dma_start3A_273 : memref<1x80xi32, #tpu.memory_space<vmem>> -> memref<80xi32, #tpu.memory_space<vmem>>
          %dma_start3A_275 = arith.constant 0 : i32
          %dma_start3A_276 = arith.constant 0 : i32
          %dma_start3A_277 = tpu.memref_slice %arg2[%dma_start3A_275, %dma_start3A_276] : memref<20000x128xf32, #tpu.memory_space<hbm>> -> memref<20000x128xf32, #tpu.memory_space<hbm>>
          tpu.enqueue_indirect_dma source(%dma_start3A_277 : memref<20000x128xf32, #tpu.memory_space<hbm>>) target(%arg9 : memref<80x128xf32, #tpu.memory_space<vmem>>) offsets(%dma_start3A_274 : memref<80xi32, #tpu.memory_space<vmem>>) semaphore(%arg13 : memref<!tpu.dma_semaphore, #tpu.memory_space<semaphore_mem>>)
        } else {
        }
        %add3A_179 = arith.constant 2 : i32
        %add3A_180 = arith.addi %scan3A_52, %add3A_179 : i32
        %lt3A_181 = arith.constant 50 : i32
        %lt3A_182 = arith.cmpi slt, %add3A_180, %lt3A_181 : i32
        %add3A_183 = arith.constant 2 : i32
        %add3A_184 = arith.addi %scan3A_52, %add3A_183 : i32
        %jit3A_185 = arith.constant 3 : i32
        %eq3A_186 = arith.constant 0 : i32
        %eq3A_187 = arith.cmpi eq, %jit3A_185, %eq3A_186 : i32
        %jit3A_188 = arith.constant 1 : i32
        %select_n3A_189 = arith.select %eq3A_187, %jit3A_188, %jit3A_185 : i32
        %rem3A_190 = arith.remsi %add3A_184, %select_n3A_189 : i32
        %ne3A_191 = arith.constant 0 : i32
        %ne3A_192 = arith.cmpi ne, %rem3A_190, %ne3A_191 : i32
        %lt3A_193 = arith.constant 0 : i32
        %lt3A_194 = arith.cmpi slt, %rem3A_190, %lt3A_193 : i32
        %lt3A_195 = arith.constant 0 : i32
        %lt3A_196 = arith.cmpi slt, %select_n3A_189, %lt3A_195 : i32
        %ne3A_197 = arith.xori %lt3A_194, %lt3A_196 : i1
        %and3A_198 = arith.andi %ne3A_197, %ne3A_192 : i1
        %add3A_199 = arith.addi %rem3A_190, %select_n3A_189 : i32
        %select_n3A_200 = arith.select %and3A_198, %add3A_199, %rem3A_190 : i32
        %eq3A_201 = arith.constant 2 : i32
        %eq3A_202 = arith.cmpi eq, %select_n3A_200, %eq3A_201 : i32
        %and3A_203 = arith.andi %lt3A_182, %eq3A_202 : i1
        %convert_element_type3A_204 = arith.extui %and3A_203 : i1 to i32
        %cond3A_205 = arith.constant 0 : i32
        %cond3A_206 = arith.cmpi ne, %convert_element_type3A_204, %cond3A_205 : i32
        scf.if %cond3A_206 {
          %add3A_270 = arith.constant 2 : i32
          %add3A_271 = arith.addi %scan3A_52, %add3A_270 : i32
          %dma_start3A_272 = arith.constant 0 : i32
          %dma_start3A_273 = tpu.memref_slice %arg6[%add3A_271, %dma_start3A_272] : memref<50x80xi32, #tpu.memory_space<vmem>> -> memref<1x80xi32, #tpu.memory_space<vmem>>
          %dma_start3A_274 = tpu.memref_squeeze %dma_start3A_273 : memref<1x80xi32, #tpu.memory_space<vmem>> -> memref<80xi32, #tpu.memory_space<vmem>>
          %dma_start3A_275 = arith.constant 0 : i32
          %dma_start3A_276 = arith.constant 0 : i32
          %dma_start3A_277 = tpu.memref_slice %arg2[%dma_start3A_275, %dma_start3A_276] : memref<20000x128xf32, #tpu.memory_space<hbm>> -> memref<20000x128xf32, #tpu.memory_space<hbm>>
          tpu.enqueue_indirect_dma source(%dma_start3A_277 : memref<20000x128xf32, #tpu.memory_space<hbm>>) target(%arg10 : memref<80x128xf32, #tpu.memory_space<vmem>>) offsets(%dma_start3A_274 : memref<80xi32, #tpu.memory_space<vmem>>) semaphore(%arg14 : memref<!tpu.dma_semaphore, #tpu.memory_space<semaphore_mem>>)
        } else {
        }
        %jit3A_207 = arith.constant 3 : i32
        %eq3A_208 = arith.constant 0 : i32
        %eq3A_209 = arith.cmpi eq, %jit3A_207, %eq3A_208 : i32
        %jit3A_210 = arith.constant 1 : i32
        %select_n3A_211 = arith.select %eq3A_209, %jit3A_210, %jit3A_207 : i32
        %rem3A_212 = arith.remsi %scan3A_52, %select_n3A_211 : i32
        %ne3A_213 = arith.constant 0 : i32
        %ne3A_214 = arith.cmpi ne, %rem3A_212, %ne3A_213 : i32
        %lt3A_215 = arith.constant 0 : i32
        %lt3A_216 = arith.cmpi slt, %rem3A_212, %lt3A_215 : i32
        %lt3A_217 = arith.constant 0 : i32
        %lt3A_218 = arith.cmpi slt, %select_n3A_211, %lt3A_217 : i32
        %ne3A_219 = arith.xori %lt3A_216, %lt3A_218 : i1
        %and3A_220 = arith.andi %ne3A_219, %ne3A_214 : i1
        %add3A_221 = arith.addi %rem3A_212, %select_n3A_211 : i32
        %select_n3A_222 = arith.select %and3A_220, %add3A_221, %rem3A_212 : i32
        %eq3A_223 = arith.constant 0 : i32
        %eq3A_224 = arith.cmpi eq, %select_n3A_222, %eq3A_223 : i32
        %convert_element_type3A_225 = arith.extui %eq3A_224 : i1 to i32
        %cond3A_226 = arith.constant 0 : i32
        %cond3A_227 = arith.cmpi ne, %convert_element_type3A_225, %cond3A_226 : i32
        scf.if %cond3A_227 {
          %dma_wait3A_270 = arith.constant 0 : i32
          %dma_wait3A_271 = tpu.memref_slice %arg6[%scan3A_52, %dma_wait3A_270] : memref<50x80xi32, #tpu.memory_space<vmem>> -> memref<1x80xi32, #tpu.memory_space<vmem>>
          %dma_wait3A_272 = tpu.memref_squeeze %dma_wait3A_271 : memref<1x80xi32, #tpu.memory_space<vmem>> -> memref<80xi32, #tpu.memory_space<vmem>>
          %dma_wait3A_273 = arith.constant 0 : i32
          %dma_wait3A_274 = arith.constant 0 : i32
          %dma_wait3A_275 = tpu.memref_slice %arg2[%dma_wait3A_273, %dma_wait3A_274] : memref<20000x128xf32, #tpu.memory_space<hbm>> -> memref<20000x128xf32, #tpu.memory_space<hbm>>
          tpu.wait_indirect_dma semaphore(%arg12 : memref<!tpu.dma_semaphore, #tpu.memory_space<semaphore_mem>>) src(%dma_wait3A_275 : memref<20000x128xf32, #tpu.memory_space<hbm>>) dst(%arg8 : memref<80x128xf32, #tpu.memory_space<vmem>>)
          %dma_start3A_276 = arith.constant 0 : i32
          %dma_start3A_277 = tpu.memref_slice %arg7[%scan3A_52, %dma_start3A_276] : memref<50x80xi32, #tpu.memory_space<vmem>> -> memref<1x80xi32, #tpu.memory_space<vmem>>
          %dma_start3A_278 = tpu.memref_squeeze %dma_start3A_277 : memref<1x80xi32, #tpu.memory_space<vmem>> -> memref<80xi32, #tpu.memory_space<vmem>>
          %dma_start3A_279 = arith.constant 0 : i32
          %dma_start3A_280 = arith.constant 0 : i32
          %dma_start3A_281 = tpu.memref_slice %arg11[%dma_start3A_279, %dma_start3A_280] : memref<10000x128xf32, #tpu.memory_space<vmem_shared>> -> memref<10000x128xf32, #tpu.memory_space<vmem_shared>>
          tpu.enqueue_indirect_dma source(%arg8 : memref<80x128xf32, #tpu.memory_space<vmem>>) target(%dma_start3A_281 : memref<10000x128xf32, #tpu.memory_space<vmem_shared>>) offsets(%dma_start3A_278 : memref<80xi32, #tpu.memory_space<vmem>>) semaphore(%arg15 : memref<!tpu.dma_semaphore, #tpu.memory_space<semaphore_mem>>) {add = true}
        } else {
        }
        %jit3A_228 = arith.constant 3 : i32
        %eq3A_229 = arith.constant 0 : i32
        %eq3A_230 = arith.cmpi eq, %jit3A_228, %eq3A_229 : i32
        %jit3A_231 = arith.constant 1 : i32
        %select_n3A_232 = arith.select %eq3A_230, %jit3A_231, %jit3A_228 : i32
        %rem3A_233 = arith.remsi %scan3A_52, %select_n3A_232 : i32
        %ne3A_234 = arith.constant 0 : i32
        %ne3A_235 = arith.cmpi ne, %rem3A_233, %ne3A_234 : i32
        %lt3A_236 = arith.constant 0 : i32
        %lt3A_237 = arith.cmpi slt, %rem3A_233, %lt3A_236 : i32
        %lt3A_238 = arith.constant 0 : i32
        %lt3A_239 = arith.cmpi slt, %select_n3A_232, %lt3A_238 : i32
        %ne3A_240 = arith.xori %lt3A_237, %lt3A_239 : i1
        %and3A_241 = arith.andi %ne3A_240, %ne3A_235 : i1
        %add3A_242 = arith.addi %rem3A_233, %select_n3A_232 : i32
        %select_n3A_243 = arith.select %and3A_241, %add3A_242, %rem3A_233 : i32
        %eq3A_244 = arith.constant 1 : i32
        %eq3A_245 = arith.cmpi eq, %select_n3A_243, %eq3A_244 : i32
        %convert_element_type3A_246 = arith.extui %eq3A_245 : i1 to i32
        %cond3A_247 = arith.constant 0 : i32
        %cond3A_248 = arith.cmpi ne, %convert_element_type3A_246, %cond3A_247 : i32
        scf.if %cond3A_248 {
          %dma_wait3A_270 = arith.constant 0 : i32
          %dma_wait3A_271 = tpu.memref_slice %arg6[%scan3A_52, %dma_wait3A_270] : memref<50x80xi32, #tpu.memory_space<vmem>> -> memref<1x80xi32, #tpu.memory_space<vmem>>
          %dma_wait3A_272 = tpu.memref_squeeze %dma_wait3A_271 : memref<1x80xi32, #tpu.memory_space<vmem>> -> memref<80xi32, #tpu.memory_space<vmem>>
          %dma_wait3A_273 = arith.constant 0 : i32
          %dma_wait3A_274 = arith.constant 0 : i32
          %dma_wait3A_275 = tpu.memref_slice %arg2[%dma_wait3A_273, %dma_wait3A_274] : memref<20000x128xf32, #tpu.memory_space<hbm>> -> memref<20000x128xf32, #tpu.memory_space<hbm>>
          tpu.wait_indirect_dma semaphore(%arg13 : memref<!tpu.dma_semaphore, #tpu.memory_space<semaphore_mem>>) src(%dma_wait3A_275 : memref<20000x128xf32, #tpu.memory_space<hbm>>) dst(%arg9 : memref<80x128xf32, #tpu.memory_space<vmem>>)
          %dma_start3A_276 = arith.constant 0 : i32
          %dma_start3A_277 = tpu.memref_slice %arg7[%scan3A_52, %dma_start3A_276] : memref<50x80xi32, #tpu.memory_space<vmem>> -> memref<1x80xi32, #tpu.memory_space<vmem>>
          %dma_start3A_278 = tpu.memref_squeeze %dma_start3A_277 : memref<1x80xi32, #tpu.memory_space<vmem>> -> memref<80xi32, #tpu.memory_space<vmem>>
          %dma_start3A_279 = arith.constant 0 : i32
          %dma_start3A_280 = arith.constant 0 : i32
          %dma_start3A_281 = tpu.memref_slice %arg11[%dma_start3A_279, %dma_start3A_280] : memref<10000x128xf32, #tpu.memory_space<vmem_shared>> -> memref<10000x128xf32, #tpu.memory_space<vmem_shared>>
          tpu.enqueue_indirect_dma source(%arg9 : memref<80x128xf32, #tpu.memory_space<vmem>>) target(%dma_start3A_281 : memref<10000x128xf32, #tpu.memory_space<vmem_shared>>) offsets(%dma_start3A_278 : memref<80xi32, #tpu.memory_space<vmem>>) semaphore(%arg16 : memref<!tpu.dma_semaphore, #tpu.memory_space<semaphore_mem>>) {add = true}
        } else {
        }
        %jit3A_249 = arith.constant 3 : i32
        %eq3A_250 = arith.constant 0 : i32
        %eq3A_251 = arith.cmpi eq, %jit3A_249, %eq3A_250 : i32
        %jit3A_252 = arith.constant 1 : i32
        %select_n3A_253 = arith.select %eq3A_251, %jit3A_252, %jit3A_249 : i32
        %rem3A_254 = arith.remsi %scan3A_52, %select_n3A_253 : i32
        %ne3A_255 = arith.constant 0 : i32
        %ne3A_256 = arith.cmpi ne, %rem3A_254, %ne3A_255 : i32
        %lt3A_257 = arith.constant 0 : i32
        %lt3A_258 = arith.cmpi slt, %rem3A_254, %lt3A_257 : i32
        %lt3A_259 = arith.constant 0 : i32
        %lt3A_260 = arith.cmpi slt, %select_n3A_253, %lt3A_259 : i32
        %ne3A_261 = arith.xori %lt3A_258, %lt3A_260 : i1
        %and3A_262 = arith.andi %ne3A_261, %ne3A_256 : i1
        %add3A_263 = arith.addi %rem3A_254, %select_n3A_253 : i32
        %select_n3A_264 = arith.select %and3A_262, %add3A_263, %rem3A_254 : i32
        %eq3A_265 = arith.constant 2 : i32
        %eq3A_266 = arith.cmpi eq, %select_n3A_264, %eq3A_265 : i32
        %convert_element_type3A_267 = arith.extui %eq3A_266 : i1 to i32
        %cond3A_268 = arith.constant 0 : i32
        %cond3A_269 = arith.cmpi ne, %convert_element_type3A_267, %cond3A_268 : i32
        scf.if %cond3A_269 {
          %dma_wait3A_270 = arith.constant 0 : i32
          %dma_wait3A_271 = tpu.memref_slice %arg6[%scan3A_52, %dma_wait3A_270] : memref<50x80xi32, #tpu.memory_space<vmem>> -> memref<1x80xi32, #tpu.memory_space<vmem>>
          %dma_wait3A_272 = tpu.memref_squeeze %dma_wait3A_271 : memref<1x80xi32, #tpu.memory_space<vmem>> -> memref<80xi32, #tpu.memory_space<vmem>>
          %dma_wait3A_273 = arith.constant 0 : i32
          %dma_wait3A_274 = arith.constant 0 : i32
          %dma_wait3A_275 = tpu.memref_slice %arg2[%dma_wait3A_273, %dma_wait3A_274] : memref<20000x128xf32, #tpu.memory_space<hbm>> -> memref<20000x128xf32, #tpu.memory_space<hbm>>
          tpu.wait_indirect_dma semaphore(%arg14 : memref<!tpu.dma_semaphore, #tpu.memory_space<semaphore_mem>>) src(%dma_wait3A_275 : memref<20000x128xf32, #tpu.memory_space<hbm>>) dst(%arg10 : memref<80x128xf32, #tpu.memory_space<vmem>>)
          %dma_start3A_276 = arith.constant 0 : i32
          %dma_start3A_277 = tpu.memref_slice %arg7[%scan3A_52, %dma_start3A_276] : memref<50x80xi32, #tpu.memory_space<vmem>> -> memref<1x80xi32, #tpu.memory_space<vmem>>
          %dma_start3A_278 = tpu.memref_squeeze %dma_start3A_277 : memref<1x80xi32, #tpu.memory_space<vmem>> -> memref<80xi32, #tpu.memory_space<vmem>>
          %dma_start3A_279 = arith.constant 0 : i32
          %dma_start3A_280 = arith.constant 0 : i32
          %dma_start3A_281 = tpu.memref_slice %arg11[%dma_start3A_279, %dma_start3A_280] : memref<10000x128xf32, #tpu.memory_space<vmem_shared>> -> memref<10000x128xf32, #tpu.memory_space<vmem_shared>>
          tpu.enqueue_indirect_dma source(%arg10 : memref<80x128xf32, #tpu.memory_space<vmem>>) target(%dma_start3A_281 : memref<10000x128xf32, #tpu.memory_space<vmem_shared>>) offsets(%dma_start3A_278 : memref<80xi32, #tpu.memory_space<vmem>>) semaphore(%arg15 : memref<!tpu.dma_semaphore, #tpu.memory_space<semaphore_mem>>) {add = true}
        } else {
        }
      }
      %scan3A_45 = arith.constant 50 : i32
      %dma_wait3A = arith.constant 49 : i32
      %dma_wait3A_46 = arith.constant 0 : i32
      %dma_wait3A_47 = tpu.memref_slice %arg7[%dma_wait3A, %dma_wait3A_46] : memref<50x80xi32, #tpu.memory_space<vmem>> -> memref<1x80xi32, #tpu.memory_space<vmem>>
      %dma_wait3A_48 = tpu.memref_squeeze %dma_wait3A_47 : memref<1x80xi32, #tpu.memory_space<vmem>> -> memref<80xi32, #tpu.memory_space<vmem>>
      %dma_wait3A_49 = arith.constant 0 : i32
      %dma_wait3A_50 = arith.constant 0 : i32
      %dma_wait3A_51 = tpu.memref_slice %arg11[%dma_wait3A_49, %dma_wait3A_50] : memref<10000x128xf32, #tpu.memory_space<vmem_shared>> -> memref<10000x128xf32, #tpu.memory_space<vmem_shared>>
      tpu.wait_indirect_dma semaphore(%arg16 : memref<!tpu.dma_semaphore, #tpu.memory_space<semaphore_mem>>) src(%arg9 : memref<80x128xf32, #tpu.memory_space<vmem>>) dst(%dma_wait3A_51 : memref<10000x128xf32, #tpu.memory_space<vmem_shared>>)
    }
    %scan3A_15 = arith.constant 5 : i32
    %barrier3A_16 = arith.constant 0 : index
    tpu.barrier barrier_id(%barrier3A_16)
    %lt3A_17 = arith.constant 15 : i32
    %lt3A_18 = arith.cmpi slt, %arg1, %lt3A_17 : i32
    %convert_element_type3A_19 = arith.extui %lt3A_18 : i1 to i32
    %cond3A_20 = arith.constant 0 : i32
    %cond3A_21 = arith.cmpi ne, %convert_element_type3A_19, %cond3A_20 : i32
    scf.if %cond3A_21 {
      %mul3A = arith.constant 624 : i32
      %mul3A_27 = arith.muli %arg1, %mul3A : i32
      %mul3A_28 = arith.constant 10000 : i32
      %mul3A_29 = arith.muli %arg0, %mul3A_28 : i32
      %add3A = arith.addi %mul3A_29, %mul3A_27 : i32
      "tpu.region"() ({
        %run_scoped3A = tpu.sem_alloc : memref<!tpu.dma_semaphore, #tpu.memory_space<semaphore_mem>>
        %dma_start3A = arith.constant 0 : i32
        %dma_start3A_30 = tpu.memref_slice %arg5[%add3A, %dma_start3A] : memref<20000x128xf32, #tpu.memory_space<hbm>> -> memref<624x128xf32, #tpu.memory_space<hbm>>
        %dma_start3A_31 = arith.constant 0 : i32
        %dma_start3A_32 = tpu.memref_slice %arg11[%mul3A_27, %dma_start3A_31] : memref<10000x128xf32, #tpu.memory_space<vmem_shared>> -> memref<624x128xf32, #tpu.memory_space<vmem_shared>>
        tpu.enqueue_dma source(%dma_start3A_32 : memref<624x128xf32, #tpu.memory_space<vmem_shared>>) target(%dma_start3A_30 : memref<624x128xf32, #tpu.memory_space<hbm>>) target_semaphore(%run_scoped3A : memref<!tpu.dma_semaphore, #tpu.memory_space<semaphore_mem>>)
        %dma_wait3A = arith.constant 0 : i32
        %dma_wait3A_33 = tpu.memref_slice %arg5[%add3A, %dma_wait3A] : memref<20000x128xf32, #tpu.memory_space<hbm>> -> memref<624x128xf32, #tpu.memory_space<hbm>>
        %dma_wait3A_34 = arith.constant 0 : i32
        %dma_wait3A_35 = tpu.memref_slice %arg11[%mul3A_27, %dma_wait3A_34] : memref<10000x128xf32, #tpu.memory_space<vmem_shared>> -> memref<624x128xf32, #tpu.memory_space<vmem_shared>>
        tpu.wait_dma2 semaphore(%run_scoped3A : memref<!tpu.dma_semaphore, #tpu.memory_space<semaphore_mem>>) src(%dma_wait3A_35 : memref<624x128xf32, #tpu.memory_space<vmem_shared>>) dst(%dma_wait3A_33 : memref<624x128xf32, #tpu.memory_space<hbm>>)
        tpu.yield
      }) : () -> ()
    } else {
    }
    %eq3A_22 = arith.constant 15 : i32
    %eq3A_23 = arith.cmpi eq, %arg1, %eq3A_22 : i32
    %convert_element_type3A_24 = arith.extui %eq3A_23 : i1 to i32
    %cond3A_25 = arith.constant 0 : i32
    %cond3A_26 = arith.cmpi ne, %convert_element_type3A_24, %cond3A_25 : i32
    scf.if %cond3A_26 {
      %mul3A = arith.constant 10000 : i32
      %mul3A_27 = arith.muli %arg0, %mul3A : i32
      %add3A = arith.constant 9360 : i32
      %add3A_28 = arith.addi %mul3A_27, %add3A : i32
      "tpu.region"() ({
        %run_scoped3A = tpu.sem_alloc : memref<!tpu.dma_semaphore, #tpu.memory_space<semaphore_mem>>
        %dma_start3A = arith.constant 0 : i32
        %dma_start3A_29 = tpu.memref_slice %arg5[%add3A_28, %dma_start3A] : memref<20000x128xf32, #tpu.memory_space<hbm>> -> memref<640x128xf32, #tpu.memory_space<hbm>>
        %dma_start3A_30 = arith.constant 9360 : i32
        %dma_start3A_31 = arith.constant 0 : i32
        %dma_start3A_32 = tpu.memref_slice %arg11[%dma_start3A_30, %dma_start3A_31] : memref<10000x128xf32, #tpu.memory_space<vmem_shared>> -> memref<640x128xf32, #tpu.memory_space<vmem_shared>>
        tpu.enqueue_dma source(%dma_start3A_32 : memref<640x128xf32, #tpu.memory_space<vmem_shared>>) target(%dma_start3A_29 : memref<640x128xf32, #tpu.memory_space<hbm>>) target_semaphore(%run_scoped3A : memref<!tpu.dma_semaphore, #tpu.memory_space<semaphore_mem>>)
        %dma_wait3A = arith.constant 0 : i32
        %dma_wait3A_33 = tpu.memref_slice %arg5[%add3A_28, %dma_wait3A] : memref<20000x128xf32, #tpu.memory_space<hbm>> -> memref<640x128xf32, #tpu.memory_space<hbm>>
        %dma_wait3A_34 = arith.constant 9360 : i32
        %dma_wait3A_35 = arith.constant 0 : i32
        %dma_wait3A_36 = tpu.memref_slice %arg11[%dma_wait3A_34, %dma_wait3A_35] : memref<10000x128xf32, #tpu.memory_space<vmem_shared>> -> memref<640x128xf32, #tpu.memory_space<vmem_shared>>
        tpu.wait_dma2 semaphore(%run_scoped3A : memref<!tpu.dma_semaphore, #tpu.memory_space<semaphore_mem>>) src(%dma_wait3A_36 : memref<640x128xf32, #tpu.memory_space<vmem_shared>>) dst(%dma_wait3A_33 : memref<640x128xf32, #tpu.memory_space<hbm>>)
        tpu.yield
      }) : () -> ()
    } else {
    }
    return
  }
}

module attributes {stable_mosaic.version = 14 : i64} {
  func.func @_tc_prescale_body(%arg0: i32, %arg1: memref<2000x128xf32, #tpu.memory_space<vmem>>, %arg2: memref<1x1x2000x16xf32, #tpu.memory_space<vmem>>, %arg3: memref<2000x128xf32, #tpu.memory_space<vmem>>) attributes {dimension_semantics = [#tpu.dimension_semantics<arbitrary>], iteration_bounds = array<i64: 10>, scalar_prefetch = 0 : i64, scratch_operands = 0 : i64, tpu.core_type = #tpu.core_type<tc>, window_params = [{transform_indices = @transform_0, window_bounds = array<i64: 2000, 128>}, {transform_indices = @transform_1, window_bounds = array<i64: 1, 1, 2000, 16>}, {transform_indices = @transform_2, window_bounds = array<i64: 2000, 128>}]} {
    %get3A = arith.constant 0 : index
    %get3A_0 = arith.constant 0 : index
    %get3A_1 = arith.constant 0 : index
    %get3A_2 = arith.constant 0 : index
    %get3A_3 = vector.load %arg2[%get3A, %get3A_0, %get3A_1, %get3A_2] : memref<1x1x2000x16xf32, #tpu.memory_space<vmem>>, vector<1x1x2000x16xf32>
    %get3A_4 = vector.shape_cast %get3A_3 : vector<1x1x2000x16xf32> to vector<2000x16xf32>
    %reduce_sum3A = arith.constant dense<0.000000e+00> : vector<2000xf32>
    %reduce_sum3A_5 = vector.multi_reduction <add>, %get3A_4, %reduce_sum3A [1] : vector<2000x16xf32> to vector<2000xf32>
    %broadcast_in_dim3A = vector.shape_cast %reduce_sum3A_5 : vector<2000xf32> to vector<2000x1xf32>
    %max3A = arith.constant 1.000000e+00 : f32
    %max3A_6 = vector.broadcast %max3A : f32 to vector<2000x1xf32>
    %max3A_7 = arith.maximumf %broadcast_in_dim3A, %max3A_6 : vector<2000x1xf32>
    %rsqrt3A = math.rsqrt %max3A_7 : vector<2000x1xf32>
    %get3A_8 = arith.constant 0 : index
    %get3A_9 = arith.constant 0 : index
    %get3A_10 = vector.load %arg1[%get3A_8, %get3A_9] : memref<2000x128xf32, #tpu.memory_space<vmem>>, vector<2000x128xf32>
    %mul3A = vector.broadcast %rsqrt3A : vector<2000x1xf32> to vector<2000x128xf32>
    %mul3A_11 = arith.mulf %get3A_10, %mul3A : vector<2000x128xf32>
    %swap3A = arith.constant 0 : index
    %swap3A_12 = arith.constant 0 : index
    %swap3A_13 = vector.load %arg3[%swap3A, %swap3A_12] : memref<2000x128xf32, #tpu.memory_space<vmem>>, vector<2000x128xf32>
    tpu.vector_store %arg3[%swap3A, %swap3A_12], %mul3A_11 {strides = array<i32>} : memref<2000x128xf32, #tpu.memory_space<vmem>>, vector<2000x128xf32>,
    return
  }
  func.func @transform_0(%arg0: i32) -> (i32, i32) {
    %c0_i32 = arith.constant 0 : i32
    %c0_i32_0 = arith.constant 0 : i32
    return %arg0, %c0_i32 : i32, i32
  }
  func.func @transform_1(%arg0: i32) -> (i32, i32, i32, i32) {
    %jit3A = arith.constant 5 : i32
    %div3A = arith.divsi %arg0, %jit3A : i32
    %sign3A = arith.constant 0 : i32
    %sign3A_0 = arith.cmpi sgt, %arg0, %sign3A : i32
    %sign3A_1 = arith.extui %sign3A_0 : i1 to i32
    %sign3A_2 = arith.constant 0 : i32
    %sign3A_3 = arith.cmpi slt, %arg0, %sign3A_2 : i32
    %sign3A_4 = arith.extui %sign3A_3 : i1 to i32
    %sign3A_5 = arith.subi %sign3A_1, %sign3A_4 : i32
    %sign3A_6 = arith.constant 0 : i32
    %sign3A_7 = arith.cmpi sgt, %jit3A, %sign3A_6 : i32
    %sign3A_8 = arith.extui %sign3A_7 : i1 to i32
    %sign3A_9 = arith.constant 0 : i32
    %sign3A_10 = arith.cmpi slt, %jit3A, %sign3A_9 : i32
    %sign3A_11 = arith.extui %sign3A_10 : i1 to i32
    %sign3A_12 = arith.subi %sign3A_8, %sign3A_11 : i32
    %ne3A = arith.cmpi ne, %sign3A_5, %sign3A_12 : i32
    %rem3A = arith.remsi %arg0, %jit3A : i32
    %ne3A_13 = arith.constant 0 : i32
    %ne3A_14 = arith.cmpi ne, %rem3A, %ne3A_13 : i32
    %and3A = arith.andi %ne3A, %ne3A_14 : i1
    %sub3A = arith.constant 1 : i32
    %sub3A_15 = arith.subi %div3A, %sub3A : i32
    %select_n3A = arith.select %and3A, %sub3A_15, %div3A : i32
    %jit3A_16 = arith.constant 5 : i32
    %eq3A = arith.constant 0 : i32
    %eq3A_17 = arith.cmpi eq, %jit3A_16, %eq3A : i32
    %jit3A_18 = arith.constant 1 : i32
    %select_n3A_19 = arith.select %eq3A_17, %jit3A_18, %jit3A_16 : i32
    %rem3A_20 = arith.remsi %arg0, %select_n3A_19 : i32
    %ne3A_21 = arith.constant 0 : i32
    %ne3A_22 = arith.cmpi ne, %rem3A_20, %ne3A_21 : i32
    %lt3A = arith.constant 0 : i32
    %lt3A_23 = arith.cmpi slt, %rem3A_20, %lt3A : i32
    %lt3A_24 = arith.constant 0 : i32
    %lt3A_25 = arith.cmpi slt, %select_n3A_19, %lt3A_24 : i32
    %ne3A_26 = arith.xori %lt3A_23, %lt3A_25 : i1
    %and3A_27 = arith.andi %ne3A_26, %ne3A_22 : i1
    %add3A = arith.addi %rem3A_20, %select_n3A_19 : i32
    %select_n3A_28 = arith.select %and3A_27, %add3A, %rem3A_20 : i32
    %c0_i32 = arith.constant 0 : i32
    %c0_i32_29 = arith.constant 0 : i32
    %c0_i32_30 = arith.constant 0 : i32
    return %select_n3A, %c0_i32, %select_n3A_28, %c0_i32_29 : i32, i32, i32, i32
  }
  func.func @transform_2(%arg0: i32) -> (i32, i32) {
    %c0_i32 = arith.constant 0 : i32
    %c0_i32_0 = arith.constant 0 : i32
    return %arg0, %c0_i32 : i32, i32
  }
}

module attributes {stable_mosaic.version = 14 : i64} {
  func.func @_tc_mid_body(%arg0: i32, %arg1: memref<2000x128xf32, #tpu.memory_space<vmem>>, %arg2: memref<1x1x2000x16xf32, #tpu.memory_space<vmem>>, %arg3: memref<1x1x2000x16xf32, #tpu.memory_space<vmem>>, %arg4: memref<128x256xf32, #tpu.memory_space<vmem>>, %arg5: memref<1x256xf32, #tpu.memory_space<vmem>>, %arg6: memref<256x128xf32, #tpu.memory_space<vmem>>, %arg7: memref<2000x128xf32, #tpu.memory_space<vmem>>) attributes {dimension_semantics = [#tpu.dimension_semantics<arbitrary>], iteration_bounds = array<i64: 10>, scalar_prefetch = 0 : i64, scratch_operands = 0 : i64, tpu.core_type = #tpu.core_type<tc>, window_params = [{transform_indices = @transform_0, window_bounds = array<i64: 2000, 128>}, {transform_indices = @transform_1, window_bounds = array<i64: 1, 1, 2000, 16>}, {transform_indices = @transform_2, window_bounds = array<i64: 1, 1, 2000, 16>}, {pipeline_mode = #tpu.pipeline_mode<synchronous>, transform_indices = @transform_3, window_bounds = array<i64: 128, 256>}, {pipeline_mode = #tpu.pipeline_mode<synchronous>, transform_indices = @transform_4, window_bounds = array<i64: 1, 256>}, {pipeline_mode = #tpu.pipeline_mode<synchronous>, transform_indices = @transform_5, window_bounds = array<i64: 256, 128>}, {transform_indices = @transform_6, window_bounds = array<i64: 2000, 128>}]} {
    %get3A = arith.constant 0 : index
    %get3A_0 = arith.constant 0 : index
    %get3A_1 = arith.constant 0 : index
    %get3A_2 = arith.constant 0 : index
    %get3A_3 = vector.load %arg2[%get3A, %get3A_0, %get3A_1, %get3A_2] : memref<1x1x2000x16xf32, #tpu.memory_space<vmem>>, vector<1x1x2000x16xf32>
    %get3A_4 = vector.shape_cast %get3A_3 : vector<1x1x2000x16xf32> to vector<2000x16xf32>
    %reduce_sum3A = arith.constant dense<0.000000e+00> : vector<2000xf32>
    %reduce_sum3A_5 = vector.multi_reduction <add>, %get3A_4, %reduce_sum3A [1] : vector<2000x16xf32> to vector<2000xf32>
    %broadcast_in_dim3A = vector.shape_cast %reduce_sum3A_5 : vector<2000xf32> to vector<2000x1xf32>
    %max3A = arith.constant 1.000000e+00 : f32
    %max3A_6 = vector.broadcast %max3A : f32 to vector<2000x1xf32>
    %max3A_7 = arith.maximumf %broadcast_in_dim3A, %max3A_6 : vector<2000x1xf32>
    %rsqrt3A = math.rsqrt %max3A_7 : vector<2000x1xf32>
    %get3A_8 = arith.constant 0 : index
    %get3A_9 = arith.constant 0 : index
    %get3A_10 = vector.load %arg1[%get3A_8, %get3A_9] : memref<2000x128xf32, #tpu.memory_space<vmem>>, vector<2000x128xf32>
    %mul3A = vector.broadcast %rsqrt3A : vector<2000x1xf32> to vector<2000x128xf32>
    %mul3A_11 = arith.mulf %get3A_10, %mul3A : vector<2000x128xf32>
    %get3A_12 = arith.constant 0 : index
    %get3A_13 = arith.constant 0 : index
    %get3A_14 = vector.load %arg4[%get3A_12, %get3A_13] : memref<128x256xf32, #tpu.memory_space<vmem>>, vector<128x256xf32>
    %dot_general3A = arith.constant dense<0.000000e+00> : vector<2000x256xf32>
    %dot_general3A_15 = tpu.matmul %mul3A_11, %get3A_14, %dot_general3A {dimension_numbers = #tpu.dot_dimension_numbers<[1], [0], [0], [1], [0, 0, 1, 1], [], []>, transpose_lhs_hint = false} : vector<2000x128xf32>, vector<128x256xf32>, vector<2000x256xf32> -> vector<2000x256xf32>
    %get3A_16 = arith.constant 0 : index
    %get3A_17 = arith.constant 0 : index
    %get3A_18 = vector.load %arg5[%get3A_16, %get3A_17] : memref<1x256xf32, #tpu.memory_space<vmem>>, vector<1x256xf32>
    %add3A = vector.broadcast %get3A_18 : vector<1x256xf32> to vector<2000x256xf32>
    %add3A_19 = arith.addf %dot_general3A_15, %add3A : vector<2000x256xf32>
    %max3A_20 = arith.constant 0.000000e+00 : f32
    %max3A_21 = vector.broadcast %max3A_20 : f32 to vector<2000x256xf32>
    %max3A_22 = arith.maximumf %add3A_19, %max3A_21 : vector<2000x256xf32>
    %get3A_23 = arith.constant 0 : index
    %get3A_24 = arith.constant 0 : index
    %get3A_25 = vector.load %arg6[%get3A_23, %get3A_24] : memref<256x128xf32, #tpu.memory_space<vmem>>, vector<256x128xf32>
    %dot_general3A_26 = arith.constant dense<0.000000e+00> : vector<2000x128xf32>
    %dot_general3A_27 = tpu.matmul %max3A_22, %get3A_25, %dot_general3A_26 {dimension_numbers = #tpu.dot_dimension_numbers<[1], [0], [0], [1], [0, 0, 1, 1], [], []>, transpose_lhs_hint = false} : vector<2000x256xf32>, vector<256x128xf32>, vector<2000x128xf32> -> vector<2000x128xf32>
    %get3A_28 = arith.constant 0 : index
    %get3A_29 = arith.constant 0 : index
    %get3A_30 = arith.constant 0 : index
    %get3A_31 = arith.constant 0 : index
    %get3A_32 = vector.load %arg3[%get3A_28, %get3A_29, %get3A_30, %get3A_31] : memref<1x1x2000x16xf32, #tpu.memory_space<vmem>>, vector<1x1x2000x16xf32>
    %get3A_33 = vector.shape_cast %get3A_32 : vector<1x1x2000x16xf32> to vector<2000x16xf32>
    %reduce_sum3A_34 = arith.constant dense<0.000000e+00> : vector<2000xf32>
    %reduce_sum3A_35 = vector.multi_reduction <add>, %get3A_33, %reduce_sum3A_34 [1] : vector<2000x16xf32> to vector<2000xf32>
    %broadcast_in_dim3A_36 = vector.shape_cast %reduce_sum3A_35 : vector<2000xf32> to vector<2000x1xf32>
    %max3A_37 = arith.constant 1.000000e+00 : f32
    %max3A_38 = vector.broadcast %max3A_37 : f32 to vector<2000x1xf32>
    %max3A_39 = arith.maximumf %broadcast_in_dim3A_36, %max3A_38 : vector<2000x1xf32>
    %rsqrt3A_40 = math.rsqrt %max3A_39 : vector<2000x1xf32>
    %mul3A_41 = vector.broadcast %rsqrt3A_40 : vector<2000x1xf32> to vector<2000x128xf32>
    %mul3A_42 = arith.mulf %dot_general3A_27, %mul3A_41 : vector<2000x128xf32>
    %swap3A = arith.constant 0 : index
    %swap3A_43 = arith.constant 0 : index
    %swap3A_44 = vector.load %arg7[%swap3A, %swap3A_43] : memref<2000x128xf32, #tpu.memory_space<vmem>>, vector<2000x128xf32>
    tpu.vector_store %arg7[%swap3A, %swap3A_43], %mul3A_42 {strides = array<i32>} : memref<2000x128xf32, #tpu.memory_space<vmem>>, vector<2000x128xf32>,
    return
  }
  func.func @transform_0(%arg0: i32) -> (i32, i32) {
    %c0_i32 = arith.constant 0 : i32
    %c0_i32_0 = arith.constant 0 : i32
    return %arg0, %c0_i32 : i32, i32
  }
  func.func @transform_1(%arg0: i32) -> (i32, i32, i32, i32) {
    %jit3A = arith.constant 5 : i32
    %div3A = arith.divsi %arg0, %jit3A : i32
    %sign3A = arith.constant 0 : i32
    %sign3A_0 = arith.cmpi sgt, %arg0, %sign3A : i32
    %sign3A_1 = arith.extui %sign3A_0 : i1 to i32
    %sign3A_2 = arith.constant 0 : i32
    %sign3A_3 = arith.cmpi slt, %arg0, %sign3A_2 : i32
    %sign3A_4 = arith.extui %sign3A_3 : i1 to i32
    %sign3A_5 = arith.subi %sign3A_1, %sign3A_4 : i32
    %sign3A_6 = arith.constant 0 : i32
    %sign3A_7 = arith.cmpi sgt, %jit3A, %sign3A_6 : i32
    %sign3A_8 = arith.extui %sign3A_7 : i1 to i32
    %sign3A_9 = arith.constant 0 : i32
    %sign3A_10 = arith.cmpi slt, %jit3A, %sign3A_9 : i32
    %sign3A_11 = arith.extui %sign3A_10 : i1 to i32
    %sign3A_12 = arith.subi %sign3A_8, %sign3A_11 : i32
    %ne3A = arith.cmpi ne, %sign3A_5, %sign3A_12 : i32
    %rem3A = arith.remsi %arg0, %jit3A : i32
    %ne3A_13 = arith.constant 0 : i32
    %ne3A_14 = arith.cmpi ne, %rem3A, %ne3A_13 : i32
    %and3A = arith.andi %ne3A, %ne3A_14 : i1
    %sub3A = arith.constant 1 : i32
    %sub3A_15 = arith.subi %div3A, %sub3A : i32
    %select_n3A = arith.select %and3A, %sub3A_15, %div3A : i32
    %jit3A_16 = arith.constant 5 : i32
    %eq3A = arith.constant 0 : i32
    %eq3A_17 = arith.cmpi eq, %jit3A_16, %eq3A : i32
    %jit3A_18 = arith.constant 1 : i32
    %select_n3A_19 = arith.select %eq3A_17, %jit3A_18, %jit3A_16 : i32
    %rem3A_20 = arith.remsi %arg0, %select_n3A_19 : i32
    %ne3A_21 = arith.constant 0 : i32
    %ne3A_22 = arith.cmpi ne, %rem3A_20, %ne3A_21 : i32
    %lt3A = arith.constant 0 : i32
    %lt3A_23 = arith.cmpi slt, %rem3A_20, %lt3A : i32
    %lt3A_24 = arith.constant 0 : i32
    %lt3A_25 = arith.cmpi slt, %select_n3A_19, %lt3A_24 : i32
    %ne3A_26 = arith.xori %lt3A_23, %lt3A_25 : i1
    %and3A_27 = arith.andi %ne3A_26, %ne3A_22 : i1
    %add3A = arith.addi %rem3A_20, %select_n3A_19 : i32
    %select_n3A_28 = arith.select %and3A_27, %add3A, %rem3A_20 : i32
    %c1_i32 = arith.constant 1 : i32
    %c0_i32 = arith.constant 0 : i32
    %c0_i32_29 = arith.constant 0 : i32
    return %select_n3A, %c1_i32, %select_n3A_28, %c0_i32 : i32, i32, i32, i32
  }
  func.func @transform_2(%arg0: i32) -> (i32, i32, i32, i32) {
    %jit3A = arith.constant 5 : i32
    %div3A = arith.divsi %arg0, %jit3A : i32
    %sign3A = arith.constant 0 : i32
    %sign3A_0 = arith.cmpi sgt, %arg0, %sign3A : i32
    %sign3A_1 = arith.extui %sign3A_0 : i1 to i32
    %sign3A_2 = arith.constant 0 : i32
    %sign3A_3 = arith.cmpi slt, %arg0, %sign3A_2 : i32
    %sign3A_4 = arith.extui %sign3A_3 : i1 to i32
    %sign3A_5 = arith.subi %sign3A_1, %sign3A_4 : i32
    %sign3A_6 = arith.constant 0 : i32
    %sign3A_7 = arith.cmpi sgt, %jit3A, %sign3A_6 : i32
    %sign3A_8 = arith.extui %sign3A_7 : i1 to i32
    %sign3A_9 = arith.constant 0 : i32
    %sign3A_10 = arith.cmpi slt, %jit3A, %sign3A_9 : i32
    %sign3A_11 = arith.extui %sign3A_10 : i1 to i32
    %sign3A_12 = arith.subi %sign3A_8, %sign3A_11 : i32
    %ne3A = arith.cmpi ne, %sign3A_5, %sign3A_12 : i32
    %rem3A = arith.remsi %arg0, %jit3A : i32
    %ne3A_13 = arith.constant 0 : i32
    %ne3A_14 = arith.cmpi ne, %rem3A, %ne3A_13 : i32
    %and3A = arith.andi %ne3A, %ne3A_14 : i1
    %sub3A = arith.constant 1 : i32
    %sub3A_15 = arith.subi %div3A, %sub3A : i32
    %select_n3A = arith.select %and3A, %sub3A_15, %div3A : i32
    %jit3A_16 = arith.constant 5 : i32
    %eq3A = arith.constant 0 : i32
    %eq3A_17 = arith.cmpi eq, %jit3A_16, %eq3A : i32
    %jit3A_18 = arith.constant 1 : i32
    %select_n3A_19 = arith.select %eq3A_17, %jit3A_18, %jit3A_16 : i32
    %rem3A_20 = arith.remsi %arg0, %select_n3A_19 : i32
    %ne3A_21 = arith.constant 0 : i32
    %ne3A_22 = arith.cmpi ne, %rem3A_20, %ne3A_21 : i32
    %lt3A = arith.constant 0 : i32
    %lt3A_23 = arith.cmpi slt, %rem3A_20, %lt3A : i32
    %lt3A_24 = arith.constant 0 : i32
    %lt3A_25 = arith.cmpi slt, %select_n3A_19, %lt3A_24 : i32
    %ne3A_26 = arith.xori %lt3A_23, %lt3A_25 : i1
    %and3A_27 = arith.andi %ne3A_26, %ne3A_22 : i1
    %add3A = arith.addi %rem3A_20, %select_n3A_19 : i32
    %select_n3A_28 = arith.select %and3A_27, %add3A, %rem3A_20 : i32
    %c0_i32 = arith.constant 0 : i32
    %c0_i32_29 = arith.constant 0 : i32
    %c0_i32_30 = arith.constant 0 : i32
    return %select_n3A, %c0_i32, %select_n3A_28, %c0_i32_29 : i32, i32, i32, i32
  }
  func.func @transform_3(%arg0: i32) -> (i32, i32) {
    %c0_i32 = arith.constant 0 : i32
    %c0_i32_0 = arith.constant 0 : i32
    %c0_i32_1 = arith.constant 0 : i32
    return %c0_i32, %c0_i32_0 : i32, i32
  }
  func.func @transform_4(%arg0: i32) -> (i32, i32) {
    %c0_i32 = arith.constant 0 : i32
    %c0_i32_0 = arith.constant 0 : i32
    %c0_i32_1 = arith.constant 0 : i32
    return %c0_i32, %c0_i32_0 : i32, i32
  }
  func.func @transform_5(%arg0: i32) -> (i32, i32) {
    %c0_i32 = arith.constant 0 : i32
    %c0_i32_0 = arith.constant 0 : i32
    %c0_i32_1 = arith.constant 0 : i32
    return %c0_i32, %c0_i32_0 : i32, i32
  }
  func.func @transform_6(%arg0: i32) -> (i32, i32) {
    %c0_i32 = arith.constant 0 : i32
    %c0_i32_0 = arith.constant 0 : i32
    return %arg0, %c0_i32 : i32, i32
  }
}

module attributes {stable_mosaic.version = 14 : i64} {
  func.func @_tc_final_body(%arg0: i32, %arg1: memref<2000x128xf32, #tpu.memory_space<vmem>>, %arg2: memref<1x1x2000x16xf32, #tpu.memory_space<vmem>>, %arg3: memref<1x128xf32, #tpu.memory_space<vmem>>, %arg4: memref<128x128xf32, #tpu.memory_space<vmem>>, %arg5: memref<1x128xf32, #tpu.memory_space<vmem>>, %arg6: memref<128x128xf32, #tpu.memory_space<vmem>>, %arg7: memref<1x128xf32, #tpu.memory_space<vmem>>, %arg8: memref<2000x128xf32, #tpu.memory_space<vmem>>) attributes {dimension_semantics = [#tpu.dimension_semantics<arbitrary>], iteration_bounds = array<i64: 10>, scalar_prefetch = 0 : i64, scratch_operands = 0 : i64, tpu.core_type = #tpu.core_type<tc>, window_params = [{transform_indices = @transform_0, window_bounds = array<i64: 2000, 128>}, {transform_indices = @transform_1, window_bounds = array<i64: 1, 1, 2000, 16>}, {pipeline_mode = #tpu.pipeline_mode<synchronous>, transform_indices = @transform_2, window_bounds = array<i64: 1, 128>}, {pipeline_mode = #tpu.pipeline_mode<synchronous>, transform_indices = @transform_3, window_bounds = array<i64: 128, 128>}, {pipeline_mode = #tpu.pipeline_mode<synchronous>, transform_indices = @transform_4, window_bounds = array<i64: 1, 128>}, {pipeline_mode = #tpu.pipeline_mode<synchronous>, transform_indices = @transform_5, window_bounds = array<i64: 128, 128>}, {pipeline_mode = #tpu.pipeline_mode<synchronous>, transform_indices = @transform_6, window_bounds = array<i64: 1, 128>}, {transform_indices = @transform_7, window_bounds = array<i64: 2000, 128>}]} {
    %get3A = arith.constant 0 : index
    %get3A_0 = arith.constant 0 : index
    %get3A_1 = arith.constant 0 : index
    %get3A_2 = arith.constant 0 : index
    %get3A_3 = vector.load %arg2[%get3A, %get3A_0, %get3A_1, %get3A_2] : memref<1x1x2000x16xf32, #tpu.memory_space<vmem>>, vector<1x1x2000x16xf32>
    %get3A_4 = vector.shape_cast %get3A_3 : vector<1x1x2000x16xf32> to vector<2000x16xf32>
    %reduce_sum3A = arith.constant dense<0.000000e+00> : vector<2000xf32>
    %reduce_sum3A_5 = vector.multi_reduction <add>, %get3A_4, %reduce_sum3A [1] : vector<2000x16xf32> to vector<2000xf32>
    %broadcast_in_dim3A = vector.shape_cast %reduce_sum3A_5 : vector<2000xf32> to vector<2000x1xf32>
    %max3A = arith.constant 1.000000e+00 : f32
    %max3A_6 = vector.broadcast %max3A : f32 to vector<2000x1xf32>
    %max3A_7 = arith.maximumf %broadcast_in_dim3A, %max3A_6 : vector<2000x1xf32>
    %rsqrt3A = math.rsqrt %max3A_7 : vector<2000x1xf32>
    %get3A_8 = arith.constant 0 : index
    %get3A_9 = arith.constant 0 : index
    %get3A_10 = vector.load %arg1[%get3A_8, %get3A_9] : memref<2000x128xf32, #tpu.memory_space<vmem>>, vector<2000x128xf32>
    %mul3A = vector.broadcast %rsqrt3A : vector<2000x1xf32> to vector<2000x128xf32>
    %mul3A_11 = arith.mulf %get3A_10, %mul3A : vector<2000x128xf32>
    %get3A_12 = arith.constant 0 : index
    %get3A_13 = arith.constant 0 : index
    %get3A_14 = vector.load %arg3[%get3A_12, %get3A_13] : memref<1x128xf32, #tpu.memory_space<vmem>>, vector<1x128xf32>
    %add3A = vector.broadcast %get3A_14 : vector<1x128xf32> to vector<2000x128xf32>
    %add3A_15 = arith.addf %mul3A_11, %add3A : vector<2000x128xf32>
    %max3A_16 = arith.constant 0.000000e+00 : f32
    %max3A_17 = vector.broadcast %max3A_16 : f32 to vector<2000x128xf32>
    %max3A_18 = arith.maximumf %add3A_15, %max3A_17 : vector<2000x128xf32>
    %get3A_19 = arith.constant 0 : index
    %get3A_20 = arith.constant 0 : index
    %get3A_21 = vector.load %arg4[%get3A_19, %get3A_20] : memref<128x128xf32, #tpu.memory_space<vmem>>, vector<128x128xf32>
    %dot_general3A = arith.constant dense<0.000000e+00> : vector<2000x128xf32>
    %dot_general3A_22 = tpu.matmul %max3A_18, %get3A_21, %dot_general3A {dimension_numbers = #tpu.dot_dimension_numbers<[1], [0], [0], [1], [0, 0, 1, 1], [], []>, transpose_lhs_hint = false} : vector<2000x128xf32>, vector<128x128xf32>, vector<2000x128xf32> -> vector<2000x128xf32>
    %get3A_23 = arith.constant 0 : index
    %get3A_24 = arith.constant 0 : index
    %get3A_25 = vector.load %arg5[%get3A_23, %get3A_24] : memref<1x128xf32, #tpu.memory_space<vmem>>, vector<1x128xf32>
    %add3A_26 = vector.broadcast %get3A_25 : vector<1x128xf32> to vector<2000x128xf32>
    %add3A_27 = arith.addf %dot_general3A_22, %add3A_26 : vector<2000x128xf32>
    %gt3A = arith.constant 0.000000e+00 : f32
    %gt3A_28 = vector.broadcast %gt3A : f32 to vector<2000x128xf32>
    %gt3A_29 = arith.cmpf ogt, %add3A_27, %gt3A_28 : vector<2000x128xf32>
    %exp3A = math.exp %add3A_27 : vector<2000x128xf32>
    %sub3A = arith.constant 1.000000e+00 : f32
    %sub3A_30 = vector.broadcast %sub3A : f32 to vector<2000x128xf32>
    %sub3A_31 = arith.subf %exp3A, %sub3A_30 : vector<2000x128xf32>
    %select_n3A = arith.select %gt3A_29, %add3A_27, %sub3A_31 : vector<2000x128xi1>, vector<2000x128xf32>
    %get3A_32 = arith.constant 0 : index
    %get3A_33 = arith.constant 0 : index
    %get3A_34 = vector.load %arg6[%get3A_32, %get3A_33] : memref<128x128xf32, #tpu.memory_space<vmem>>, vector<128x128xf32>
    %dot_general3A_35 = arith.constant dense<0.000000e+00> : vector<2000x128xf32>
    %dot_general3A_36 = tpu.matmul %select_n3A, %get3A_34, %dot_general3A_35 {dimension_numbers = #tpu.dot_dimension_numbers<[1], [0], [0], [1], [0, 0, 1, 1], [], []>, transpose_lhs_hint = false} : vector<2000x128xf32>, vector<128x128xf32>, vector<2000x128xf32> -> vector<2000x128xf32>
    %get3A_37 = arith.constant 0 : index
    %get3A_38 = arith.constant 0 : index
    %get3A_39 = vector.load %arg7[%get3A_37, %get3A_38] : memref<1x128xf32, #tpu.memory_space<vmem>>, vector<1x128xf32>
    %add3A_40 = vector.broadcast %get3A_39 : vector<1x128xf32> to vector<2000x128xf32>
    %add3A_41 = arith.addf %dot_general3A_36, %add3A_40 : vector<2000x128xf32>
    %swap3A = arith.constant 0 : index
    %swap3A_42 = arith.constant 0 : index
    %swap3A_43 = vector.load %arg8[%swap3A, %swap3A_42] : memref<2000x128xf32, #tpu.memory_space<vmem>>, vector<2000x128xf32>
    tpu.vector_store %arg8[%swap3A, %swap3A_42], %add3A_41 {strides = array<i32>} : memref<2000x128xf32, #tpu.memory_space<vmem>>, vector<2000x128xf32>,
    return
  }
  func.func @transform_0(%arg0: i32) -> (i32, i32) {
    %c0_i32 = arith.constant 0 : i32
    %c0_i32_0 = arith.constant 0 : i32
    return %arg0, %c0_i32 : i32, i32
  }
  func.func @transform_1(%arg0: i32) -> (i32, i32, i32, i32) {
    %jit3A = arith.constant 5 : i32
    %div3A = arith.divsi %arg0, %jit3A : i32
    %sign3A = arith.constant 0 : i32
    %sign3A_0 = arith.cmpi sgt, %arg0, %sign3A : i32
    %sign3A_1 = arith.extui %sign3A_0 : i1 to i32
    %sign3A_2 = arith.constant 0 : i32
    %sign3A_3 = arith.cmpi slt, %arg0, %sign3A_2 : i32
    %sign3A_4 = arith.extui %sign3A_3 : i1 to i32
    %sign3A_5 = arith.subi %sign3A_1, %sign3A_4 : i32
    %sign3A_6 = arith.constant 0 : i32
    %sign3A_7 = arith.cmpi sgt, %jit3A, %sign3A_6 : i32
    %sign3A_8 = arith.extui %sign3A_7 : i1 to i32
    %sign3A_9 = arith.constant 0 : i32
    %sign3A_10 = arith.cmpi slt, %jit3A, %sign3A_9 : i32
    %sign3A_11 = arith.extui %sign3A_10 : i1 to i32
    %sign3A_12 = arith.subi %sign3A_8, %sign3A_11 : i32
    %ne3A = arith.cmpi ne, %sign3A_5, %sign3A_12 : i32
    %rem3A = arith.remsi %arg0, %jit3A : i32
    %ne3A_13 = arith.constant 0 : i32
    %ne3A_14 = arith.cmpi ne, %rem3A, %ne3A_13 : i32
    %and3A = arith.andi %ne3A, %ne3A_14 : i1
    %sub3A = arith.constant 1 : i32
    %sub3A_15 = arith.subi %div3A, %sub3A : i32
    %select_n3A = arith.select %and3A, %sub3A_15, %div3A : i32
    %jit3A_16 = arith.constant 5 : i32
    %eq3A = arith.constant 0 : i32
    %eq3A_17 = arith.cmpi eq, %jit3A_16, %eq3A : i32
    %jit3A_18 = arith.constant 1 : i32
    %select_n3A_19 = arith.select %eq3A_17, %jit3A_18, %jit3A_16 : i32
    %rem3A_20 = arith.remsi %arg0, %select_n3A_19 : i32
    %ne3A_21 = arith.constant 0 : i32
    %ne3A_22 = arith.cmpi ne, %rem3A_20, %ne3A_21 : i32
    %lt3A = arith.constant 0 : i32
    %lt3A_23 = arith.cmpi slt, %rem3A_20, %lt3A : i32
    %lt3A_24 = arith.constant 0 : i32
    %lt3A_25 = arith.cmpi slt, %select_n3A_19, %lt3A_24 : i32
    %ne3A_26 = arith.xori %lt3A_23, %lt3A_25 : i1
    %and3A_27 = arith.andi %ne3A_26, %ne3A_22 : i1
    %add3A = arith.addi %rem3A_20, %select_n3A_19 : i32
    %select_n3A_28 = arith.select %and3A_27, %add3A, %rem3A_20 : i32
    %c1_i32 = arith.constant 1 : i32
    %c0_i32 = arith.constant 0 : i32
    %c0_i32_29 = arith.constant 0 : i32
    return %select_n3A, %c1_i32, %select_n3A_28, %c0_i32 : i32, i32, i32, i32
  }
  func.func @transform_2(%arg0: i32) -> (i32, i32) {
    %c0_i32 = arith.constant 0 : i32
    %c0_i32_0 = arith.constant 0 : i32
    %c0_i32_1 = arith.constant 0 : i32
    return %c0_i32, %c0_i32_0 : i32, i32
  }
  func.func @transform_3(%arg0: i32) -> (i32, i32) {
    %c0_i32 = arith.constant 0 : i32
    %c0_i32_0 = arith.constant 0 : i32
    %c0_i32_1 = arith.constant 0 : i32
    return %c0_i32, %c0_i32_0 : i32, i32
  }
  func.func @transform_4(%arg0: i32) -> (i32, i32) {
    %c0_i32 = arith.constant 0 : i32
    %c0_i32_0 = arith.constant 0 : i32
    %c0_i32_1 = arith.constant 0 : i32
    return %c0_i32, %c0_i32_0 : i32, i32
  }
  func.func @transform_5(%arg0: i32) -> (i32, i32) {
    %c0_i32 = arith.constant 0 : i32
    %c0_i32_0 = arith.constant 0 : i32
    %c0_i32_1 = arith.constant 0 : i32
    return %c0_i32, %c0_i32_0 : i32, i32
  }
  func.func @transform_6(%arg0: i32) -> (i32, i32) {
    %c0_i32 = arith.constant 0 : i32
    %c0_i32_0 = arith.constant 0 : i32
    %c0_i32_1 = arith.constant 0 : i32
    return %c0_i32, %c0_i32_0 : i32, i32
  }
  func.func @transform_7(%arg0: i32) -> (i32, i32) {
    %c0_i32 = arith.constant 0 : i32
    %c0_i32_0 = arith.constant 0 : i32
    return %arg0, %c0_i32 : i32, i32
  }
}

</mosaic_0001>

<sc_bundles>
// kernel: kernel.11.cloned.1.call-start
scs
__scs_entry_jumppad:
0x0: {  	(pc) =	sbr.rel $0x88, $3  }
0x1: {  	(tag) =	ssettag $0x0;
	lr =	simm.s32 $0x1  }
0x2: {  	[smem:$0x3F95] =	sst lr;
	_ =	strace $0xD0000000  }
0x3: {  	_ = 	snop  }
0x4: {  	_ = 	snop  }
0x5: {  	_ = 	snop  }
0x6: {  	_ = 	snop  }
0x7: {  	_ = 	snop  }
__scs_overlays_trampoline_lowered:
0x8: {  	[smem:$0x3FA4] =	sst s0  }
0x9: {  	[smem:$0x3FA5] =	sst s1  }
0xa: {  	[smem:$0x3FA6] =	sst s2  }
0xb: {  	[smem:$0x3FA7] =	sst s3  }
0xc: {  	[smem:$0x3FA8] =	sst s4  }
0xd: {  	[smem:$0x3FA9] =	sst s5  }
0xe: {  	[smem:$0x3FAA] =	sst s6  }
0xf: {  	[smem:$0x3FAB] =	sst s7  }
0x10: {  	[smem:$0x3FAC] =	sst s8  }
0x11: {  	[smem:$0x3FAD] =	sst s9;
	s0 =	simm.s32 @!p0 $0x0  }
0x12: {  	s1 =	sld [smem:$0x3F93];
	s0 =	simm.s32 @p0 $0x1  }
0x13: {  	[smem:$0x3FAE] =	sst s0;
	s0 =	simm.s32 @!p1 $0x0  }
0x14: {  	s2 =	sld [smem:$0x3F92];
	s0 =	simm.s32 @p1 $0x1  }
0x15: {  	[smem:$0x3FAF] =	sst s0;
	s0 =	simm.s32 @!p2 $0x0  }
0x16: {  	s3 =	sld [smem:$0x3FDB];
	s0 =	simm.s32 @p2 $0x1  }
0x17: {  	s4 =	simm.s32 $0x1BF5;
	[smem:$0x3FB1] =	sst s0  }
0x18: {  	s0 =	sld [smem:$0x3F94];
	_ =	swait.ge [sflag:s4], $0x0  }
0x19: {  	s7 =	sld [smem:$0x3F95]  }
0x1a: {  	s8 =	sadd.s32 $0xFFFFE003, lr  }
0x1b: {  	s9 =	sadd.s32 $0xFFFFFEF7, lr;
	s5 =	simm.s32 $0xFFFFFFFF;
	p2 =	slt.u32 s8, $0xFFFFF086  }
0x1c: {  	p1 =	slt.u32 s9, $0xF7A;
	s5 =	simm.s32 @!p2 $0x0  }
0x1d: {  	s5 =	simm.s32 @p1 $0x1;
	p0 =	seq.s32 s7, s2  }
0x1e: {  	s7 =	smul.u32 @!p0 $0xF7A, s2;
	p2 =	seq.s32 @!p0 s5, $0x0  }
0x1f: {  	s9 =	smul.u32 $0xF7A, s1;
	s8 =	simm.s32 @!p0 $0x1BF5;
	p2 =	por !p2, p0  }
0x20: {  	[sflag:s8] =	ssyncset.s32 @!p0 $0xFFFFF086;
	s6 =	sadd.s32 @!p0 s3, s7;
	s7 =	simm.s32 @!p0 $0x108  }
0x21: {  	s3 =	sadd.s32 s3, s9;
	s6 =	sadd.s32 @!p0 $0x88, s6;
	s7 =	simm.s32 @p2 $0x1082  }
0x22: {  	[simem:s7], [sflag:s8] =	dma.local @!p0 [hbm:s6], $0xF7A  }
0x23: {  	s9 =	sor.u32 $0xD0000000, s2;
	s6 =	simm.s32 $0x108;
	_ =	swait.ge @!p0 [sflag:s8], $0x0  }
0x24: {  	s3 =	sadd.s32 $0x88, s3;
	s6 =	simm.s32 @!p1 $0x1082;
	[sflag:s4] =	ssyncset.s32 $0xFFFFF086  }
0x25: {  	[simem:s6], [sflag:s4] =	dma.local [hbm:s3], $0xF7A  }
0x26: {  	[smem:$0x3F95] =	sst s1;
	(tag) =	ssettag s2;
	_ =	strace s9  }
0x27: {  	s1 =	sld [smem:$0x3FA5]  }
0x28: {  	s2 =	sld [smem:$0x3FA6]  }
0x29: {  	s4 =	sld [smem:$0x3FA8]  }
0x2a: {  	p0 =	seq.s32 s5, $0x0;
	s5 =	sld [smem:$0x3FA9]  }
0x2b: {  	s6 =	sld [smem:$0x3FAA]  }
0x2c: {  	s7 =	sld [smem:$0x3FAB]  }
0x2d: {  	s3 =	simm.s32 $0x108;
	s8 =	sld [smem:$0x3FAC]  }
0x2e: {  	s3 =	simm.s32 @!p0 $0x1082;
	s9 =	sld [smem:$0x3FAD]  }
0x2f: {  	lr =	sadd.s32 s0, s3;
	s0 =	sld [smem:$0x3FA4]  }
0x30: {  	s3 =	sld [smem:$0x3FA7]  }
0x31: {  	[smem:$0x3FB0] =	sst s10  }
0x32: {  	s10 =	sld [smem:$0x3FAE];
	_ =	sdelay $0x3  }
0x33: {  	p0 =	seq.s32 s10, $0x1;
	s10 =	sld [smem:$0x3FB0];
	_ =	sdelay $0x3  }
0x34: {  	[smem:$0x3FB0] =	sst s10  }
0x35: {  	s10 =	sld [smem:$0x3FAF];
	_ =	sdelay $0x3  }
0x36: {  	p1 =	seq.s32 s10, $0x1;
	s10 =	sld [smem:$0x3FB0];
	_ =	sdelay $0x3  }
0x37: {  	[smem:$0x3FB0] =	sst s10  }
0x38: {  	s10 =	sld [smem:$0x3FB1]  }
0x39: {  	_ = 	snop;
	(pc) =	sbr.ind lr, $3  }
0x3a: {  	_ = 	snop  }
0x3b: {  	_ = 	snop  }
0x3c: {  	p2 =	seq.s32 s10, $0x1;
	s10 =	sld [smem:$0x3FB0]  }
0x3d: {  	_ =	shalt  }
0x3e: {  	_ =	shalt  }
0x3f: {  	_ =	shalt  }
0x40: {  	_ =	shalt  }
0x41: {  	_ =	shalt  }
0x42: {  	_ =	shalt  }
0x43: {  	_ =	shalt  }
0x44: {  	_ =	shalt  }
0x45: {  	_ =	shalt  }
0x46: {  	_ =	shalt  }
0x47: {  	_ =	shalt  }
0x48: {  	_ =	shalt  }
0x49: {  	_ =	shalt  }
0x4a: {  	_ =	shalt  }
0x4b: {  	_ =	shalt  }
0x4c: {  	_ =	shalt  }
0x4d: {  	_ =	shalt  }
0x4e: {  	_ =	shalt  }
0x4f: {  	_ =	shalt  }
0x50: {  	_ =	shalt  }
0x51: {  	_ =	shalt  }
0x52: {  	_ =	shalt  }
0x53: {  	_ =	shalt  }
0x54: {  	_ =	shalt  }
0x55: {  	_ =	shalt  }
0x56: {  	_ =	shalt  }
0x57: {  	_ =	shalt  }
0x58: {  	_ =	shalt  }
0x59: {  	_ =	shalt  }
0x5a: {  	_ =	shalt  }
0x5b: {  	_ =	shalt  }
0x5c: {  	_ =	shalt  }
0x5d: {  	_ =	shalt  }
0x5e: {  	_ =	shalt  }
0x5f: {  	_ =	shalt  }
0x60: {  	_ =	shalt  }
0x61: {  	_ =	shalt  }
0x62: {  	_ =	shalt  }
0x63: {  	_ =	shalt  }
0x64: {  	_ =	shalt  }
0x65: {  	_ =	shalt  }
0x66: {  	_ =	shalt  }
0x67: {  	_ =	shalt  }
0x68: {  	_ =	shalt  }
0x69: {  	_ =	shalt  }
0x6a: {  	_ =	shalt  }
0x6b: {  	_ =	shalt  }
0x6c: {  	_ =	shalt  }
0x6d: {  	_ =	shalt  }
0x6e: {  	_ =	shalt  }
0x6f: {  	_ =	shalt  }
0x70: {  	_ =	shalt  }
0x71: {  	_ =	shalt  }
0x72: {  	_ =	shalt  }
0x73: {  	_ =	shalt  }
0x74: {  	_ =	shalt  }
0x75: {  	_ =	shalt  }
0x76: {  	_ =	shalt  }
0x77: {  	_ =	shalt  }
0x78: {  	_ =	shalt  }
0x79: {  	_ =	shalt  }
0x7a: {  	_ =	shalt  }
0x7b: {  	_ =	shalt  }
0x7c: {  	_ =	shalt  }
0x7d: {  	_ =	shalt  }
0x7e: {  	_ =	shalt  }
0x7f: {  	_ =	shalt  }
0x80: {  	_ =	shalt  }
0x81: {  	_ =	shalt  }
0x82: {  	_ =	shalt  }
0x83: {  	_ =	shalt  }
0x84: {  	_ =	shalt  }
0x85: {  	_ =	shalt  }
0x86: {  	_ =	shalt  }
0x87: {  	_ =	shalt  }
.Lfunc_end0:
.L_simem_size_0:
called_computation.1_lowered:
.L_overlay_start_0:
0x88: {  	s2 =	sld [smem:$0x3FD9]  }
0x89: {  	s3 =	sld [smem:$0x3FFE];
	_ =	sdelay $0x1  }
0x8a: {  	s1 =	srdreg.scid  }
0x8b: {  	s0 =	sand.u32 $0x1, s1  }
0x8c: {  	s14 =	sshll.u32 s0, $0xA;
	s2 =	sadd.s32 s3, s2  }
0x8d: {  	s2 =	sadd.s32 s2, s14  }
0x8e: {  	[smem:$0x3FBC] =	sst s2  }
0x8f: {  	_ = 	snop  }
0x90: {  	s2 =	sld [smem:$0x3FD0];
	_ =	sdelay $0x2  }
0x91: {  	s15 =	simm.s32 $0xA;
	s4 =	simm.s32 $0x10  }
0x92: {  	[smem:s4], [sflag:s15] =	dma.local [hbm:s2], $0x1  }
0x93: {  	_ =	swait.eq [sflag:s15], $0x1  }
0x94: {  	[sflag:s15] =	ssyncset.done $0x0  }
0x95: {  	s16 =	sld [smem:$0x10];
	[sflag:s15] =	ssyncadd.s32 $0xFFFFFFFF  }
0x96: {  	s17 =	sld [smem:$0x11];
	(tm) =	ssettm $0x1  }
0x97: {  	s18 =	sld [smem:$0x3FFB];
	_ =	sdelay $0x3  }
0x98: {  	_ =	strace s18  }
0x99: {  	s4 =	sld [smem:$0x3FFC];
	_ =	sdelay $0x3  }
0x9a: {  	_ =	strace s4  }
0x9b: {  	s4 =	sld [smem:$0x3FFD];
	_ =	sdelay $0x3  }
0x9c: {  	_ =	strace s4  }
0x9d: {  	_ =	strace $0x8FFFFFFF  }
0x9e: {  	s19 =	sld [smem:$0x3FDB];
	_ =	sdelay $0x1  }
0x9f: {  	s5 =	simm.s32 $_scs_section_size  }
0xa0: {  	s6 =	simm.s32 $_size__tile_overlayer_lowered;
	s7 =	simm.s32 $_tile_overlayer_lowered  }
0xa1: {  	s22 =	simm.s32 $0x1BFF;
	s21 =	sshll.u32 s7, $0x1;
	s4 =	sadd.s32 s5, s19  }
0xa2: {  	s8 =	simm.s32 $0x0;
	s20 =	sshll.u32 s6, $0x1;
	s6 =	sadd.s32 s21, s4  }
0xa3: {  	[timem:s8], [sflag:s22] =	dma.local [hbm:s6], s20  }
0xa4: {  	_ =	swait.ge [sflag:s22], s20  }
0xa5: {  	s5 =	ssub.s32 $0x0, s20;
	[sflag:s22] =	ssyncset.done $0x0  }
0xa6: {  	[sflag:s22] =	ssyncadd.s32 s5;
	_ =	sdelay $0x1  }
0xa7: {  	s23 =	simm.s32 $0x1B8B  }
0xa8: {  	_ =	swait.ge [sflag:s23], $0x1  }
0xa9: {  	[sflag:s23] =	ssyncset.done $0x0  }
0xaa: {  	s25 =	simm.s32 $0x1B8E;
	s24 =	sld [smem:$0x3FFE];
	[sflag:s23] =	ssyncadd.s32 $0xFFFFFFFF  }
0xab: {  	s26 =	simm.s32 $execute0_lowered;
	[smem:$0x3FD2] =	sst s25  }
0xac: {  	s6 =	sshll.u32 s26, $0x1;
	_ =	strace $0x80000049;
	[dreg:$0x1] =	wrdreg $0xFFFFFFFF  }
0xad: {  	s28 =	simm.s32 $_size_execute0_lowered;
	s4 =	sadd.s32 s4, s6;
	[dreg:$0x0] =	wrdreg $0x0  }
0xae: {  	s6 =	sshll.u32 s28, $0x1;
	[dreg:$0x2] =	wrdreg s4  }
0xaf: {  	[dreg:$0x3] =	wrdreg s6  }
0xb0: {  	[dreg:$0x4] =	wrdreg $0xC0  }
0xb1: {  	_ =	task [dreg:s8], $0x5FFFF  }
0xb2: {  	[dreg:$0x1] =	wrdreg $0xFFFFFFFF  }
0xb3: {  	[dreg:$0x0] =	wrdreg $0x60  }
0xb4: {  	[dreg:$0x2] =	wrdreg s24  }
0xb5: {  	[dreg:$0x3] =	wrdreg s16  }
0xb6: {  	[dreg:$0x4] =	wrdreg s17  }
0xb7: {  	[dreg:$0x5] =	wrdreg $0xB0000  }
0xb8: {  	[dreg:$0x6] =	wrdreg $0x9  }
0xb9: {  	_ =	task.clear_ibuf [dreg:s8], $0x7FFFF;
	_ =	strace $0x90000049  }
0xba: {  	s29 =	simm.s32 $0x9;
	_ =	strace $0x8000004B  }
0xbb: {  	_ =	swait.ge [sflag:s29], $0x1  }
0xbc: {  	[sflag:s29] =	ssyncadd.s32 $0xFFFFFFFF  }
0xbd: {  	_ =	strace $0x9000004B  }
0xbe: {  	_ =	sfence  }
0xbf: {  	s30 =	sld [smem:$0x0];
	_ =	sdelay $0x2  }
0xc0: {  	s31 =	sshll.u32 s1, $0xD;
	s1 =	sshrl.u32 s1, $0x2  }
0xc1: {  	s3 =	sand.u32 $0x4000, s31;
	s1 =	sadd.s32 s1, s30  }
0xc2: {  	s0 =	sor.u32 s3, s0;
	s1 =	sshll.u32 s1, $0x11  }
0xc3: {  	s0 =	sor.u32 s1, s0  }
0xc4: {  	s0 =	sadd.s32 $0x8F2B, s0  }
0xc5: {  	[sflag:s0] =	ssyncadd.remote.s32 $0x1  }
0xc6: {  	_ =	sfence.sel $0xFFFF  }
0xc7: {  	[dreg:$0x0] =	wrdreg $0xFFFFFFFF;
	(pc) =	sbr.abs _section_cstart, $3  }
0xc8: {  	[dreg:$0x1] =	wrdreg $0xFFFFFFFF  }
0xc9: {  	_ =	task.clear_ibuf [dreg:s8], $0x2FFFF;
	_ =	strace $0x9FFFFFFF  }
0xca: {  	(tm) =	ssettm $0x7FFFFFFF  }
0xcb: {  	_ =	shalt  }
tec
execute0_lowered:
.L_overlay_start_1:
0x0: {  	(tag) =	ssettag $0x1  }
0x1: {  	s0 =	rddreg [dreg:$0x0]  }
0x2: {  	s1 =	rddreg [dreg:$0x1]  }
0x3: {  	s3 =	rddreg [dreg:$0x2];
	s2 =	srdreg.scid  }
0x4: {  	s14 =	stileid.u32;
	s4 =	rddreg [dreg:$0x3];
	s5 =	simm.s32 $0x0  }
0x5: {  	s28 =	simm.s32 $0x6;
	s29 =	simm.s32 $0x50;
	s7 =	smul.u32 $0x4E000, s14  }
0x6: {  	s30 =	simm.s32 $0x3800;
	s31 =	simm.s32 $0x80;
	s9 =	smul.u32 $0x8C00, s14  }
0x7: {  	[smem:$0x7FF] =	sst s5;
	s6 =	sadd.s32 $0xD9C00, s0;
	s12 =	smul.u32 $0x2700, s14  }
0x8: {  	s2 =	sand.u32 $0x1, s2;
	s0 =	sadd.s32 $0x127E00, s0;
	s25 =	sadd.s32 $0x129800, s4  }
0x9: {  	s26 =	sadd.s32 $0x127000, s4;
	p0 =	sne.s32 s14, $0xF;
	s8 =	smul.u32 $0x8C000, s2  }
0xa: {  	p1 =	seq.s32 s14, $0xF;
	_ =	strace $0x8000004A;
	s10 =	smul.u32 $0x27100, s2  }
0xb: {  	s11 =	ssub.s32 $0x2, s2;
	s2 =	smul.u32 $0x138800, s2;
	[dreg:$0xf] =	wrdreg s25  }
0xc: {  	[dreg:$0x10] =	wrdreg s26;
	s25 =	sadd.s32 $0x133800, s4;
	s7 =	sshrl.u32 s7, $0x2  }
0xd: {  	s26 =	sadd.s32 $0x136000, s4;
	s13 =	sshrl.u32 s11, $0x1;
	s7 =	sadd.s32 s7, s4  }
0xe: {  	s13 =	ssub.s32 s11, s13;
	s17 =	sadd.s32 s12, s10;
	s16 =	sadd.s32 $0x11800, s7  }
0xf: {  	s9 =	sadd.s32 s9, s8;
	s8 =	sadd.s32 s0, s17;
	[dreg:$0x5] =	wrdreg s16  }
0x10: {  	s2 =	sshrl.u32 s2, $0x3;
	s18 =	smax.u32 s13, $0x1;
	[dreg:$0x6] =	wrdreg s8  }
0x11: {  	s11 =	sadd.s32 $0x124800, s4;
	s19 =	sadd.s32 $0x2800, s7;
	[dreg:$0x8] =	wrdreg s18  }
0x12: {  	s10 =	simm.s32 $0x5;
	s20 =	sadd.s32 $0x5000, s7;
	[dreg:$0x9] =	wrdreg s19  }
0x13: {  	s12 =	simm.s32 $0x2;
	s21 =	sadd.s32 $0x7800, s7;
	[dreg:$0xa] =	wrdreg s20  }
0x14: {  	s0 =	sadd.s32 s0, s2;
	s22 =	sadd.s32 $0xA000, s7;
	[dreg:$0xb] =	wrdreg s21  }
.Ltmp0:
0x15: {  	s23 =	sadd.s32 $0xC800, s7;
	[dreg:$0xc] =	wrdreg s22;
	(pc) =	sbr.rel .LBB2_1-.Ltmp0, $4  }
0x16: {  	s24 =	sadd.s32 $0xF000, s7;
	s2 =	simm.s32 $0x6000;
	[dreg:$0xd] =	wrdreg s23  }
0x17: {  	s13 =	simm.s32 $0x1;
	s0 =	sadd.s32 $0x24900, s0;
	[dreg:$0xe] =	wrdreg s24  }
0x18: {  	s22 =	sadd.s32 $0x12C000, s4;
	s23 =	sadd.s32 $0x12E800, s4;
	s24 =	sadd.s32 $0x131000, s4  }
0x19: {  	v0 =	vimm.f32 $0.0e+00;
	s8 =	simm.s32 $0x8800;
	[dreg:$0x7] =	wrdreg s0;
	s0 =	simm.s32 $0x3  }
.LBB2_17:
0x1a: {  	[bflag:$0x0] =	sbarrier.arrive $0xFFFF  }
0x1b: {  	s14 =	sshrl.u32 @p1 s11, $0x3;
	s15 =	simm.s32 @p1 $0x1FC6;
	s16 =	rddreg [dreg:$0x7]  }
0x1c: {  	[hbm:s16], [sflag:s15] =	dma.local @p1 [spmem:s14], $0x2800  }
0x1d: {  	s14 =	simm.s32 @p1 $0x6  }
0x1e: {  	s15 =	stileid.u32;
	_ =	swait.ge @p1 [sflag:s14], $0x2800  }
0x1f: {  	s15 =	sshll.u32 @!p1 s15, $0x6;
	[sflag:s14] =	ssyncset.done @p1 $0x0;
	s16 =	rddreg [dreg:$0x6]  }
0x20: {  	[sflag:s14] =	ssyncadd.s32 @p1 $0xFFFFD800;
	s14 =	sor.u32 @!p1 $0x1C06, s15;
	s15 =	sshrl.u32 @!p1 s7, $0x3  }
0x21: {  	[hbm:s16], [sflag:s14] =	dma.local @!p1 [spmem:s15], $0x2700  }
0x22: {  	s14 =	simm.s32 @!p1 $0x6  }
0x23: {  	_ =	swait.ge @!p1 [sflag:s14], $0x2700  }
0x24: {  	s5 =	sadd.s32 $0x1, s5;
	s21 =	rddreg [dreg:$0x8]  }
0x25: {  	p2 =	sne.s32 s5, s21  }
.Ltmp1:
0x26: {  	_ = 	snop;
	(pc) =	sbr.rel @!p2 .LBB2_18-.Ltmp1, $3  }
0x27: {  	_ =	sdelay $0x1  }
0x28: {  	[sflag:s14] =	ssyncset.done @!p1 $0x0  }
0x29: {  	[sflag:s14] =	ssyncadd.s32 @!p1 $0xFFFFD900  }
.LBB2_1:
0x2a: {  	s14 =	simm.s32 $0x0;
	s15 =	simm.s32 $0x200  }
.LBB2_2:
0x2b: {  	p2 =	sne.s32 s15, $0x9E00;
	[tilespmem:s14+$0x3870] =	vst v0  }
0x2c: {  	[tilespmem:s14+$0x3800] =	vst v0  }
0x2d: {  	[tilespmem:s14+$0x3810] =	vst v0  }
.Ltmp2:
0x2e: {  	[tilespmem:s14+$0x3820] =	vst v0;
	(pc) =	sbr.rel @p2 .LBB2_2-.Ltmp2, $4  }
0x2f: {  	[tilespmem:s14+$0x3830] =	vst v0  }
0x30: {  	[tilespmem:s14+$0x3840] =	vst v0  }
0x31: {  	[tilespmem:s14+$0x3850] =	vst v0  }
0x32: {  	[tilespmem:s14+$0x3860] =	vst v0;
	s14 =	sshra.s32 s15, $0x2;
	s15 =	sadd.s32 $0x200, s15  }
0x33: {  	[tilespmem:s14+$0x3870] =	vst v0  }
0x34: {  	[tilespmem:s14+$0x3800] =	vst v0  }
0x35: {  	[tilespmem:s14+$0x3810] =	vst v0  }
0x36: {  	[tilespmem:s14+$0x3820] =	vst v0  }
0x37: {  	[tilespmem:s14+$0x3830] =	vst v0  }
0x38: {  	[tilespmem:s14+$0x3840] =	vst v0  }
0x39: {  	[tilespmem:s14+$0x3850] =	vst v0  }
0x3a: {  	[tilespmem:s14+$0x3860] =	vst v0;
	s14 =	simm.s32 @p0 $0x3800;
	s15 =	simm.s32 @p0 $0x6  }
0x3b: {  	[spmem:s7] =	stream.linear.scatter @p0 [tilespmem:s14], [sflag:$0x6], $0x2800, $0x38;
	[tilespmem:$0x1E880] =	vst v63  }
0x3c: {  	_ =	swait.ge @p0 [sflag:s15], $0x2800  }
0x3d: {  	[sflag:s15] =	ssyncset.done @p0 $0x0  }
0x3e: {  	s16 =	rddreg [dreg:$0x9];
	[sflag:s15] =	ssyncadd.s32 @p0 $0xFFFFD800  }
0x3f: {  	[spmem:s16] =	stream.linear.scatter @p0 [tilespmem:s14], [sflag:$0x6], $0x2800, $0x38;
	[tilespmem:$0x1E880] =	vst v63  }
0x40: {  	_ =	swait.ge @p0 [sflag:s15], $0x2800  }
0x41: {  	[sflag:s15] =	ssyncset.done @p0 $0x0  }
0x42: {  	s16 =	rddreg [dreg:$0xa];
	[sflag:s15] =	ssyncadd.s32 @p0 $0xFFFFD800  }
0x43: {  	[spmem:s16] =	stream.linear.scatter @p0 [tilespmem:s14], [sflag:$0x6], $0x2800, $0x38;
	[tilespmem:$0x1E880] =	vst v63  }
0x44: {  	_ =	swait.ge @p0 [sflag:s15], $0x2800  }
0x45: {  	[sflag:s15] =	ssyncset.done @p0 $0x0  }
0x46: {  	s16 =	rddreg [dreg:$0xb];
	[sflag:s15] =	ssyncadd.s32 @p0 $0xFFFFD800  }
0x47: {  	[spmem:s16] =	stream.linear.scatter @p0 [tilespmem:s14], [sflag:$0x6], $0x2800, $0x38;
	[tilespmem:$0x1E880] =	vst v63  }
0x48: {  	_ =	swait.ge @p0 [sflag:s15], $0x2800  }
0x49: {  	[sflag:s15] =	ssyncset.done @p0 $0x0  }
0x4a: {  	s16 =	rddreg [dreg:$0xc];
	[sflag:s15] =	ssyncadd.s32 @p0 $0xFFFFD800  }
0x4b: {  	[spmem:s16] =	stream.linear.scatter @p0 [tilespmem:s14], [sflag:$0x6], $0x2800, $0x38;
	[tilespmem:$0x1E880] =	vst v63  }
0x4c: {  	_ =	swait.ge @p0 [sflag:s15], $0x2800  }
0x4d: {  	[sflag:s15] =	ssyncset.done @p0 $0x0  }
0x4e: {  	s16 =	rddreg [dreg:$0xd];
	[sflag:s15] =	ssyncadd.s32 @p0 $0xFFFFD800  }
0x4f: {  	[spmem:s16] =	stream.linear.scatter @p0 [tilespmem:s14], [sflag:$0x6], $0x2800, $0x38;
	[tilespmem:$0x1E880] =	vst v63  }
0x50: {  	_ =	swait.ge @p0 [sflag:s15], $0x2800  }
0x51: {  	[sflag:s15] =	ssyncset.done @p0 $0x0  }
0x52: {  	s16 =	rddreg [dreg:$0xe];
	[sflag:s15] =	ssyncadd.s32 @p0 $0xFFFFD800  }
0x53: {  	[spmem:s16] =	stream.linear.scatter @p0 [tilespmem:s14], [sflag:$0x6], $0x2800, $0x38;
	[tilespmem:$0x1E880] =	vst v63  }
0x54: {  	_ =	swait.ge @p0 [sflag:s15], $0x2800  }
0x55: {  	[sflag:s15] =	ssyncset.done @p0 $0x0  }
0x56: {  	s16 =	rddreg [dreg:$0x5];
	[sflag:s15] =	ssyncadd.s32 @p0 $0xFFFFD800  }
0x57: {  	[spmem:s16] =	stream.linear.scatter @p0 [tilespmem:s14], [sflag:$0x6], $0x2000, $0x38;
	[tilespmem:$0x1E880] =	vst v63  }
0x58: {  	_ =	swait.ge @p0 [sflag:s15], $0x2000  }
0x59: {  	[sflag:s15] =	ssyncset.done @p0 $0x0  }
0x5a: {  	s14 =	simm.s32 @!p0 $0x3800;
	[sflag:s15] =	ssyncadd.s32 @p0 $0xFFFFE000;
	s15 =	simm.s32 @!p0 $0x6  }
0x5b: {  	[spmem:s11] =	stream.linear.scatter @!p0 [tilespmem:s14], [sflag:$0x6], $0x2800, $0x38;
	[tilespmem:$0x1E880] =	vst v63  }
0x5c: {  	_ =	swait.ge @!p0 [sflag:s15], $0x2800  }
0x5d: {  	[sflag:s15] =	ssyncset.done @!p0 $0x0  }
0x5e: {  	s16 =	rddreg [dreg:$0x10];
	[sflag:s15] =	ssyncadd.s32 @!p0 $0xFFFFD800  }
0x5f: {  	[spmem:s16] =	stream.linear.scatter @!p0 [tilespmem:s14], [sflag:$0x6], $0x2800, $0x38;
	[tilespmem:$0x1E880] =	vst v63  }
0x60: {  	_ =	swait.ge @!p0 [sflag:s15], $0x2800  }
0x61: {  	[sflag:s15] =	ssyncset.done @!p0 $0x0  }
0x62: {  	s16 =	rddreg [dreg:$0xf];
	[sflag:s15] =	ssyncadd.s32 @!p0 $0xFFFFD800  }
0x63: {  	[spmem:s16] =	stream.linear.scatter @!p0 [tilespmem:s14], [sflag:$0x6], $0x2800, $0x38;
	[tilespmem:$0x1E880] =	vst v63  }
0x64: {  	_ =	swait.ge @!p0 [sflag:s15], $0x2800  }
0x65: {  	[sflag:s15] =	ssyncset.done @!p0 $0x0  }
0x66: {  	[sflag:s15] =	ssyncadd.s32 @!p0 $0xFFFFD800  }
0x67: {  	[spmem:s22] =	stream.linear.scatter @!p0 [tilespmem:s14], [sflag:$0x6], $0x2800, $0x38;
	[tilespmem:$0x1E880] =	vst v63  }
0x68: {  	_ =	swait.ge @!p0 [sflag:s15], $0x2800  }
0x69: {  	[sflag:s15] =	ssyncset.done @!p0 $0x0  }
0x6a: {  	[sflag:s15] =	ssyncadd.s32 @!p0 $0xFFFFD800  }
0x6b: {  	[spmem:s23] =	stream.linear.scatter @!p0 [tilespmem:s14], [sflag:$0x6], $0x2800, $0x38;
	[tilespmem:$0x1E880] =	vst v63  }
0x6c: {  	_ =	swait.ge @!p0 [sflag:s15], $0x2800  }
0x6d: {  	[sflag:s15] =	ssyncset.done @!p0 $0x0  }
0x6e: {  	[sflag:s15] =	ssyncadd.s32 @!p0 $0xFFFFD800  }
0x6f: {  	[spmem:s24] =	stream.linear.scatter @!p0 [tilespmem:s14], [sflag:$0x6], $0x2800, $0x38;
	[tilespmem:$0x1E880] =	vst v63  }
0x70: {  	_ =	swait.ge @!p0 [sflag:s15], $0x2800  }
0x71: {  	[sflag:s15] =	ssyncset.done @!p0 $0x0  }
0x72: {  	[sflag:s15] =	ssyncadd.s32 @!p0 $0xFFFFD800  }
0x73: {  	[spmem:s25] =	stream.linear.scatter @!p0 [tilespmem:s14], [sflag:$0x6], $0x2800, $0x38;
	[tilespmem:$0x1E880] =	vst v63  }
0x74: {  	_ =	swait.ge @!p0 [sflag:s15], $0x2800  }
0x75: {  	[sflag:s15] =	ssyncset.done @!p0 $0x0  }
0x76: {  	[sflag:s15] =	ssyncadd.s32 @!p0 $0xFFFFD800  }
0x77: {  	[spmem:s26] =	stream.linear.scatter @!p0 [tilespmem:s14], [sflag:$0x6], $0x2800, $0x38;
	[tilespmem:$0x1E880] =	vst v63  }
.Ltmp3:
0x78: {  	_ =	swait.ge @!p0 [sflag:s15], $0x2800;
	(pc) =	sbr.rel .LBB2_4-.Ltmp3, $4  }
0x79: {  	[sflag:s15] =	ssyncset.done @!p0 $0x0  }
0x7a: {  	[sflag:s15] =	ssyncadd.s32 @!p0 $0xFFFFD800  }
0x7b: {  	[bflag:$0x0] =	sbarrier.arrive $0xFFFF  }
0x7c: {  	s14 =	simm.s32 $0x0;
	s15 =	simm.s32 $0x0  }
.LBB2_16:
0x7d: {  	s15 =	sadd.s32 $0x1, s15  }
0x7e: {  	p2 =	sne.s32 s15, $0x5  }
.Ltmp4:
0x7f: {  	_ = 	snop;
	(pc) =	sbr.rel @!p2 .LBB2_17-.Ltmp4, $4  }
0x80: {  	_ = 	snop  }
0x81: {  	_ =	swait.ge [sflag:s10], $0x2800  }
0x82: {  	[sflag:s10] =	ssyncset.done $0x0  }
0x83: {  	[sflag:s10] =	ssyncadd.s32 $0xFFFFD800  }
.LBB2_4:
0x84: {  	s16 =	smul.u32 $0x1C00, s15;
	_ =	sdelay $0x1  }
0x85: {  	s16 =	sadd.s32 s16, s9  }
0x86: {  	s16 =	sshrl.u32 s16, $0x3  }
0x87: {  	s17 =	sadd.s32 s1, s16  }
0x88: {  	[tilespmem:s14], [sflag:$0x6] =	stream.linear.gather [hbm4b:s17+s14], $0x1900, $0x38;
	[tilespmem:$0x1E880] =	vst v63  }
0x89: {  	_ =	swait.ge [sflag:s28], $0x1900  }
0x8a: {  	[sflag:s28] =	ssyncset.done $0x0  }
0x8b: {  	s21 =	sadd.s32 s3, s16;
	s16 =	simm.s32 $0x1C00;
	[sflag:s28] =	ssyncadd.s32 $0xFFFFE700  }
0x8c: {  	[tilespmem:s16], [sflag:$0x6] =	stream.linear.gather [hbm4b:s21+s14], $0x1900, $0x38;
	[tilespmem:$0x1E880] =	vst v63  }
0x8d: {  	_ =	swait.ge [sflag:s28], $0x1900  }
.Ltmp5:
0x8e: {  	[sflag:s28] =	ssyncset.done $0x0;
	(pc) =	sbr.rel .LBB2_5-.Ltmp5, $4  }
0x8f: {  	[sflag:s28] =	ssyncadd.s32 $0xFFFFE700  }
0x90: {  	[tilespmem:s30], [sflag:$0x1] =	stream.indirect.gather [hbm4b:s6+s29], $0x80, s14, s29, $0xb8;
	[tilespmem:$0x1E880] =	vst v63  }
0x91: {  	s18 =	simm.s32 $0x0;
	s17 =	simm.s32 $0x100  }
0x92: {  	[tilespmem:s2], [sflag:$0x2] =	stream.indirect.gather [hbm4b:s6+s29], $0x80, s31, s29, $0xb8;
	[tilespmem:$0x1E880] =	vst v63  }
.LBB2_14:
0x93: {  	_ =	swait.ge [sflag:s0], $0x2800  }
0x94: {  	[sflag:s0] =	ssyncset.done $0x0  }
0x95: {  	[sflag:s0] =	ssyncadd.s32 $0xFFFFD800  }
0x96: {  	[spmem:s4] =	stream.indirect.scatter.add.f32 [tilespmem:s8], [sflag:$0x4], $0x80, s16, s29, $0xb8;
	[tilespmem:$0x1E880] =	vst v63  }
.LBB2_15:
0x97: {  	s18 =	sadd.s32 $0x1, s18  }
0x98: {  	p2 =	sne.s32 s18, $0x32  }
.Ltmp6:
0x99: {  	_ = 	snop;
	(pc) =	sbr.rel @!p2 .LBB2_16-.Ltmp6, $2  }
0x9a: {  	_ =	sdelay $0x2  }
0x9b: {  	s16 =	sadd.s32 $0x80, s16;
	s17 =	sadd.s32 $0x80, s17  }
.LBB2_5:
0x9c: {  	s19 =	sadd.s32 $0xFFFFFFFF, s18  }
0x9d: {  	s20 =	sshll.u32 s19, $0x18  }
0x9e: {  	s20 =	sshra.s32 s20, $0x18  }
0x9f: {  	s20 =	smul.u32 $0x56, s20;
	_ =	sdelay $0x1  }
0xa0: {  	s21 =	sshrl.u32 s20, $0x1F;
	s20 =	sshrl.u32 s20, $0x8  }
0xa1: {  	s20 =	sadd.s32 s21, s20  }
0xa2: {  	s20 =	smul.u32 $0x3, s20;
	_ =	sdelay $0x1  }
0xa3: {  	s19 =	ssub.s32 s19, s20  }
0xa4: {  	s19 =	sshll.u32 s19, $0x18  }
0xa5: {  	s19 =	sshra.s32 s19, $0x18  }
0xa6: {  	p2 =	slt.s32 s19, $0x0;
	s20 =	sadd.s32 $0x3, s19  }
0xa7: {  	p3 =	seq.s32 s18, $0x0;
	s19 =	smov.u32 @p2 s20  }
0xa8: {  	p2 =	seq.s32 @!p3 s19, $0x0  }
0xa9: {  	p2 =	por p3, !p2  }
0xaa: {  	p3 =	seq.s32 @p2 s18, $0x0  }
0xab: {  	p4 =	por p3, !p2  }
0xac: {  	p4 =	seq.s32 @!p4 s19, $0x1  }
0xad: {  	p3 =	por @p2 p3, !p4  }
0xae: {  	p3 =	por !p2, !p3  }
0xaf: {  	p4 =	seq.s32 @!p3 s18, $0x0  }
0xb0: {  	p5 =	por p4, p3  }
0xb1: {  	p5 =	sne.s32 @!p5 s19, $0x2  }
0xb2: {  	p4 =	por @!p3 p4, p5  }
0xb3: {  	p4 =	por p3, !p4  }
.Ltmp7:
0xb4: {  	_ = 	snop;
	(pc) =	sbr.rel @!p4 .LBB2_7-.Ltmp7, $1  }
0xb5: {  	_ =	sdelay $0x3  }
0xb6: {  	s19 =	simm.s32 $0x4  }
0xb7: {  	s19 =	simm.s32 @p2 $0x5  }
0xb8: {  	s19 =	simm.s32 @!p3 $0x4  }
0xb9: {  	_ =	swait.ge [sflag:s19], $0x2800  }
0xba: {  	[sflag:s19] =	ssyncset.done $0x0  }
0xbb: {  	[sflag:s19] =	ssyncadd.s32 $0xFFFFD800  }
.LBB2_7:
0xbc: {  	s19 =	sadd.s32 $0x2, s18  }
0xbd: {  	s20 =	smul.u32 $0xAB, s19;
	_ =	sdelay $0x1  }
0xbe: {  	s20 =	sshrl.u32 s20, $0x9  }
0xbf: {  	s20 =	sand.u32 $0x7F, s20  }
0xc0: {  	s20 =	smul.u32 $0x3, s20;
	_ =	sdelay $0x1  }
0xc1: {  	p2 =	sgt.u32 s18, $0x2F;
	s19 =	ssub.s32 s19, s20  }
0xc2: {  	s19 =	sand.u32 @!p2 $0xFF, s19  }
0xc3: {  	p3 =	sne.s32 @!p2 s19, $0x0  }
0xc4: {  	p3 =	por p2, p3  }
.Ltmp8:
0xc5: {  	_ = 	snop;
	(pc) =	sbr.rel @p3 .LBB2_9-.Ltmp8, $1  }
0xc6: {  	_ =	sdelay $0x3  }
.Ltmp9:
0xc7: {  	(pc) =	sbr.rel .LBB2_12-.Ltmp9, $2  }
0xc8: {  	_ =	sdelay $0x2  }
0xc9: {  	[tilespmem:s30], [sflag:$0x1] =	stream.indirect.gather [hbm4b:s6+s29], $0x80, s17, s29, $0xb8;
	[tilespmem:$0x1E880] =	vst v63  }
.LBB2_9:
0xca: {  	p3 =	sne.s32 @!p2 s19, $0x1  }
0xcb: {  	p3 =	por p2, p3  }
.Ltmp10:
0xcc: {  	_ = 	snop;
	(pc) =	sbr.rel @p3 .LBB2_11-.Ltmp10, $1  }
0xcd: {  	_ =	sdelay $0x3  }
.Ltmp11:
0xce: {  	(pc) =	sbr.rel .LBB2_12-.Ltmp11, $2  }
0xcf: {  	_ =	sdelay $0x2  }
0xd0: {  	[tilespmem:s2], [sflag:$0x2] =	stream.indirect.gather [hbm4b:s6+s29], $0x80, s17, s29, $0xb8;
	[tilespmem:$0x1E880] =	vst v63  }
.LBB2_11:
0xd1: {  	p3 =	sne.s32 @!p2 s19, $0x2  }
0xd2: {  	p2 =	por p3, p2  }
0xd3: {  	s19 =	simm.s32 @!p2 $0x50;
	s20 =	simm.s32 @!p2 $0x8800  }
0xd4: {  	[tilespmem:s20], [sflag:$0x3] =	stream.indirect.gather @!p2 [hbm4b:s6+s19], $0x80, s17, s19, $0xb8;
	[tilespmem:$0x1E880] =	vst v63  }
.LBB2_12:
0xd5: {  	s19 =	smul.u32 $0xAB, s18;
	_ =	sdelay $0x1  }
0xd6: {  	s19 =	sshrl.u32 s19, $0x9  }
0xd7: {  	s19 =	sand.u32 $0x7F, s19  }
0xd8: {  	s19 =	smul.u32 $0x3, s19;
	_ =	sdelay $0x1  }
0xd9: {  	s19 =	ssub.s32 s18, s19  }
0xda: {  	s19 =	sand.u32 $0xFF, s19  }
0xdb: {  	p2 =	seq.s32 s19, $0x2  }
.Ltmp12:
0xdc: {  	_ = 	snop;
	(pc) =	sbr.rel @p2 .LBB2_14-.Ltmp12, $1  }
0xdd: {  	_ =	sdelay $0x3  }
0xde: {  	p2 =	seq.s32 s19, $0x1  }
0xdf: {  	_ =	swait.ge @p2 [sflag:s12], $0x2800  }
0xe0: {  	[sflag:s12] =	ssyncset.done @p2 $0x0  }
0xe1: {  	[sflag:s12] =	ssyncadd.s32 @p2 $0xFFFFD800  }
0xe2: {  	[spmem:s4] =	stream.indirect.scatter.add.f32 @p2 [tilespmem:s2], [sflag:$0x5], $0x80, s16, s29, $0xb8;
	[tilespmem:$0x1E880] =	vst v63  }
.Ltmp13:
0xe3: {  	_ = 	snop;
	(pc) =	sbr.rel .LBB2_15-.Ltmp13, $4  }
0xe4: {  	_ =	swait.ge @!p2 [sflag:s13], $0x2800  }
0xe5: {  	[sflag:s13] =	ssyncset.done @!p2 $0x0  }
0xe6: {  	[sflag:s13] =	ssyncadd.s32 @!p2 $0xFFFFD800  }
0xe7: {  	[spmem:s4] =	stream.indirect.scatter.add.f32 @!p2 [tilespmem:s30], [sflag:$0x4], $0x80, s16, s29, $0xb8;
	[tilespmem:$0x1E880] =	vst v63  }
.LBB2_18:
0xe8: {  	_ =	sfence.sel $0x180000  }
0xe9: {  	[bflag:$0x0] =	sbarrier.arrive $0xFFFF  }
0xea: {  	_ =	strace $0x9000004A  }
0xeb: {  	s0 =	stileid.u32;
	[bflag:$0x2] =	sbarrier.arrive $0xFFFF  }
0xec: {  	p0 =	sne.s32 s0, $0x0;
	s0 =	rddreg [dreg:$0x4]  }
0xed: {  	s0 =	sadd.s32 @!p0 $0x100000, s0  }
0xee: {  	[sflag:s0] =	ssyncadd.tile.s32 @!p0 $0x1;
	_ =	shalt  }
.Lfunc_end2:
_tile_overlayer_lowered:
.L_overlay_start_2:
0xef: {  	(tag) =	ssettag $0x2  }
0xf0: {  	s0 =	rddreg [dreg:$0x0];
	s2 =	stileid.u32  }
0xf1: {  	s1 =	rddreg [dreg:$0x1];
	p0 =	sne.s32 s2, $0x0  }
0xf2: {  	s3 =	rddreg [dreg:$0x2];
	[bflag:$0x3] =	sbarrier.arrive $0xFFFF;
	s2 =	simm.s32 @!p0 $0x1C06  }
0xf3: {  	[timem:s3], [sflag:s2] =	dma.local @!p0 [hbm:s0], s1  }
0xf4: {  	s0 =	simm.s32 @!p0 $0x6  }
0xf5: {  	_ =	swait.ge @!p0 [sflag:s0], s1  }
0xf6: {  	s1 =	ssub.s32 @!p0 $0x0, s1;
	[sflag:s0] =	ssyncset.done @!p0 $0x0  }
0xf7: {  	[sflag:s0] =	ssyncadd.s32 @!p0 s1  }
0xf8: {  	[bflag:$0x3] =	sbarrier.arrive $0xFFFF  }
0xf9: {  	_ =	shalt  }

// kernel: kernel.14.cloned.1.call-start
scs
__scs_entry_jumppad:
0x0: {  	(pc) =	sbr.rel $0x88, $3  }
0x1: {  	(tag) =	ssettag $0x0;
	lr =	simm.s32 $0x1  }
0x2: {  	[smem:$0x3F95] =	sst lr;
	_ =	strace $0xD0000000  }
0x3: {  	_ = 	snop  }
0x4: {  	_ = 	snop  }
0x5: {  	_ = 	snop  }
0x6: {  	_ = 	snop  }
0x7: {  	_ = 	snop  }
__scs_overlays_trampoline_lowered:
0x8: {  	[smem:$0x3FA4] =	sst s0  }
0x9: {  	[smem:$0x3FA5] =	sst s1  }
0xa: {  	[smem:$0x3FA6] =	sst s2  }
0xb: {  	[smem:$0x3FA7] =	sst s3  }
0xc: {  	[smem:$0x3FA8] =	sst s4  }
0xd: {  	[smem:$0x3FA9] =	sst s5  }
0xe: {  	[smem:$0x3FAA] =	sst s6  }
0xf: {  	[smem:$0x3FAB] =	sst s7  }
0x10: {  	[smem:$0x3FAC] =	sst s8  }
0x11: {  	[smem:$0x3FAD] =	sst s9;
	s0 =	simm.s32 @!p0 $0x0  }
0x12: {  	s1 =	sld [smem:$0x3F93];
	s0 =	simm.s32 @p0 $0x1  }
0x13: {  	[smem:$0x3FAE] =	sst s0;
	s0 =	simm.s32 @!p1 $0x0  }
0x14: {  	s2 =	sld [smem:$0x3F92];
	s0 =	simm.s32 @p1 $0x1  }
0x15: {  	[smem:$0x3FAF] =	sst s0;
	s0 =	simm.s32 @!p2 $0x0  }
0x16: {  	s3 =	sld [smem:$0x3FDB];
	s0 =	simm.s32 @p2 $0x1  }
0x17: {  	s4 =	simm.s32 $0x1BF5;
	[smem:$0x3FB1] =	sst s0  }
0x18: {  	s0 =	sld [smem:$0x3F94];
	_ =	swait.ge [sflag:s4], $0x0  }
0x19: {  	s7 =	sld [smem:$0x3F95]  }
0x1a: {  	s8 =	sadd.s32 $0xFFFFE003, lr  }
0x1b: {  	s9 =	sadd.s32 $0xFFFFFEF7, lr;
	s5 =	simm.s32 $0xFFFFFFFF;
	p2 =	slt.u32 s8, $0xFFFFF086  }
0x1c: {  	p1 =	slt.u32 s9, $0xF7A;
	s5 =	simm.s32 @!p2 $0x0  }
0x1d: {  	s5 =	simm.s32 @p1 $0x1;
	p0 =	seq.s32 s7, s2  }
0x1e: {  	s7 =	smul.u32 @!p0 $0xF7A, s2;
	p2 =	seq.s32 @!p0 s5, $0x0  }
0x1f: {  	s9 =	smul.u32 $0xF7A, s1;
	s8 =	simm.s32 @!p0 $0x1BF5;
	p2 =	por !p2, p0  }
0x20: {  	[sflag:s8] =	ssyncset.s32 @!p0 $0xFFFFF086;
	s6 =	sadd.s32 @!p0 s3, s7;
	s7 =	simm.s32 @!p0 $0x108  }
0x21: {  	s3 =	sadd.s32 s3, s9;
	s6 =	sadd.s32 @!p0 $0x88, s6;
	s7 =	simm.s32 @p2 $0x1082  }
0x22: {  	[simem:s7], [sflag:s8] =	dma.local @!p0 [hbm:s6], $0xF7A  }
0x23: {  	s9 =	sor.u32 $0xD0000000, s2;
	s6 =	simm.s32 $0x108;
	_ =	swait.ge @!p0 [sflag:s8], $0x0  }
0x24: {  	s3 =	sadd.s32 $0x88, s3;
	s6 =	simm.s32 @!p1 $0x1082;
	[sflag:s4] =	ssyncset.s32 $0xFFFFF086  }
0x25: {  	[simem:s6], [sflag:s4] =	dma.local [hbm:s3], $0xF7A  }
0x26: {  	[smem:$0x3F95] =	sst s1;
	(tag) =	ssettag s2;
	_ =	strace s9  }
0x27: {  	s1 =	sld [smem:$0x3FA5]  }
0x28: {  	s2 =	sld [smem:$0x3FA6]  }
0x29: {  	s4 =	sld [smem:$0x3FA8]  }
0x2a: {  	p0 =	seq.s32 s5, $0x0;
	s5 =	sld [smem:$0x3FA9]  }
0x2b: {  	s6 =	sld [smem:$0x3FAA]  }
0x2c: {  	s7 =	sld [smem:$0x3FAB]  }
0x2d: {  	s3 =	simm.s32 $0x108;
	s8 =	sld [smem:$0x3FAC]  }
0x2e: {  	s3 =	simm.s32 @!p0 $0x1082;
	s9 =	sld [smem:$0x3FAD]  }
0x2f: {  	lr =	sadd.s32 s0, s3;
	s0 =	sld [smem:$0x3FA4]  }
0x30: {  	s3 =	sld [smem:$0x3FA7]  }
0x31: {  	[smem:$0x3FB0] =	sst s10  }
0x32: {  	s10 =	sld [smem:$0x3FAE];
	_ =	sdelay $0x3  }
0x33: {  	p0 =	seq.s32 s10, $0x1;
	s10 =	sld [smem:$0x3FB0];
	_ =	sdelay $0x3  }
0x34: {  	[smem:$0x3FB0] =	sst s10  }
0x35: {  	s10 =	sld [smem:$0x3FAF];
	_ =	sdelay $0x3  }
0x36: {  	p1 =	seq.s32 s10, $0x1;
	s10 =	sld [smem:$0x3FB0];
	_ =	sdelay $0x3  }
0x37: {  	[smem:$0x3FB0] =	sst s10  }
0x38: {  	s10 =	sld [smem:$0x3FB1]  }
0x39: {  	_ = 	snop;
	(pc) =	sbr.ind lr, $3  }
0x3a: {  	_ = 	snop  }
0x3b: {  	_ = 	snop  }
0x3c: {  	p2 =	seq.s32 s10, $0x1;
	s10 =	sld [smem:$0x3FB0]  }
0x3d: {  	_ =	shalt  }
0x3e: {  	_ =	shalt  }
0x3f: {  	_ =	shalt  }
0x40: {  	_ =	shalt  }
0x41: {  	_ =	shalt  }
0x42: {  	_ =	shalt  }
0x43: {  	_ =	shalt  }
0x44: {  	_ =	shalt  }
0x45: {  	_ =	shalt  }
0x46: {  	_ =	shalt  }
0x47: {  	_ =	shalt  }
0x48: {  	_ =	shalt  }
0x49: {  	_ =	shalt  }
0x4a: {  	_ =	shalt  }
0x4b: {  	_ =	shalt  }
0x4c: {  	_ =	shalt  }
0x4d: {  	_ =	shalt  }
0x4e: {  	_ =	shalt  }
0x4f: {  	_ =	shalt  }
0x50: {  	_ =	shalt  }
0x51: {  	_ =	shalt  }
0x52: {  	_ =	shalt  }
0x53: {  	_ =	shalt  }
0x54: {  	_ =	shalt  }
0x55: {  	_ =	shalt  }
0x56: {  	_ =	shalt  }
0x57: {  	_ =	shalt  }
0x58: {  	_ =	shalt  }
0x59: {  	_ =	shalt  }
0x5a: {  	_ =	shalt  }
0x5b: {  	_ =	shalt  }
0x5c: {  	_ =	shalt  }
0x5d: {  	_ =	shalt  }
0x5e: {  	_ =	shalt  }
0x5f: {  	_ =	shalt  }
0x60: {  	_ =	shalt  }
0x61: {  	_ =	shalt  }
0x62: {  	_ =	shalt  }
0x63: {  	_ =	shalt  }
0x64: {  	_ =	shalt  }
0x65: {  	_ =	shalt  }
0x66: {  	_ =	shalt  }
0x67: {  	_ =	shalt  }
0x68: {  	_ =	shalt  }
0x69: {  	_ =	shalt  }
0x6a: {  	_ =	shalt  }
0x6b: {  	_ =	shalt  }
0x6c: {  	_ =	shalt  }
0x6d: {  	_ =	shalt  }
0x6e: {  	_ =	shalt  }
0x6f: {  	_ =	shalt  }
0x70: {  	_ =	shalt  }
0x71: {  	_ =	shalt  }
0x72: {  	_ =	shalt  }
0x73: {  	_ =	shalt  }
0x74: {  	_ =	shalt  }
0x75: {  	_ =	shalt  }
0x76: {  	_ =	shalt  }
0x77: {  	_ =	shalt  }
0x78: {  	_ =	shalt  }
0x79: {  	_ =	shalt  }
0x7a: {  	_ =	shalt  }
0x7b: {  	_ =	shalt  }
0x7c: {  	_ =	shalt  }
0x7d: {  	_ =	shalt  }
0x7e: {  	_ =	shalt  }
0x7f: {  	_ =	shalt  }
0x80: {  	_ =	shalt  }
0x81: {  	_ =	shalt  }
0x82: {  	_ =	shalt  }
0x83: {  	_ =	shalt  }
0x84: {  	_ =	shalt  }
0x85: {  	_ =	shalt  }
0x86: {  	_ =	shalt  }
0x87: {  	_ =	shalt  }
.Lfunc_end0:
.L_simem_size_0:
called_computation.2_lowered:
.L_overlay_start_0:
0x88: {  	s2 =	sld [smem:$0x3FD9]  }
0x89: {  	s3 =	sld [smem:$0x3FFE];
	_ =	sdelay $0x1  }
0x8a: {  	s1 =	srdreg.scid  }
0x8b: {  	s0 =	sand.u32 $0x1, s1  }
0x8c: {  	s14 =	sshll.u32 s0, $0xA;
	s2 =	sadd.s32 s3, s2  }
0x8d: {  	s2 =	sadd.s32 s2, s14  }
0x8e: {  	[smem:$0x3FBC] =	sst s2  }
0x8f: {  	_ = 	snop  }
0x90: {  	s2 =	sld [smem:$0x3FD0];
	_ =	sdelay $0x2  }
0x91: {  	s15 =	simm.s32 $0xA;
	s4 =	simm.s32 $0x10  }
0x92: {  	[smem:s4], [sflag:s15] =	dma.local [hbm:s2], $0x1  }
0x93: {  	_ =	swait.eq [sflag:s15], $0x1  }
0x94: {  	[sflag:s15] =	ssyncset.done $0x0  }
0x95: {  	s16 =	sld [smem:$0x10];
	[sflag:s15] =	ssyncadd.s32 $0xFFFFFFFF  }
0x96: {  	s17 =	sld [smem:$0x11];
	(tm) =	ssettm $0x1  }
0x97: {  	s18 =	sld [smem:$0x3FFB];
	_ =	sdelay $0x3  }
0x98: {  	_ =	strace s18  }
0x99: {  	s4 =	sld [smem:$0x3FFC];
	_ =	sdelay $0x3  }
0x9a: {  	_ =	strace s4  }
0x9b: {  	s4 =	sld [smem:$0x3FFD];
	_ =	sdelay $0x3  }
0x9c: {  	_ =	strace s4  }
0x9d: {  	_ =	strace $0x8FFFFFFF  }
0x9e: {  	s19 =	sld [smem:$0x3FDB];
	_ =	sdelay $0x1  }
0x9f: {  	s5 =	simm.s32 $_scs_section_size  }
0xa0: {  	s6 =	simm.s32 $_size__tile_overlayer_lowered;
	s7 =	simm.s32 $_tile_overlayer_lowered  }
0xa1: {  	s22 =	simm.s32 $0x1BFF;
	s21 =	sshll.u32 s7, $0x1;
	s4 =	sadd.s32 s5, s19  }
0xa2: {  	s8 =	simm.s32 $0x0;
	s20 =	sshll.u32 s6, $0x1;
	s6 =	sadd.s32 s21, s4  }
0xa3: {  	[timem:s8], [sflag:s22] =	dma.local [hbm:s6], s20  }
0xa4: {  	_ =	swait.ge [sflag:s22], s20  }
0xa5: {  	s5 =	ssub.s32 $0x0, s20;
	[sflag:s22] =	ssyncset.done $0x0  }
0xa6: {  	[sflag:s22] =	ssyncadd.s32 s5;
	_ =	sdelay $0x1  }
0xa7: {  	s23 =	simm.s32 $0x1B8B  }
0xa8: {  	_ =	swait.ge [sflag:s23], $0x1  }
0xa9: {  	[sflag:s23] =	ssyncset.done $0x0  }
0xaa: {  	s25 =	simm.s32 $0x1B8E;
	s24 =	sld [smem:$0x3FFE];
	[sflag:s23] =	ssyncadd.s32 $0xFFFFFFFF  }
0xab: {  	s26 =	simm.s32 $execute0_lowered;
	[smem:$0x3FD2] =	sst s25  }
0xac: {  	s6 =	sshll.u32 s26, $0x1;
	_ =	strace $0x8000004C;
	[dreg:$0x1] =	wrdreg $0xFFFFFFFF  }
0xad: {  	s28 =	simm.s32 $_size_execute0_lowered;
	s4 =	sadd.s32 s4, s6;
	[dreg:$0x0] =	wrdreg $0x0  }
0xae: {  	s6 =	sshll.u32 s28, $0x1;
	[dreg:$0x2] =	wrdreg s4  }
0xaf: {  	[dreg:$0x3] =	wrdreg s6  }
0xb0: {  	[dreg:$0x4] =	wrdreg $0xC0  }
0xb1: {  	_ =	task [dreg:s8], $0x5FFFF  }
0xb2: {  	[dreg:$0x1] =	wrdreg $0xFFFFFFFF  }
0xb3: {  	[dreg:$0x0] =	wrdreg $0x60  }
0xb4: {  	[dreg:$0x2] =	wrdreg s24  }
0xb5: {  	[dreg:$0x3] =	wrdreg s16  }
0xb6: {  	[dreg:$0x4] =	wrdreg s17  }
0xb7: {  	[dreg:$0x5] =	wrdreg $0xB0000  }
0xb8: {  	[dreg:$0x6] =	wrdreg $0x9  }
0xb9: {  	_ =	task.clear_ibuf [dreg:s8], $0x7FFFF;
	_ =	strace $0x9000004C  }
0xba: {  	s29 =	simm.s32 $0x9;
	_ =	strace $0x8000004E  }
0xbb: {  	_ =	swait.ge [sflag:s29], $0x1  }
0xbc: {  	[sflag:s29] =	ssyncadd.s32 $0xFFFFFFFF  }
0xbd: {  	_ =	strace $0x9000004E  }
0xbe: {  	_ =	sfence  }
0xbf: {  	s30 =	sld [smem:$0x0];
	_ =	sdelay $0x2  }
0xc0: {  	s31 =	sshll.u32 s1, $0xD;
	s1 =	sshrl.u32 s1, $0x2  }
0xc1: {  	s3 =	sand.u32 $0x4000, s31;
	s1 =	sadd.s32 s1, s30  }
0xc2: {  	s0 =	sor.u32 s3, s0;
	s1 =	sshll.u32 s1, $0x11  }
0xc3: {  	s0 =	sor.u32 s1, s0  }
0xc4: {  	s0 =	sadd.s32 $0x8F2B, s0  }
0xc5: {  	[sflag:s0] =	ssyncadd.remote.s32 $0x1  }
0xc6: {  	_ =	sfence.sel $0xFFFF  }
0xc7: {  	[dreg:$0x0] =	wrdreg $0xFFFFFFFF;
	(pc) =	sbr.abs _section_cstart, $3  }
0xc8: {  	[dreg:$0x1] =	wrdreg $0xFFFFFFFF  }
0xc9: {  	_ =	task.clear_ibuf [dreg:s8], $0x2FFFF;
	_ =	strace $0x9FFFFFFF  }
0xca: {  	(tm) =	ssettm $0x7FFFFFFF  }
0xcb: {  	_ =	shalt  }
tec
execute0_lowered:
.L_overlay_start_1:
0x0: {  	(tag) =	ssettag $0x1  }
0x1: {  	s0 =	rddreg [dreg:$0x0]  }
0x2: {  	s1 =	rddreg [dreg:$0x1]  }
0x3: {  	s3 =	rddreg [dreg:$0x2];
	s2 =	srdreg.scid  }
0x4: {  	s14 =	stileid.u32;
	s4 =	rddreg [dreg:$0x3];
	s5 =	simm.s32 $0x0  }
0x5: {  	s28 =	simm.s32 $0x6;
	s29 =	simm.s32 $0x50;
	s7 =	smul.u32 $0x4E000, s14  }
0x6: {  	s30 =	simm.s32 $0x3800;
	s31 =	simm.s32 $0x80;
	s9 =	smul.u32 $0x8C00, s14  }
0x7: {  	[smem:$0x7FF] =	sst s5;
	s6 =	sadd.s32 $0xD9C00, s0;
	s12 =	smul.u32 $0x2700, s14  }
0x8: {  	s2 =	sand.u32 $0x1, s2;
	s0 =	sadd.s32 $0x127E00, s0;
	s25 =	sadd.s32 $0x129800, s4  }
0x9: {  	s26 =	sadd.s32 $0x127000, s4;
	p0 =	sne.s32 s14, $0xF;
	s8 =	smul.u32 $0x8C000, s2  }
0xa: {  	p1 =	seq.s32 s14, $0xF;
	_ =	strace $0x8000004D;
	s10 =	smul.u32 $0x27100, s2  }
0xb: {  	s11 =	ssub.s32 $0x2, s2;
	s2 =	smul.u32 $0x138800, s2;
	[dreg:$0xf] =	wrdreg s25  }
0xc: {  	[dreg:$0x10] =	wrdreg s26;
	s25 =	sadd.s32 $0x133800, s4;
	s7 =	sshrl.u32 s7, $0x2  }
0xd: {  	s26 =	sadd.s32 $0x136000, s4;
	s13 =	sshrl.u32 s11, $0x1;
	s7 =	sadd.s32 s7, s4  }
0xe: {  	s13 =	ssub.s32 s11, s13;
	s17 =	sadd.s32 s12, s10;
	s16 =	sadd.s32 $0x11800, s7  }
0xf: {  	s9 =	sadd.s32 s9, s8;
	s8 =	sadd.s32 s0, s17;
	[dreg:$0x5] =	wrdreg s16  }
0x10: {  	s2 =	sshrl.u32 s2, $0x3;
	s18 =	smax.u32 s13, $0x1;
	[dreg:$0x6] =	wrdreg s8  }
0x11: {  	s11 =	sadd.s32 $0x124800, s4;
	s19 =	sadd.s32 $0x2800, s7;
	[dreg:$0x8] =	wrdreg s18  }
0x12: {  	s10 =	simm.s32 $0x5;
	s20 =	sadd.s32 $0x5000, s7;
	[dreg:$0x9] =	wrdreg s19  }
0x13: {  	s12 =	simm.s32 $0x2;
	s21 =	sadd.s32 $0x7800, s7;
	[dreg:$0xa] =	wrdreg s20  }
0x14: {  	s0 =	sadd.s32 s0, s2;
	s22 =	sadd.s32 $0xA000, s7;
	[dreg:$0xb] =	wrdreg s21  }
.Ltmp0:
0x15: {  	s23 =	sadd.s32 $0xC800, s7;
	[dreg:$0xc] =	wrdreg s22;
	(pc) =	sbr.rel .LBB2_1-.Ltmp0, $4  }
0x16: {  	s24 =	sadd.s32 $0xF000, s7;
	s2 =	simm.s32 $0x6000;
	[dreg:$0xd] =	wrdreg s23  }
0x17: {  	s13 =	simm.s32 $0x1;
	s0 =	sadd.s32 $0x24900, s0;
	[dreg:$0xe] =	wrdreg s24  }
0x18: {  	s22 =	sadd.s32 $0x12C000, s4;
	s23 =	sadd.s32 $0x12E800, s4;
	s24 =	sadd.s32 $0x131000, s4  }
0x19: {  	v0 =	vimm.f32 $0.0e+00;
	s8 =	simm.s32 $0x8800;
	[dreg:$0x7] =	wrdreg s0;
	s0 =	simm.s32 $0x3  }
.LBB2_17:
0x1a: {  	[bflag:$0x0] =	sbarrier.arrive $0xFFFF  }
0x1b: {  	s14 =	sshrl.u32 @p1 s11, $0x3;
	s15 =	simm.s32 @p1 $0x1FC6;
	s16 =	rddreg [dreg:$0x7]  }
0x1c: {  	[hbm:s16], [sflag:s15] =	dma.local @p1 [spmem:s14], $0x2800  }
0x1d: {  	s14 =	simm.s32 @p1 $0x6  }
0x1e: {  	s15 =	stileid.u32;
	_ =	swait.ge @p1 [sflag:s14], $0x2800  }
0x1f: {  	s15 =	sshll.u32 @!p1 s15, $0x6;
	[sflag:s14] =	ssyncset.done @p1 $0x0;
	s16 =	rddreg [dreg:$0x6]  }
0x20: {  	[sflag:s14] =	ssyncadd.s32 @p1 $0xFFFFD800;
	s14 =	sor.u32 @!p1 $0x1C06, s15;
	s15 =	sshrl.u32 @!p1 s7, $0x3  }
0x21: {  	[hbm:s16], [sflag:s14] =	dma.local @!p1 [spmem:s15], $0x2700  }
0x22: {  	s14 =	simm.s32 @!p1 $0x6  }
0x23: {  	_ =	swait.ge @!p1 [sflag:s14], $0x2700  }
0x24: {  	s5 =	sadd.s32 $0x1, s5;
	s21 =	rddreg [dreg:$0x8]  }
0x25: {  	p2 =	sne.s32 s5, s21  }
.Ltmp1:
0x26: {  	_ = 	snop;
	(pc) =	sbr.rel @!p2 .LBB2_18-.Ltmp1, $3  }
0x27: {  	_ =	sdelay $0x1  }
0x28: {  	[sflag:s14] =	ssyncset.done @!p1 $0x0  }
0x29: {  	[sflag:s14] =	ssyncadd.s32 @!p1 $0xFFFFD900  }
.LBB2_1:
0x2a: {  	s14 =	simm.s32 $0x0;
	s15 =	simm.s32 $0x200  }
.LBB2_2:
0x2b: {  	p2 =	sne.s32 s15, $0x9E00;
	[tilespmem:s14+$0x3870] =	vst v0  }
0x2c: {  	[tilespmem:s14+$0x3800] =	vst v0  }
0x2d: {  	[tilespmem:s14+$0x3810] =	vst v0  }
.Ltmp2:
0x2e: {  	[tilespmem:s14+$0x3820] =	vst v0;
	(pc) =	sbr.rel @p2 .LBB2_2-.Ltmp2, $4  }
0x2f: {  	[tilespmem:s14+$0x3830] =	vst v0  }
0x30: {  	[tilespmem:s14+$0x3840] =	vst v0  }
0x31: {  	[tilespmem:s14+$0x3850] =	vst v0  }
0x32: {  	[tilespmem:s14+$0x3860] =	vst v0;
	s14 =	sshra.s32 s15, $0x2;
	s15 =	sadd.s32 $0x200, s15  }
0x33: {  	[tilespmem:s14+$0x3870] =	vst v0  }
0x34: {  	[tilespmem:s14+$0x3800] =	vst v0  }
0x35: {  	[tilespmem:s14+$0x3810] =	vst v0  }
0x36: {  	[tilespmem:s14+$0x3820] =	vst v0  }
0x37: {  	[tilespmem:s14+$0x3830] =	vst v0  }
0x38: {  	[tilespmem:s14+$0x3840] =	vst v0  }
0x39: {  	[tilespmem:s14+$0x3850] =	vst v0  }
0x3a: {  	[tilespmem:s14+$0x3860] =	vst v0;
	s14 =	simm.s32 @p0 $0x3800;
	s15 =	simm.s32 @p0 $0x6  }
0x3b: {  	[spmem:s7] =	stream.linear.scatter @p0 [tilespmem:s14], [sflag:$0x6], $0x2800, $0x38;
	[tilespmem:$0x1E880] =	vst v63  }
0x3c: {  	_ =	swait.ge @p0 [sflag:s15], $0x2800  }
0x3d: {  	[sflag:s15] =	ssyncset.done @p0 $0x0  }
0x3e: {  	s16 =	rddreg [dreg:$0x9];
	[sflag:s15] =	ssyncadd.s32 @p0 $0xFFFFD800  }
0x3f: {  	[spmem:s16] =	stream.linear.scatter @p0 [tilespmem:s14], [sflag:$0x6], $0x2800, $0x38;
	[tilespmem:$0x1E880] =	vst v63  }
0x40: {  	_ =	swait.ge @p0 [sflag:s15], $0x2800  }
0x41: {  	[sflag:s15] =	ssyncset.done @p0 $0x0  }
0x42: {  	s16 =	rddreg [dreg:$0xa];
	[sflag:s15] =	ssyncadd.s32 @p0 $0xFFFFD800  }
0x43: {  	[spmem:s16] =	stream.linear.scatter @p0 [tilespmem:s14], [sflag:$0x6], $0x2800, $0x38;
	[tilespmem:$0x1E880] =	vst v63  }
0x44: {  	_ =	swait.ge @p0 [sflag:s15], $0x2800  }
0x45: {  	[sflag:s15] =	ssyncset.done @p0 $0x0  }
0x46: {  	s16 =	rddreg [dreg:$0xb];
	[sflag:s15] =	ssyncadd.s32 @p0 $0xFFFFD800  }
0x47: {  	[spmem:s16] =	stream.linear.scatter @p0 [tilespmem:s14], [sflag:$0x6], $0x2800, $0x38;
	[tilespmem:$0x1E880] =	vst v63  }
0x48: {  	_ =	swait.ge @p0 [sflag:s15], $0x2800  }
0x49: {  	[sflag:s15] =	ssyncset.done @p0 $0x0  }
0x4a: {  	s16 =	rddreg [dreg:$0xc];
	[sflag:s15] =	ssyncadd.s32 @p0 $0xFFFFD800  }
0x4b: {  	[spmem:s16] =	stream.linear.scatter @p0 [tilespmem:s14], [sflag:$0x6], $0x2800, $0x38;
	[tilespmem:$0x1E880] =	vst v63  }
0x4c: {  	_ =	swait.ge @p0 [sflag:s15], $0x2800  }
0x4d: {  	[sflag:s15] =	ssyncset.done @p0 $0x0  }
0x4e: {  	s16 =	rddreg [dreg:$0xd];
	[sflag:s15] =	ssyncadd.s32 @p0 $0xFFFFD800  }
0x4f: {  	[spmem:s16] =	stream.linear.scatter @p0 [tilespmem:s14], [sflag:$0x6], $0x2800, $0x38;
	[tilespmem:$0x1E880] =	vst v63  }
0x50: {  	_ =	swait.ge @p0 [sflag:s15], $0x2800  }
0x51: {  	[sflag:s15] =	ssyncset.done @p0 $0x0  }
0x52: {  	s16 =	rddreg [dreg:$0xe];
	[sflag:s15] =	ssyncadd.s32 @p0 $0xFFFFD800  }
0x53: {  	[spmem:s16] =	stream.linear.scatter @p0 [tilespmem:s14], [sflag:$0x6], $0x2800, $0x38;
	[tilespmem:$0x1E880] =	vst v63  }
0x54: {  	_ =	swait.ge @p0 [sflag:s15], $0x2800  }
0x55: {  	[sflag:s15] =	ssyncset.done @p0 $0x0  }
0x56: {  	s16 =	rddreg [dreg:$0x5];
	[sflag:s15] =	ssyncadd.s32 @p0 $0xFFFFD800  }
0x57: {  	[spmem:s16] =	stream.linear.scatter @p0 [tilespmem:s14], [sflag:$0x6], $0x2000, $0x38;
	[tilespmem:$0x1E880] =	vst v63  }
0x58: {  	_ =	swait.ge @p0 [sflag:s15], $0x2000  }
0x59: {  	[sflag:s15] =	ssyncset.done @p0 $0x0  }
0x5a: {  	s14 =	simm.s32 @!p0 $0x3800;
	[sflag:s15] =	ssyncadd.s32 @p0 $0xFFFFE000;
	s15 =	simm.s32 @!p0 $0x6  }
0x5b: {  	[spmem:s11] =	stream.linear.scatter @!p0 [tilespmem:s14], [sflag:$0x6], $0x2800, $0x38;
	[tilespmem:$0x1E880] =	vst v63  }
0x5c: {  	_ =	swait.ge @!p0 [sflag:s15], $0x2800  }
0x5d: {  	[sflag:s15] =	ssyncset.done @!p0 $0x0  }
0x5e: {  	s16 =	rddreg [dreg:$0x10];
	[sflag:s15] =	ssyncadd.s32 @!p0 $0xFFFFD800  }
0x5f: {  	[spmem:s16] =	stream.linear.scatter @!p0 [tilespmem:s14], [sflag:$0x6], $0x2800, $0x38;
	[tilespmem:$0x1E880] =	vst v63  }
0x60: {  	_ =	swait.ge @!p0 [sflag:s15], $0x2800  }
0x61: {  	[sflag:s15] =	ssyncset.done @!p0 $0x0  }
0x62: {  	s16 =	rddreg [dreg:$0xf];
	[sflag:s15] =	ssyncadd.s32 @!p0 $0xFFFFD800  }
0x63: {  	[spmem:s16] =	stream.linear.scatter @!p0 [tilespmem:s14], [sflag:$0x6], $0x2800, $0x38;
	[tilespmem:$0x1E880] =	vst v63  }
0x64: {  	_ =	swait.ge @!p0 [sflag:s15], $0x2800  }
0x65: {  	[sflag:s15] =	ssyncset.done @!p0 $0x0  }
0x66: {  	[sflag:s15] =	ssyncadd.s32 @!p0 $0xFFFFD800  }
0x67: {  	[spmem:s22] =	stream.linear.scatter @!p0 [tilespmem:s14], [sflag:$0x6], $0x2800, $0x38;
	[tilespmem:$0x1E880] =	vst v63  }
0x68: {  	_ =	swait.ge @!p0 [sflag:s15], $0x2800  }
0x69: {  	[sflag:s15] =	ssyncset.done @!p0 $0x0  }
0x6a: {  	[sflag:s15] =	ssyncadd.s32 @!p0 $0xFFFFD800  }
0x6b: {  	[spmem:s23] =	stream.linear.scatter @!p0 [tilespmem:s14], [sflag:$0x6], $0x2800, $0x38;
	[tilespmem:$0x1E880] =	vst v63  }
0x6c: {  	_ =	swait.ge @!p0 [sflag:s15], $0x2800  }
0x6d: {  	[sflag:s15] =	ssyncset.done @!p0 $0x0  }
0x6e: {  	[sflag:s15] =	ssyncadd.s32 @!p0 $0xFFFFD800  }
0x6f: {  	[spmem:s24] =	stream.linear.scatter @!p0 [tilespmem:s14], [sflag:$0x6], $0x2800, $0x38;
	[tilespmem:$0x1E880] =	vst v63  }
0x70: {  	_ =	swait.ge @!p0 [sflag:s15], $0x2800  }
0x71: {  	[sflag:s15] =	ssyncset.done @!p0 $0x0  }
0x72: {  	[sflag:s15] =	ssyncadd.s32 @!p0 $0xFFFFD800  }
0x73: {  	[spmem:s25] =	stream.linear.scatter @!p0 [tilespmem:s14], [sflag:$0x6], $0x2800, $0x38;
	[tilespmem:$0x1E880] =	vst v63  }
0x74: {  	_ =	swait.ge @!p0 [sflag:s15], $0x2800  }
0x75: {  	[sflag:s15] =	ssyncset.done @!p0 $0x0  }
0x76: {  	[sflag:s15] =	ssyncadd.s32 @!p0 $0xFFFFD800  }
0x77: {  	[spmem:s26] =	stream.linear.scatter @!p0 [tilespmem:s14], [sflag:$0x6], $0x2800, $0x38;
	[tilespmem:$0x1E880] =	vst v63  }
.Ltmp3:
0x78: {  	_ =	swait.ge @!p0 [sflag:s15], $0x2800;
	(pc) =	sbr.rel .LBB2_4-.Ltmp3, $4  }
0x79: {  	[sflag:s15] =	ssyncset.done @!p0 $0x0  }
0x7a: {  	[sflag:s15] =	ssyncadd.s32 @!p0 $0xFFFFD800  }
0x7b: {  	[bflag:$0x0] =	sbarrier.arrive $0xFFFF  }
0x7c: {  	s14 =	simm.s32 $0x0;
	s15 =	simm.s32 $0x0  }
.LBB2_16:
0x7d: {  	s15 =	sadd.s32 $0x1, s15  }
0x7e: {  	p2 =	sne.s32 s15, $0x5  }
.Ltmp4:
0x7f: {  	_ = 	snop;
	(pc) =	sbr.rel @!p2 .LBB2_17-.Ltmp4, $4  }
0x80: {  	_ = 	snop  }
0x81: {  	_ =	swait.ge [sflag:s10], $0x2800  }
0x82: {  	[sflag:s10] =	ssyncset.done $0x0  }
0x83: {  	[sflag:s10] =	ssyncadd.s32 $0xFFFFD800  }
.LBB2_4:
0x84: {  	s16 =	smul.u32 $0x1C00, s15;
	_ =	sdelay $0x1  }
0x85: {  	s16 =	sadd.s32 s16, s9  }
0x86: {  	s16 =	sshrl.u32 s16, $0x3  }
0x87: {  	s17 =	sadd.s32 s1, s16  }
0x88: {  	[tilespmem:s14], [sflag:$0x6] =	stream.linear.gather [hbm4b:s17+s14], $0x1900, $0x38;
	[tilespmem:$0x1E880] =	vst v63  }
0x89: {  	_ =	swait.ge [sflag:s28], $0x1900  }
0x8a: {  	[sflag:s28] =	ssyncset.done $0x0  }
0x8b: {  	s21 =	sadd.s32 s3, s16;
	s16 =	simm.s32 $0x1C00;
	[sflag:s28] =	ssyncadd.s32 $0xFFFFE700  }
0x8c: {  	[tilespmem:s16], [sflag:$0x6] =	stream.linear.gather [hbm4b:s21+s14], $0x1900, $0x38;
	[tilespmem:$0x1E880] =	vst v63  }
0x8d: {  	_ =	swait.ge [sflag:s28], $0x1900  }
.Ltmp5:
0x8e: {  	[sflag:s28] =	ssyncset.done $0x0;
	(pc) =	sbr.rel .LBB2_5-.Ltmp5, $4  }
0x8f: {  	[sflag:s28] =	ssyncadd.s32 $0xFFFFE700  }
0x90: {  	[tilespmem:s30], [sflag:$0x1] =	stream.indirect.gather [hbm4b:s6+s29], $0x80, s14, s29, $0xb8;
	[tilespmem:$0x1E880] =	vst v63  }
0x91: {  	s18 =	simm.s32 $0x0;
	s17 =	simm.s32 $0x100  }
0x92: {  	[tilespmem:s2], [sflag:$0x2] =	stream.indirect.gather [hbm4b:s6+s29], $0x80, s31, s29, $0xb8;
	[tilespmem:$0x1E880] =	vst v63  }
.LBB2_14:
0x93: {  	_ =	swait.ge [sflag:s0], $0x2800  }
0x94: {  	[sflag:s0] =	ssyncset.done $0x0  }
0x95: {  	[sflag:s0] =	ssyncadd.s32 $0xFFFFD800  }
0x96: {  	[spmem:s4] =	stream.indirect.scatter.add.f32 [tilespmem:s8], [sflag:$0x4], $0x80, s16, s29, $0xb8;
	[tilespmem:$0x1E880] =	vst v63  }
.LBB2_15:
0x97: {  	s18 =	sadd.s32 $0x1, s18  }
0x98: {  	p2 =	sne.s32 s18, $0x32  }
.Ltmp6:
0x99: {  	_ = 	snop;
	(pc) =	sbr.rel @!p2 .LBB2_16-.Ltmp6, $2  }
0x9a: {  	_ =	sdelay $0x2  }
0x9b: {  	s16 =	sadd.s32 $0x80, s16;
	s17 =	sadd.s32 $0x80, s17  }
.LBB2_5:
0x9c: {  	s19 =	sadd.s32 $0xFFFFFFFF, s18  }
0x9d: {  	s20 =	sshll.u32 s19, $0x18  }
0x9e: {  	s20 =	sshra.s32 s20, $0x18  }
0x9f: {  	s20 =	smul.u32 $0x56, s20;
	_ =	sdelay $0x1  }
0xa0: {  	s21 =	sshrl.u32 s20, $0x1F;
	s20 =	sshrl.u32 s20, $0x8  }
0xa1: {  	s20 =	sadd.s32 s21, s20  }
0xa2: {  	s20 =	smul.u32 $0x3, s20;
	_ =	sdelay $0x1  }
0xa3: {  	s19 =	ssub.s32 s19, s20  }
0xa4: {  	s19 =	sshll.u32 s19, $0x18  }
0xa5: {  	s19 =	sshra.s32 s19, $0x18  }
0xa6: {  	p2 =	slt.s32 s19, $0x0;
	s20 =	sadd.s32 $0x3, s19  }
0xa7: {  	p3 =	seq.s32 s18, $0x0;
	s19 =	smov.u32 @p2 s20  }
0xa8: {  	p2 =	seq.s32 @!p3 s19, $0x0  }
0xa9: {  	p2 =	por p3, !p2  }
0xaa: {  	p3 =	seq.s32 @p2 s18, $0x0  }
0xab: {  	p4 =	por p3, !p2  }
0xac: {  	p4 =	seq.s32 @!p4 s19, $0x1  }
0xad: {  	p3 =	por @p2 p3, !p4  }
0xae: {  	p3 =	por !p2, !p3  }
0xaf: {  	p4 =	seq.s32 @!p3 s18, $0x0  }
0xb0: {  	p5 =	por p4, p3  }
0xb1: {  	p5 =	sne.s32 @!p5 s19, $0x2  }
0xb2: {  	p4 =	por @!p3 p4, p5  }
0xb3: {  	p4 =	por p3, !p4  }
.Ltmp7:
0xb4: {  	_ = 	snop;
	(pc) =	sbr.rel @!p4 .LBB2_7-.Ltmp7, $1  }
0xb5: {  	_ =	sdelay $0x3  }
0xb6: {  	s19 =	simm.s32 $0x4  }
0xb7: {  	s19 =	simm.s32 @p2 $0x5  }
0xb8: {  	s19 =	simm.s32 @!p3 $0x4  }
0xb9: {  	_ =	swait.ge [sflag:s19], $0x2800  }
0xba: {  	[sflag:s19] =	ssyncset.done $0x0  }
0xbb: {  	[sflag:s19] =	ssyncadd.s32 $0xFFFFD800  }
.LBB2_7:
0xbc: {  	s19 =	sadd.s32 $0x2, s18  }
0xbd: {  	s20 =	smul.u32 $0xAB, s19;
	_ =	sdelay $0x1  }
0xbe: {  	s20 =	sshrl.u32 s20, $0x9  }
0xbf: {  	s20 =	sand.u32 $0x7F, s20  }
0xc0: {  	s20 =	smul.u32 $0x3, s20;
	_ =	sdelay $0x1  }
0xc1: {  	p2 =	sgt.u32 s18, $0x2F;
	s19 =	ssub.s32 s19, s20  }
0xc2: {  	s19 =	sand.u32 @!p2 $0xFF, s19  }
0xc3: {  	p3 =	sne.s32 @!p2 s19, $0x0  }
0xc4: {  	p3 =	por p2, p3  }
.Ltmp8:
0xc5: {  	_ = 	snop;
	(pc) =	sbr.rel @p3 .LBB2_9-.Ltmp8, $1  }
0xc6: {  	_ =	sdelay $0x3  }
.Ltmp9:
0xc7: {  	(pc) =	sbr.rel .LBB2_12-.Ltmp9, $2  }
0xc8: {  	_ =	sdelay $0x2  }
0xc9: {  	[tilespmem:s30], [sflag:$0x1] =	stream.indirect.gather [hbm4b:s6+s29], $0x80, s17, s29, $0xb8;
	[tilespmem:$0x1E880] =	vst v63  }
.LBB2_9:
0xca: {  	p3 =	sne.s32 @!p2 s19, $0x1  }
0xcb: {  	p3 =	por p2, p3  }
.Ltmp10:
0xcc: {  	_ = 	snop;
	(pc) =	sbr.rel @p3 .LBB2_11-.Ltmp10, $1  }
0xcd: {  	_ =	sdelay $0x3  }
.Ltmp11:
0xce: {  	(pc) =	sbr.rel .LBB2_12-.Ltmp11, $2  }
0xcf: {  	_ =	sdelay $0x2  }
0xd0: {  	[tilespmem:s2], [sflag:$0x2] =	stream.indirect.gather [hbm4b:s6+s29], $0x80, s17, s29, $0xb8;
	[tilespmem:$0x1E880] =	vst v63  }
.LBB2_11:
0xd1: {  	p3 =	sne.s32 @!p2 s19, $0x2  }
0xd2: {  	p2 =	por p3, p2  }
0xd3: {  	s19 =	simm.s32 @!p2 $0x50;
	s20 =	simm.s32 @!p2 $0x8800  }
0xd4: {  	[tilespmem:s20], [sflag:$0x3] =	stream.indirect.gather @!p2 [hbm4b:s6+s19], $0x80, s17, s19, $0xb8;
	[tilespmem:$0x1E880] =	vst v63  }
.LBB2_12:
0xd5: {  	s19 =	smul.u32 $0xAB, s18;
	_ =	sdelay $0x1  }
0xd6: {  	s19 =	sshrl.u32 s19, $0x9  }
0xd7: {  	s19 =	sand.u32 $0x7F, s19  }
0xd8: {  	s19 =	smul.u32 $0x3, s19;
	_ =	sdelay $0x1  }
0xd9: {  	s19 =	ssub.s32 s18, s19  }
0xda: {  	s19 =	sand.u32 $0xFF, s19  }
0xdb: {  	p2 =	seq.s32 s19, $0x2  }
.Ltmp12:
0xdc: {  	_ = 	snop;
	(pc) =	sbr.rel @p2 .LBB2_14-.Ltmp12, $1  }
0xdd: {  	_ =	sdelay $0x3  }
0xde: {  	p2 =	seq.s32 s19, $0x1  }
0xdf: {  	_ =	swait.ge @p2 [sflag:s12], $0x2800  }
0xe0: {  	[sflag:s12] =	ssyncset.done @p2 $0x0  }
0xe1: {  	[sflag:s12] =	ssyncadd.s32 @p2 $0xFFFFD800  }
0xe2: {  	[spmem:s4] =	stream.indirect.scatter.add.f32 @p2 [tilespmem:s2], [sflag:$0x5], $0x80, s16, s29, $0xb8;
	[tilespmem:$0x1E880] =	vst v63  }
.Ltmp13:
0xe3: {  	_ = 	snop;
	(pc) =	sbr.rel .LBB2_15-.Ltmp13, $4  }
0xe4: {  	_ =	swait.ge @!p2 [sflag:s13], $0x2800  }
0xe5: {  	[sflag:s13] =	ssyncset.done @!p2 $0x0  }
0xe6: {  	[sflag:s13] =	ssyncadd.s32 @!p2 $0xFFFFD800  }
0xe7: {  	[spmem:s4] =	stream.indirect.scatter.add.f32 @!p2 [tilespmem:s30], [sflag:$0x4], $0x80, s16, s29, $0xb8;
	[tilespmem:$0x1E880] =	vst v63  }
.LBB2_18:
0xe8: {  	_ =	sfence.sel $0x180000  }
0xe9: {  	[bflag:$0x0] =	sbarrier.arrive $0xFFFF  }
0xea: {  	_ =	strace $0x9000004D  }
0xeb: {  	s0 =	stileid.u32;
	[bflag:$0x2] =	sbarrier.arrive $0xFFFF  }
0xec: {  	p0 =	sne.s32 s0, $0x0;
	s0 =	rddreg [dreg:$0x4]  }
0xed: {  	s0 =	sadd.s32 @!p0 $0x100000, s0  }
0xee: {  	[sflag:s0] =	ssyncadd.tile.s32 @!p0 $0x1;
	_ =	shalt  }
.Lfunc_end2:
_tile_overlayer_lowered:
.L_overlay_start_2:
0xef: {  	(tag) =	ssettag $0x2  }
0xf0: {  	s0 =	rddreg [dreg:$0x0];
	s2 =	stileid.u32  }
0xf1: {  	s1 =	rddreg [dreg:$0x1];
	p0 =	sne.s32 s2, $0x0  }
0xf2: {  	s3 =	rddreg [dreg:$0x2];
	[bflag:$0x3] =	sbarrier.arrive $0xFFFF;
	s2 =	simm.s32 @!p0 $0x1C06  }
0xf3: {  	[timem:s3], [sflag:s2] =	dma.local @!p0 [hbm:s0], s1  }
0xf4: {  	s0 =	simm.s32 @!p0 $0x6  }
0xf5: {  	_ =	swait.ge @!p0 [sflag:s0], s1  }
0xf6: {  	s1 =	ssub.s32 @!p0 $0x0, s1;
	[sflag:s0] =	ssyncset.done @!p0 $0x0  }
0xf7: {  	[sflag:s0] =	ssyncadd.s32 @!p0 s1  }
0xf8: {  	[bflag:$0x3] =	sbarrier.arrive $0xFFFF  }
0xf9: {  	_ =	shalt  }

// kernel: kernel.8.cloned.1.call-start
scs
__scs_entry_jumppad:
0x0: {  	(pc) =	sbr.rel $0x88, $3  }
0x1: {  	(tag) =	ssettag $0x0;
	lr =	simm.s32 $0x1  }
0x2: {  	[smem:$0x3F95] =	sst lr;
	_ =	strace $0xD0000000  }
0x3: {  	_ = 	snop  }
0x4: {  	_ = 	snop  }
0x5: {  	_ = 	snop  }
0x6: {  	_ = 	snop  }
0x7: {  	_ = 	snop  }
__scs_overlays_trampoline_lowered:
0x8: {  	[smem:$0x3FA4] =	sst s0  }
0x9: {  	[smem:$0x3FA5] =	sst s1  }
0xa: {  	[smem:$0x3FA6] =	sst s2  }
0xb: {  	[smem:$0x3FA7] =	sst s3  }
0xc: {  	[smem:$0x3FA8] =	sst s4  }
0xd: {  	[smem:$0x3FA9] =	sst s5  }
0xe: {  	[smem:$0x3FAA] =	sst s6  }
0xf: {  	[smem:$0x3FAB] =	sst s7  }
0x10: {  	[smem:$0x3FAC] =	sst s8  }
0x11: {  	[smem:$0x3FAD] =	sst s9;
	s0 =	simm.s32 @!p0 $0x0  }
0x12: {  	s1 =	sld [smem:$0x3F93];
	s0 =	simm.s32 @p0 $0x1  }
0x13: {  	[smem:$0x3FAE] =	sst s0;
	s0 =	simm.s32 @!p1 $0x0  }
0x14: {  	s2 =	sld [smem:$0x3F92];
	s0 =	simm.s32 @p1 $0x1  }
0x15: {  	[smem:$0x3FAF] =	sst s0;
	s0 =	simm.s32 @!p2 $0x0  }
0x16: {  	s3 =	sld [smem:$0x3FDB];
	s0 =	simm.s32 @p2 $0x1  }
0x17: {  	s4 =	simm.s32 $0x1BF5;
	[smem:$0x3FB1] =	sst s0  }
0x18: {  	s0 =	sld [smem:$0x3F94];
	_ =	swait.ge [sflag:s4], $0x0  }
0x19: {  	s7 =	sld [smem:$0x3F95]  }
0x1a: {  	s8 =	sadd.s32 $0xFFFFE003, lr  }
0x1b: {  	s9 =	sadd.s32 $0xFFFFFEF7, lr;
	s5 =	simm.s32 $0xFFFFFFFF;
	p2 =	slt.u32 s8, $0xFFFFF086  }
0x1c: {  	p1 =	slt.u32 s9, $0xF7A;
	s5 =	simm.s32 @!p2 $0x0  }
0x1d: {  	s5 =	simm.s32 @p1 $0x1;
	p0 =	seq.s32 s7, s2  }
0x1e: {  	s7 =	smul.u32 @!p0 $0xF7A, s2;
	p2 =	seq.s32 @!p0 s5, $0x0  }
0x1f: {  	s9 =	smul.u32 $0xF7A, s1;
	s8 =	simm.s32 @!p0 $0x1BF5;
	p2 =	por !p2, p0  }
0x20: {  	[sflag:s8] =	ssyncset.s32 @!p0 $0xFFFFF086;
	s6 =	sadd.s32 @!p0 s3, s7;
	s7 =	simm.s32 @!p0 $0x108  }
0x21: {  	s3 =	sadd.s32 s3, s9;
	s6 =	sadd.s32 @!p0 $0x88, s6;
	s7 =	simm.s32 @p2 $0x1082  }
0x22: {  	[simem:s7], [sflag:s8] =	dma.local @!p0 [hbm:s6], $0xF7A  }
0x23: {  	s9 =	sor.u32 $0xD0000000, s2;
	s6 =	simm.s32 $0x108;
	_ =	swait.ge @!p0 [sflag:s8], $0x0  }
0x24: {  	s3 =	sadd.s32 $0x88, s3;
	s6 =	simm.s32 @!p1 $0x1082;
	[sflag:s4] =	ssyncset.s32 $0xFFFFF086  }
0x25: {  	[simem:s6], [sflag:s4] =	dma.local [hbm:s3], $0xF7A  }
0x26: {  	[smem:$0x3F95] =	sst s1;
	(tag) =	ssettag s2;
	_ =	strace s9  }
0x27: {  	s1 =	sld [smem:$0x3FA5]  }
0x28: {  	s2 =	sld [smem:$0x3FA6]  }
0x29: {  	s4 =	sld [smem:$0x3FA8]  }
0x2a: {  	p0 =	seq.s32 s5, $0x0;
	s5 =	sld [smem:$0x3FA9]  }
0x2b: {  	s6 =	sld [smem:$0x3FAA]  }
0x2c: {  	s7 =	sld [smem:$0x3FAB]  }
0x2d: {  	s3 =	simm.s32 $0x108;
	s8 =	sld [smem:$0x3FAC]  }
0x2e: {  	s3 =	simm.s32 @!p0 $0x1082;
	s9 =	sld [smem:$0x3FAD]  }
0x2f: {  	lr =	sadd.s32 s0, s3;
	s0 =	sld [smem:$0x3FA4]  }
0x30: {  	s3 =	sld [smem:$0x3FA7]  }
0x31: {  	[smem:$0x3FB0] =	sst s10  }
0x32: {  	s10 =	sld [smem:$0x3FAE];
	_ =	sdelay $0x3  }
0x33: {  	p0 =	seq.s32 s10, $0x1;
	s10 =	sld [smem:$0x3FB0];
	_ =	sdelay $0x3  }
0x34: {  	[smem:$0x3FB0] =	sst s10  }
0x35: {  	s10 =	sld [smem:$0x3FAF];
	_ =	sdelay $0x3  }
0x36: {  	p1 =	seq.s32 s10, $0x1;
	s10 =	sld [smem:$0x3FB0];
	_ =	sdelay $0x3  }
0x37: {  	[smem:$0x3FB0] =	sst s10  }
0x38: {  	s10 =	sld [smem:$0x3FB1]  }
0x39: {  	_ = 	snop;
	(pc) =	sbr.ind lr, $3  }
0x3a: {  	_ = 	snop  }
0x3b: {  	_ = 	snop  }
0x3c: {  	p2 =	seq.s32 s10, $0x1;
	s10 =	sld [smem:$0x3FB0]  }
0x3d: {  	_ =	shalt  }
0x3e: {  	_ =	shalt  }
0x3f: {  	_ =	shalt  }
0x40: {  	_ =	shalt  }
0x41: {  	_ =	shalt  }
0x42: {  	_ =	shalt  }
0x43: {  	_ =	shalt  }
0x44: {  	_ =	shalt  }
0x45: {  	_ =	shalt  }
0x46: {  	_ =	shalt  }
0x47: {  	_ =	shalt  }
0x48: {  	_ =	shalt  }
0x49: {  	_ =	shalt  }
0x4a: {  	_ =	shalt  }
0x4b: {  	_ =	shalt  }
0x4c: {  	_ =	shalt  }
0x4d: {  	_ =	shalt  }
0x4e: {  	_ =	shalt  }
0x4f: {  	_ =	shalt  }
0x50: {  	_ =	shalt  }
0x51: {  	_ =	shalt  }
0x52: {  	_ =	shalt  }
0x53: {  	_ =	shalt  }
0x54: {  	_ =	shalt  }
0x55: {  	_ =	shalt  }
0x56: {  	_ =	shalt  }
0x57: {  	_ =	shalt  }
0x58: {  	_ =	shalt  }
0x59: {  	_ =	shalt  }
0x5a: {  	_ =	shalt  }
0x5b: {  	_ =	shalt  }
0x5c: {  	_ =	shalt  }
0x5d: {  	_ =	shalt  }
0x5e: {  	_ =	shalt  }
0x5f: {  	_ =	shalt  }
0x60: {  	_ =	shalt  }
0x61: {  	_ =	shalt  }
0x62: {  	_ =	shalt  }
0x63: {  	_ =	shalt  }
0x64: {  	_ =	shalt  }
0x65: {  	_ =	shalt  }
0x66: {  	_ =	shalt  }
0x67: {  	_ =	shalt  }
0x68: {  	_ =	shalt  }
0x69: {  	_ =	shalt  }
0x6a: {  	_ =	shalt  }
0x6b: {  	_ =	shalt  }
0x6c: {  	_ =	shalt  }
0x6d: {  	_ =	shalt  }
0x6e: {  	_ =	shalt  }
0x6f: {  	_ =	shalt  }
0x70: {  	_ =	shalt  }
0x71: {  	_ =	shalt  }
0x72: {  	_ =	shalt  }
0x73: {  	_ =	shalt  }
0x74: {  	_ =	shalt  }
0x75: {  	_ =	shalt  }
0x76: {  	_ =	shalt  }
0x77: {  	_ =	shalt  }
0x78: {  	_ =	shalt  }
0x79: {  	_ =	shalt  }
0x7a: {  	_ =	shalt  }
0x7b: {  	_ =	shalt  }
0x7c: {  	_ =	shalt  }
0x7d: {  	_ =	shalt  }
0x7e: {  	_ =	shalt  }
0x7f: {  	_ =	shalt  }
0x80: {  	_ =	shalt  }
0x81: {  	_ =	shalt  }
0x82: {  	_ =	shalt  }
0x83: {  	_ =	shalt  }
0x84: {  	_ =	shalt  }
0x85: {  	_ =	shalt  }
0x86: {  	_ =	shalt  }
0x87: {  	_ =	shalt  }
.Lfunc_end0:
.L_simem_size_0:
called_computation_lowered:
.L_overlay_start_0:
0x88: {  	s2 =	sld [smem:$0x3FD9]  }
0x89: {  	s3 =	sld [smem:$0x3FFE];
	_ =	sdelay $0x1  }
0x8a: {  	s1 =	srdreg.scid  }
0x8b: {  	s0 =	sand.u32 $0x1, s1  }
0x8c: {  	s16 =	sshll.u32 s0, $0xA;
	s2 =	sadd.s32 s3, s2  }
0x8d: {  	s2 =	sadd.s32 s2, s16  }
0x8e: {  	[smem:$0x3FBC] =	sst s2  }
0x8f: {  	_ = 	snop  }
0x90: {  	(tm) =	ssettm $0x1  }
0x91: {  	s17 =	sld [smem:$0x3FFB];
	_ =	sdelay $0x3  }
0x92: {  	_ =	strace s17  }
0x93: {  	s2 =	sld [smem:$0x3FFC];
	_ =	sdelay $0x3  }
0x94: {  	_ =	strace s2  }
0x95: {  	s2 =	sld [smem:$0x3FFD];
	_ =	sdelay $0x3  }
0x96: {  	_ =	strace s2  }
0x97: {  	_ =	strace $0x8FFFFFFF  }
0x98: {  	s18 =	sld [smem:$0x3FDB];
	_ =	sdelay $0x1  }
0x99: {  	s19 =	simm.s32 $_scs_section_size  }
0x9a: {  	s4 =	simm.s32 $_size__tile_overlayer_lowered;
	s5 =	simm.s32 $_tile_overlayer_lowered  }
0x9b: {  	s22 =	simm.s32 $0x1BFF;
	s21 =	sshll.u32 s5, $0x1;
	s2 =	sadd.s32 s19, s18  }
0x9c: {  	s6 =	simm.s32 $0x0;
	s20 =	sshll.u32 s4, $0x1;
	s4 =	sadd.s32 s21, s2  }
0x9d: {  	[timem:s6], [sflag:s22] =	dma.local [hbm:s4], s20  }
0x9e: {  	_ =	swait.ge [sflag:s22], s20  }
0x9f: {  	s3 =	ssub.s32 $0x0, s20;
	[sflag:s22] =	ssyncset.done $0x0  }
0xa0: {  	[sflag:s22] =	ssyncadd.s32 s3;
	_ =	sdelay $0x1  }
0xa1: {  	s23 =	simm.s32 $0x1B8B  }
0xa2: {  	_ =	swait.ge [sflag:s23], $0x1  }
0xa3: {  	[sflag:s23] =	ssyncset.done $0x0  }
0xa4: {  	s25 =	simm.s32 $0x1B8E;
	s24 =	sld [smem:$0x3FFE];
	[sflag:s23] =	ssyncadd.s32 $0xFFFFFFFF  }
0xa5: {  	s26 =	simm.s32 $execute0_lowered;
	[smem:$0x3FD2] =	sst s25  }
0xa6: {  	s4 =	sshll.u32 s26, $0x1;
	_ =	strace $0x80000046;
	[dreg:$0x1] =	wrdreg $0xFFFFFFFF  }
0xa7: {  	s28 =	simm.s32 $_size_execute0_lowered;
	s2 =	sadd.s32 s2, s4;
	[dreg:$0x0] =	wrdreg $0x0  }
0xa8: {  	s4 =	sshll.u32 s28, $0x1;
	[dreg:$0x2] =	wrdreg s2  }
0xa9: {  	[dreg:$0x3] =	wrdreg s4  }
0xaa: {  	[dreg:$0x4] =	wrdreg $0xC0  }
0xab: {  	_ =	task [dreg:s6], $0x5FFFF  }
0xac: {  	[dreg:$0x1] =	wrdreg $0xFFFFFFFF  }
0xad: {  	[dreg:$0x0] =	wrdreg $0x60  }
0xae: {  	[dreg:$0x2] =	wrdreg s24  }
0xaf: {  	[dreg:$0x3] =	wrdreg $0x9  }
0xb0: {  	_ =	task.clear_ibuf [dreg:s6], $0x4FFFF;
	_ =	strace $0x90000046  }
0xb1: {  	s29 =	simm.s32 $0x9;
	_ =	strace $0x80000048  }
0xb2: {  	_ =	swait.ge [sflag:s29], $0x1  }
0xb3: {  	[sflag:s29] =	ssyncadd.s32 $0xFFFFFFFF  }
0xb4: {  	_ =	strace $0x90000048  }
0xb5: {  	_ =	sfence  }
0xb6: {  	s30 =	sld [smem:$0x0];
	_ =	sdelay $0x2  }
0xb7: {  	s31 =	sshll.u32 s1, $0xD;
	s1 =	sshrl.u32 s1, $0x2  }
0xb8: {  	s3 =	sand.u32 $0x4000, s31;
	s1 =	sadd.s32 s1, s30  }
0xb9: {  	s0 =	sor.u32 s3, s0;
	s1 =	sshll.u32 s1, $0x11  }
0xba: {  	s0 =	sor.u32 s1, s0  }
0xbb: {  	s0 =	sadd.s32 $0x8F2B, s0  }
0xbc: {  	[sflag:s0] =	ssyncadd.remote.s32 $0x1  }
0xbd: {  	_ =	sfence.sel $0xFFFF  }
0xbe: {  	[dreg:$0x0] =	wrdreg $0xFFFFFFFF;
	(pc) =	sbr.abs _section_cstart, $3  }
0xbf: {  	[dreg:$0x1] =	wrdreg $0xFFFFFFFF  }
0xc0: {  	_ =	task.clear_ibuf [dreg:s6], $0x2FFFF;
	_ =	strace $0x9FFFFFFF  }
0xc1: {  	(tm) =	ssettm $0x7FFFFFFF  }
tec
execute0_lowered:
.L_overlay_start_1:
0x0: {  	(tag) =	ssettag $0x1  }
0x1: {  	s1 =	srdreg.scid  }
0x2: {  	s0 =	stileid.u32;
	s6 =	rddreg [dreg:$0x0]  }
0x3: {  	s2 =	simm.s32 $0x0;
	s10 =	simm.s32 $0x1;
	s3 =	sand.u32 $0x1, s1  }
0x4: {  	s11 =	simm.s32 $0x4E80;
	s4 =	sshrl.u32 s0, $0x3;
	s5 =	smul.u32 $0x4E800, s3  }
0x5: {  	s12 =	simm.s32 $0x9D00;
	s13 =	simm.s32 $0xC480;
	s7 =	smul.u32 $0x27400, s4  }
0x6: {  	s1 =	rddreg [dreg:$0x1];
	s8 =	sshll.u32 s0, $0x7;
	s28 =	smul.u32 $0x4F000, s3  }
0x7: {  	[smem:$0x7FF] =	sst s2;
	s4 =	smul.u32 $0x13C00, s4;
	s3 =	ssub.s32 $0x2, s3  }
0x8: {  	s8 =	sand.u32 $0x380, s8;
	_ =	strace $0x80000047;
	s29 =	sshrl.u32 s3, $0x1  }
0x9: {  	s5 =	sadd.s32 s5, s7;
	s4 =	sadd.s32 s28, s4;
	s7 =	ssub.s32 s3, s29  }
0xa: {  	s5 =	sor.u32 s8, s5;
	s8 =	sor.u32 s8, s4;
	s7 =	smax.u32 s7, $0x1  }
0xb: {  	s5 =	sshrl.u32 s5, $0x3;
	s9 =	sadd.s32 $0x27800, s8;
	s30 =	sshrl.u32 s8, $0x3  }
0xc: {  	s8 =	simm.s32 $0x80;
	s5 =	sadd.s32 s5, s6;
	s6 =	sadd.s32 $0x29C00, s6  }
0xd: {  	s31 =	sshrl.u32 s9, $0x3;
	s9 =	simm.s32 $0x400;
	s3 =	sadd.s32 $0x2800, s5  }
0xe: {  	v0 =	vimm.f32 $0.0e+00;
	v1 =	vimm.f32 $1.000000000e+00;
	s4 =	sadd.s32 $0x16200, s5;
	s5 =	sadd.s32 s6, s30;
	s6 =	sadd.s32 s6, s31  }
.LBB2_1:
0xf: {  	s14 =	simm.s32 $0x40;
	s15 =	simm.s32 $0x0  }
.LBB2_2:
0x10: {  	p0 =	sne.s32 s14, $0x9C00;
	[tilespmem:s15+$0x9D00] =	vst v0;
	s16 =	smov.u32 s14;
	s14 =	sadd.s32 $0x40, s14  }
.Ltmp0:
0x11: {  	[tilespmem:s15+$0xC480] =	vst v0;
	(pc) =	sbr.rel @p0 .LBB2_2-.Ltmp0, $2  }
0x12: {  	_ =	sdelay $0x2  }
0x13: {  	s15 =	sshra.s32 s16, $0x2  }
0x14: {  	[tilespmem:s15+$0x9D00] =	vst v0  }
0x15: {  	[tilespmem:s15+$0xC480] =	vst v0;
	s14 =	simm.s32 $0x0  }
0x16: {  	[tilespmem:s14], [sflag:$0x1] =	stream.strided.gather [hbm4b:s3+s8], $0x4E80, s9, s8, $0x38;
	[tilespmem:$0xEC00] =	vst v63  }
0x17: {  	_ =	swait.ge [sflag:s10], $0x4E80  }
0x18: {  	[sflag:s10] =	ssyncset.done $0x0  }
0x19: {  	[sflag:s10] =	ssyncadd.s32 $0xFFFFB180  }
0x1a: {  	[tilespmem:s11], [sflag:$0x1] =	stream.strided.gather [hbm4b:s4+s8], $0x4E80, s9, s8, $0x38;
	[tilespmem:$0xEC00] =	vst v63  }
0x1b: {  	_ =	swait.ge [sflag:s10], $0x4E80  }
0x1c: {  	[sflag:s10] =	ssyncset.done $0x0  }
0x1d: {  	s15 =	simm.s32 $0x0;
	s14 =	simm.s32 $0x40;
	[sflag:s10] =	ssyncadd.s32 $0xFFFFB180  }
.LBB2_4:
0x1e: {  	p0 =	sne.s32 s14, $0x13840;
	v2 =	vld [tilespmem:s15+$0x0];
	_ =	sdelay $0x7  }
0x1f: {  	[tilespmem:v2+s12+$0x0] =	vst.idx.add.f32.msk $0xffff, v1  }
0x20: {  	v2 =	vld [tilespmem:s15+$0x4E80];
	_ =	sdelay $0x3  }
.Ltmp1:
0x21: {  	(pc) =	sbr.rel @p0 .LBB2_4-.Ltmp1, $2  }
0x22: {  	_ =	sdelay $0x2  }
0x23: {  	s15 =	sshra.s32 s14, $0x2;
	s14 =	sadd.s32 $0x40, s14;
	[tilespmem:v2+s13+$0x0] =	vst.idx.add.f32.msk $0xffff, v1  }
0x24: {  	v2 =	vld [tilespmem:s15+$0x0];
	_ =	sdelay $0x7  }
0x25: {  	[tilespmem:v2+s12+$0x0] =	vst.idx.add.f32.msk $0xffff, v1  }
0x26: {  	v2 =	vld [tilespmem:s15+$0x4E80];
	_ =	sdelay $0x7  }
0x27: {  	[tilespmem:v2+s13+$0x0] =	vst.idx.add.f32.msk $0xffff, v1  }
0x28: {  	[hbm4b:s5+s8] =	stream.strided.scatter [tilespmem:s12], [sflag:$0x1], $0x2780, s9, s8, $0x38;
	[tilespmem:$0xEC00] =	vst v63  }
0x29: {  	s2 =	sadd.s32 $0x1, s2;
	_ =	swait.ge [sflag:s10], $0x2780  }
0x2a: {  	p0 =	sne.s32 s2, s7;
	[sflag:s10] =	ssyncset.done $0x0  }
.Ltmp2:
0x2b: {  	[sflag:s10] =	ssyncadd.s32 $0xFFFFD880;
	(pc) =	sbr.rel @p0 .LBB2_1-.Ltmp2, $4  }
0x2c: {  	[hbm4b:s6+s8] =	stream.strided.scatter [tilespmem:s13], [sflag:$0x1], $0x2780, s9, s8, $0x38;
	[tilespmem:$0xEC00] =	vst v63  }
0x2d: {  	_ =	swait.ge [sflag:s10], $0x2780  }
0x2e: {  	[sflag:s10] =	ssyncset.done $0x0  }
0x2f: {  	[sflag:s10] =	ssyncadd.s32 $0xFFFFD880  }
0x30: {  	_ =	sfence.sel $0x180000  }
0x31: {  	[bflag:$0x0] =	sbarrier.arrive $0xFFFF  }
0x32: {  	p0 =	sne.s32 s0, $0x0;
	_ =	strace $0x90000047  }
0x33: {  	s0 =	sadd.s32 @!p0 $0x100000, s1;
	[bflag:$0x2] =	sbarrier.arrive $0xFFFF  }
0x34: {  	[sflag:s0] =	ssyncadd.tile.s32 @!p0 $0x1;
	_ =	shalt  }
.Lfunc_end2:
_tile_overlayer_lowered:
.L_overlay_start_2:
0x35: {  	(tag) =	ssettag $0x2  }
0x36: {  	s0 =	rddreg [dreg:$0x0];
	s2 =	stileid.u32  }
0x37: {  	s1 =	rddreg [dreg:$0x1];
	p0 =	sne.s32 s2, $0x0  }
0x38: {  	s3 =	rddreg [dreg:$0x2];
	[bflag:$0x3] =	sbarrier.arrive $0xFFFF;
	s2 =	simm.s32 @!p0 $0x1C01  }
0x39: {  	[timem:s3], [sflag:s2] =	dma.local @!p0 [hbm:s0], s1  }
0x3a: {  	s0 =	simm.s32 @!p0 $0x1  }
0x3b: {  	_ =	swait.ge @!p0 [sflag:s0], s1  }
0x3c: {  	s1 =	ssub.s32 @!p0 $0x0, s1;
	[sflag:s0] =	ssyncset.done @!p0 $0x0  }
0x3d: {  	[sflag:s0] =	ssyncadd.s32 @!p0 s1  }
0x3e: {  	[bflag:$0x3] =	sbarrier.arrive $0xFFFF  }
0x3f: {  	_ =	shalt  }

</sc_bundles>
